<compile_context>
chip_gen: v7x
topology: tpu7x:2x2x1
jax: 0.10.2.dev20260603
libtpu: 0.0.44.dev20260713+nightly
codegen_flags: <defaults>
</compile_context>

<pallas_src>
import functools

import jax
import jax.numpy as jnp
from jax import lax
from jax.experimental import pallas as pl
from jax.experimental.pallas import tpu as pltpu
from jax.experimental.pallas import tpu_sc as plsc

_NC = 2
_NS = 16
_NW = _NC * _NS
_CHUNK = 1024
_L = 16

_DNUMS = lax.GatherDimensionNumbers(
    offset_dims=(), collapsed_slice_dims=(0,), start_index_map=(0,))


def _perm(v, pidx):
    return lax.gather(v, pidx[:, None], _DNUMS, slice_sizes=(1,),
                      mode=lax.GatherScatterMode.PROMISE_IN_BOUNDS)


def _allsum(v, lanes):
    for k in (1, 2, 4, 8):
        v = v + _perm(v, lanes ^ k)
    return v


def _rsqrt(v):
    i = lax.bitcast_convert_type(v, jnp.int32)
    i = jnp.int32(0x5F3759DF) - lax.shift_right_logical(i, 1)
    y = lax.bitcast_convert_type(i, jnp.float32)
    half_v = 0.5 * v
    for _ in range(2):
        y = y * (1.5 - half_v * y * y)
    return y


def _sqrt_pos(v):
    vs = jnp.maximum(v, jnp.float32(1e-30))
    return vs * _rsqrt(vs)


def _jacobi_rotate(Am, Vm, p, q):
    r = 3 - p - q
    app, aqq, apq = Am[p][p], Am[q][q], Am[p][q]
    apr, aqr = Am[p][r], Am[q][r]

    apq_zero = apq == 0.0
    apq_safe = jnp.where(apq_zero, jnp.float32(1.0), apq)
    tau = (aqq - app) * 0.5 / apq_safe
    tau = jnp.maximum(jnp.minimum(tau, jnp.float32(1e18)), jnp.float32(-1e18))
    sgn = jnp.where(tau >= 0.0, jnp.float32(1.0), jnp.float32(-1.0))
    t = sgn / (jnp.abs(tau) + _sqrt_pos(1.0 + tau * tau))
    t = jnp.where(apq_zero, jnp.float32(0.0), t)
    c = _rsqrt(1.0 + t * t)
    s = t * c

    Am[p][p] = app - t * apq
    Am[q][q] = aqq + t * apq
    zero = apq * 0.0
    Am[p][q] = zero
    Am[q][p] = zero
    npr = c * apr - s * aqr
    nqr = c * aqr + s * apr
    Am[p][r] = npr
    Am[r][p] = npr
    Am[q][r] = nqr
    Am[r][q] = nqr
    for i in range(3):
        vip, viq = Vm[i][p], Vm[i][q]
        Vm[i][p] = c * vip - s * viq
        Vm[i][q] = s * vip + c * viq


def _sc_encoder(t3, idx, n_clusts, S):
    B = idx.shape[0] * idx.shape[1]
    N = t3.shape[2]
    b_per_w = B // _NW
    n_chunks = b_per_w // _CHUNK
    n_vec = b_per_w // _L
    n_stage = N // _NS
    clusts_per_core = n_clusts // _NC

    mesh = plsc.VectorSubcoreMesh(core_axis_name="c", subcore_axis_name="s")

    @functools.partial(
        pl.kernel,
        mesh=mesh,
        out_type=jax.ShapeDtypeStruct((n_clusts * 16,), jnp.float32),
        scratch_types=[
            pltpu.VMEM_SHARED((N,), jnp.float32),
            pltpu.VMEM_SHARED((N,), jnp.float32),
            pltpu.VMEM_SHARED((N,), jnp.float32),
            pltpu.VMEM_SHARED((_NS * _L,), jnp.float32),
            pltpu.VMEM_SHARED((_NS * _L,), jnp.float32),
            pltpu.VMEM((1, b_per_w), jnp.int32),
            pltpu.VMEM((b_per_w,), jnp.float32),
            pltpu.VMEM((b_per_w,), jnp.float32),
            pltpu.VMEM((b_per_w,), jnp.float32),
            pltpu.VMEM((_L,), jnp.float32),
            pltpu.VMEM((_L,), jnp.float32),
            pltpu.VMEM((_L,), jnp.float32),
            pltpu.SemaphoreType.DMA,
        ],
    )
    def enc_kernel(t3_hbm, idx_hbm, out,
                   spx, spy, spz, sh1, sh2, idx_v, bx, by, bz,
                   exbuf, pbuf, rowbuf, sem):
        cid = lax.axis_index("c")
        sid = lax.axis_index("s")
        wid = cid * _NS + sid
        base = wid * b_per_w
        st = sid * n_stage
        stage = [
            pltpu.async_copy(t3_hbm.at[0, 0, pl.ds(st, n_stage)],
                             spx.at[pl.ds(st, n_stage)], sem),
            pltpu.async_copy(t3_hbm.at[1, 0, pl.ds(st, n_stage)],
                             spy.at[pl.ds(st, n_stage)], sem),
            pltpu.async_copy(t3_hbm.at[2, 0, pl.ds(st, n_stage)],
                             spz.at[pl.ds(st, n_stage)], sem),
        ]
        pltpu.sync_copy(
            idx_hbm.at[pl.ds(wid // 2, 1), pl.ds((wid % 2) * b_per_w, b_per_w)],
            idx_v)
        for cp in stage:
            cp.wait()
        plsc.subcore_barrier()
        copies = []
        for tab, buf in ((spx, bx), (spy, by), (spz, bz)):
            per = []
            for j in range(n_chunks):
                sl = pl.ds(j * _CHUNK, _CHUNK)
                per.append(pltpu.async_copy(tab.at[idx_v.at[0, sl]],
                                            buf.at[sl], sem))
            copies.append(per)

        zeros = jnp.zeros((_L,), jnp.float32)

        def pA(i, acc):
            sx, sxx = acc
            lx = bx[pl.ds(i * _L, _L)]
            return (sx + lx, sxx + lx * lx)

        def pB(i, acc):
            sy, syy, sxy = acc
            sl = pl.ds(i * _L, _L)
            lx = bx[sl]
            ly = by[sl]
            return (sy + ly, syy + ly * ly, sxy + lx * ly)

        def pC(i, acc):
            sz, szz, sxz, syz = acc
            sl = pl.ds(i * _L, _L)
            lx = bx[sl]
            ly = by[sl]
            lz = bz[sl]
            return (sz + lz, szz + lz * lz, sxz + lx * lz, syz + ly * lz)

        for cp in copies[0]:
            cp.wait()
        accA = lax.fori_loop(0, n_vec, pA, (zeros,) * 2)
        for cp in copies[1]:
            cp.wait()
        accB = lax.fori_loop(0, n_vec, pB, (zeros,) * 3)
        for cp in copies[2]:
            cp.wait()
        accC = lax.fori_loop(0, n_vec, pC, (zeros,) * 4)
        acc = (accA[0], accB[0], accC[0], accA[1], accB[1], accC[1],
               accB[2], accC[2], accC[3])

        lanes = lax.iota(jnp.int32, _L)
        ex = jnp.zeros((_L,), jnp.float32)
        for k in range(9):
            ex = jnp.where(lanes == k, _allsum(acc[k], lanes), ex)
        exbuf[...] = ex
        pltpu.sync_copy(exbuf, sh1.at[pl.ds(sid * _L, _L)])
        plsc.subcore_barrier()
        pltpu.sync_copy(sh1.at[pl.ds((sid ^ 1) * _L, _L)], pbuf)
        tot = ex + pbuf[...]

        def lane(k):
            return _perm(tot, jnp.full((_L,), k, jnp.int32))

        fS = jnp.float32(float(S))
        inv = jnp.float32(1.0 / S)
        cx = lane(0) * inv
        cy = lane(1) * inv
        cz = lane(2) * inv
        axx = lane(3) - fS * cx * cx
        ayy = lane(4) - fS * cy * cy
        azz = lane(5) - fS * cz * cz
        axy = lane(6) - fS * cx * cy
        axz = lane(7) - fS * cx * cz
        ayz = lane(8) - fS * cy * cz

        Am = [[axx, axy, axz], [axy, ayy, ayz], [axz, ayz, azz]]
        one = jnp.ones((_L,), jnp.float32)
        zer = jnp.zeros((_L,), jnp.float32)
        Vm = [[one, zer, zer], [zer, one, zer], [zer, zer, one]]
        for _ in range(3):
            _jacobi_rotate(Am, Vm, 0, 1)
            _jacobi_rotate(Am, Vm, 0, 2)
            _jacobi_rotate(Am, Vm, 1, 2)

        wa, wb, wc = Am[0][0], Am[1][1], Am[2][2]
        w2 = jnp.maximum(jnp.maximum(wa, wb), wc)
        w0 = jnp.minimum(jnp.minimum(wa, wb), wc)
        w1 = wa + wb + wc - w2 - w0
        onev = jnp.float32(1.0)
        zerov = jnp.float32(0.0)
        fa = (jnp.where(wa >= wb, onev, zerov)
              * jnp.where(wa >= wc, onev, zerov))
        fb = (onev - fa) * jnp.where(wb >= wc, onev, zerov)
        fc = onev - fa - fb
        v2x = fa * Vm[0][0] + fb * Vm[0][1] + fc * Vm[0][2]
        v2y = fa * Vm[1][0] + fb * Vm[1][1] + fc * Vm[1][2]
        v2z = fa * Vm[2][0] + fb * Vm[2][1] + fc * Vm[2][2]
        dirwt = 1.0 - w1 / w2
        iw2 = 1.0 / w2

        def p2_body(i, sacc):
            sl = pl.ds(i * _L, _L)
            xc = bx[sl] - cx
            yc = by[sl] - cy
            zc = bz[sl] - cz
            x0 = xc * v2x + yc * v2y + zc * v2z
            rr = xc * xc + yc * yc + zc * zc - x0 * x0
            np0 = _sqrt_pos(rr)
            return sacc + x0 * np0

        sacc = lax.fori_loop(0, n_vec, p2_body, zeros)
        scv = _allsum(sacc, lanes)
        exbuf[...] = scv
        pltpu.sync_copy(exbuf, sh2.at[pl.ds(sid * _L, _L)])
        plsc.subcore_barrier()
        pltpu.sync_copy(sh2.at[pl.ds((sid ^ 1) * _L, _L)], pbuf)
        sc_v = scv + pbuf[...]

        @pl.when(sid % 2 == 0)
        def _():
            flip = jnp.where(sc_v < 0.0, -dirwt, dirwt)
            v0x = flip * v2x
            v0y = flip * v2y
            v0z = flip * v2z
            vals = [cx, cy, cz,
                    axx * iw2, axy * iw2, axz * iw2,
                    axy * iw2, ayy * iw2, ayz * iw2,
                    axz * iw2, ayz * iw2, azz * iw2,
                    v0x, v0y, v0z, jnp.full((_L,), fS, jnp.float32)]
            row = jnp.zeros((_L,), jnp.float32)
            for k, v in enumerate(vals):
                row = jnp.where(lanes == k, v, row)
            rowbuf[...] = row
            cluster = cid * clusts_per_core + sid // 2
            pltpu.sync_copy(rowbuf, out.at[pl.ds(cluster * 16, 16)])

    return enc_kernel(t3, idx)


def kernel(data, clusts):
    n_clusts, S = clusts.shape
    voxels = data[:, 0:3].astype(jnp.float32)
    t3 = voxels.T.reshape(3, 1, -1)
    idx = clusts.astype(jnp.int32)
    feats = _sc_encoder(t3, idx, n_clusts, S)
    return feats.reshape(n_clusts, 16)

# --- scband reference (transcript-rebuilt; emitter-appended) ---
"""Pipeline reference for scband-clust-geo-node-encoder-15169824489855 (READ-ONLY COPY).

The authoritative reference and input builder live on the scoring server;
editing this copy changes nothing except your own understanding.
"""

import jax, jax.numpy as jnp
import numpy as np

# Column conventions assumed for the (undefined) globals in the original module:
# COORD_COLS = [0, 1, 2]; VALUE_COL = 3; SHAPE_COL = 4

N_VOXELS = 32768
N_CLUSTS = 16
CLUST_SIZE = 2048


def setup_inputs(seed: int = 0) -> dict:
    key = jax.random.key(seed)
    k1, k2 = jax.random.split(key)
    data = jax.random.normal(k1, (N_VOXELS, 5), dtype=jnp.float32)
    clusts = jax.random.randint(k2, (N_CLUSTS, CLUST_SIZE), 0, N_VOXELS, dtype=jnp.int64)
    return {"data": data, "clusts": clusts}


def _cluster_feats(x):
    # x: [S, 3] voxel coordinates of one cluster (S >= 2)
    S = x.shape[0]
    center = x.mean(axis=0)
    xc = x - center
    A = xc.T @ xc                      # [3, 3] scatter matrix
    w, v = jnp.linalg.eigh(A)          # ascending eigenvalues, like torch.linalg.eigh
    dirwt = 1.0 - w[1] / w[2]
    B = A / w[2]
    v0 = v[:, 2]                       # principal axis
    x0 = xc @ v0                       # [S]
    xp0 = xc - jnp.outer(x0, v0)       # component orthogonal to principal axis
    np0 = jnp.linalg.norm(xp0, axis=1)
    sc = jnp.dot(x0, np0)
    v0 = jnp.where(sc < 0, -v0, v0)    # sign-fix the principal axis
    v0 = dirwt * v0
    size = jnp.array([S], dtype=x.dtype)
    return jnp.concatenate([center, B.reshape(-1), v0, size])  # 3 + 9 + 3 + 1 = 16


def reference(data, clusts):
    voxels = data[:, 0:3].astype(jnp.float32)   # COORD_COLS
    xs = jnp.take(voxels, clusts, axis=0)       # [n_clusts, S, 3] ragged gather
    feats = jax.vmap(_cluster_feats)(xs)        # [n_clusts, 16]
    return feats

if __name__ == "__main__":
    import jax
    _d = setup_inputs()
    print(jax.jit(kernel)(*tuple(_d.values())))

</pallas_src>

<mosaic_0001>
#map = affine_map<(d0, d1) -> (0, 0, 0)>
#map1 = affine_map<(d0, d1) -> (0, 0)>
#map2 = affine_map<(d0, d1) -> (0)>
module attributes {stable_mosaic.version = 14 : i64} {
  func.func @enc_kernel(%arg0: i32, %arg1: i32, %arg2: memref<3x1x32768xf32, #tpu.memory_space<hbm>>, %arg3: memref<16x2048xi32, #tpu.memory_space<hbm>>, %arg4: memref<256xf32, #tpu.memory_space<hbm>>, %arg5: memref<32768xf32, #tpu.memory_space<vmem_shared>>, %arg6: memref<32768xf32, #tpu.memory_space<vmem_shared>>, %arg7: memref<32768xf32, #tpu.memory_space<vmem_shared>>, %arg8: memref<256xf32, #tpu.memory_space<vmem_shared>>, %arg9: memref<256xf32, #tpu.memory_space<vmem_shared>>, %arg10: memref<1x1024xi32, #tpu.memory_space<vmem>>, %arg11: memref<1024xf32, #tpu.memory_space<vmem>>, %arg12: memref<1024xf32, #tpu.memory_space<vmem>>, %arg13: memref<1024xf32, #tpu.memory_space<vmem>>, %arg14: memref<16xf32, #tpu.memory_space<vmem>>, %arg15: memref<16xf32, #tpu.memory_space<vmem>>, %arg16: memref<16xf32, #tpu.memory_space<vmem>>, %arg17: memref<!tpu.dma_semaphore, #tpu.memory_space<semaphore_mem>>) attributes {dimension_semantics = [#tpu.dimension_semantics<core_parallel>, #tpu.dimension_semantics<subcore_parallel>], iteration_bounds = array<i64: 2, 16>, scalar_prefetch = 0 : i64, scratch_operands = 13 : i64, tpu.core_type = #tpu.core_type<sc_vector_subcore>, window_params = [{transform_indices = #map}, {transform_indices = #map1}, {transform_indices = #map2}]} {
    %mul3A = arith.constant 16 : i32
    %mul3A_0 = arith.muli %arg0, %mul3A : i32
    %add3A = arith.addi %mul3A_0, %arg1 : i32
    %mul3A_1 = arith.constant 1024 : i32
    %mul3A_2 = arith.muli %add3A, %mul3A_1 : i32
    %mul3A_3 = arith.constant 2048 : i32
    %mul3A_4 = arith.muli %arg1, %mul3A_3 : i32
    %dma_start3A = arith.constant 0 : i32
    %dma_start3A_5 = arith.constant 0 : i32
    %dma_start3A_6 = tpu.memref_slice %arg5[%mul3A_4] : memref<32768xf32, #tpu.memory_space<vmem_shared>> -> memref<2048xf32, #tpu.memory_space<vmem_shared>>
    %dma_start3A_7 = tpu.memref_slice %arg2[%dma_start3A, %dma_start3A_5, %mul3A_4] : memref<3x1x32768xf32, #tpu.memory_space<hbm>> -> memref<1x1x2048xf32, #tpu.memory_space<hbm>>
    %dma_start3A_8 = tpu.memref_squeeze %dma_start3A_7 : memref<1x1x2048xf32, #tpu.memory_space<hbm>> -> memref<2048xf32, #tpu.memory_space<hbm>>
    tpu.enqueue_dma source(%dma_start3A_8 : memref<2048xf32, #tpu.memory_space<hbm>>) target(%dma_start3A_6 : memref<2048xf32, #tpu.memory_space<vmem_shared>>) target_semaphore(%arg17 : memref<!tpu.dma_semaphore, #tpu.memory_space<semaphore_mem>>)
    %dma_start3A_9 = arith.constant 1 : i32
    %dma_start3A_10 = arith.constant 0 : i32
    %dma_start3A_11 = tpu.memref_slice %arg6[%mul3A_4] : memref<32768xf32, #tpu.memory_space<vmem_shared>> -> memref<2048xf32, #tpu.memory_space<vmem_shared>>
    %dma_start3A_12 = tpu.memref_slice %arg2[%dma_start3A_9, %dma_start3A_10, %mul3A_4] : memref<3x1x32768xf32, #tpu.memory_space<hbm>> -> memref<1x1x2048xf32, #tpu.memory_space<hbm>>
    %dma_start3A_13 = tpu.memref_squeeze %dma_start3A_12 : memref<1x1x2048xf32, #tpu.memory_space<hbm>> -> memref<2048xf32, #tpu.memory_space<hbm>>
    tpu.enqueue_dma source(%dma_start3A_13 : memref<2048xf32, #tpu.memory_space<hbm>>) target(%dma_start3A_11 : memref<2048xf32, #tpu.memory_space<vmem_shared>>) target_semaphore(%arg17 : memref<!tpu.dma_semaphore, #tpu.memory_space<semaphore_mem>>)
    %dma_start3A_14 = arith.constant 2 : i32
    %dma_start3A_15 = arith.constant 0 : i32
    %dma_start3A_16 = tpu.memref_slice %arg7[%mul3A_4] : memref<32768xf32, #tpu.memory_space<vmem_shared>> -> memref<2048xf32, #tpu.memory_space<vmem_shared>>
    %dma_start3A_17 = tpu.memref_slice %arg2[%dma_start3A_14, %dma_start3A_15, %mul3A_4] : memref<3x1x32768xf32, #tpu.memory_space<hbm>> -> memref<1x1x2048xf32, #tpu.memory_space<hbm>>
    %dma_start3A_18 = tpu.memref_squeeze %dma_start3A_17 : memref<1x1x2048xf32, #tpu.memory_space<hbm>> -> memref<2048xf32, #tpu.memory_space<hbm>>
    tpu.enqueue_dma source(%dma_start3A_18 : memref<2048xf32, #tpu.memory_space<hbm>>) target(%dma_start3A_16 : memref<2048xf32, #tpu.memory_space<vmem_shared>>) target_semaphore(%arg17 : memref<!tpu.dma_semaphore, #tpu.memory_space<semaphore_mem>>)
    %jit3A = arith.constant 2 : i32
    %div3A = arith.divsi %add3A, %jit3A : i32
    %sign3A = arith.constant 0 : i32
    %sign3A_19 = arith.cmpi sgt, %add3A, %sign3A : i32
    %sign3A_20 = arith.extui %sign3A_19 : i1 to i32
    %sign3A_21 = arith.constant 0 : i32
    %sign3A_22 = arith.cmpi slt, %add3A, %sign3A_21 : i32
    %sign3A_23 = arith.extui %sign3A_22 : i1 to i32
    %sign3A_24 = arith.subi %sign3A_20, %sign3A_23 : i32
    %sign3A_25 = arith.constant 0 : i32
    %sign3A_26 = arith.cmpi sgt, %jit3A, %sign3A_25 : i32
    %sign3A_27 = arith.extui %sign3A_26 : i1 to i32
    %sign3A_28 = arith.constant 0 : i32
    %sign3A_29 = arith.cmpi slt, %jit3A, %sign3A_28 : i32
    %sign3A_30 = arith.extui %sign3A_29 : i1 to i32
    %sign3A_31 = arith.subi %sign3A_27, %sign3A_30 : i32
    %ne3A = arith.cmpi ne, %sign3A_24, %sign3A_31 : i32
    %rem3A = arith.remsi %add3A, %jit3A : i32
    %ne3A_32 = arith.constant 0 : i32
    %ne3A_33 = arith.cmpi ne, %rem3A, %ne3A_32 : i32
    %and3A = arith.andi %ne3A, %ne3A_33 : i1
    %sub3A = arith.constant 1 : i32
    %sub3A_34 = arith.subi %div3A, %sub3A : i32
    %select_n3A = arith.select %and3A, %sub3A_34, %div3A : i32
    %jit3A_35 = arith.constant 2 : i32
    %eq3A = arith.constant 0 : i32
    %eq3A_36 = arith.cmpi eq, %jit3A_35, %eq3A : i32
    %jit3A_37 = arith.constant 1 : i32
    %select_n3A_38 = arith.select %eq3A_36, %jit3A_37, %jit3A_35 : i32
    %rem3A_39 = arith.remsi %add3A, %select_n3A_38 : i32
    %ne3A_40 = arith.constant 0 : i32
    %ne3A_41 = arith.cmpi ne, %rem3A_39, %ne3A_40 : i32
    %lt3A = arith.constant 0 : i32
    %lt3A_42 = arith.cmpi slt, %rem3A_39, %lt3A : i32
    %lt3A_43 = arith.constant 0 : i32
    %lt3A_44 = arith.cmpi slt, %select_n3A_38, %lt3A_43 : i32
    %ne3A_45 = arith.xori %lt3A_42, %lt3A_44 : i1
    %and3A_46 = arith.andi %ne3A_45, %ne3A_41 : i1
    %add3A_47 = arith.addi %rem3A_39, %select_n3A_38 : i32
    %select_n3A_48 = arith.select %and3A_46, %add3A_47, %rem3A_39 : i32
    %mul3A_49 = arith.constant 1024 : i32
    %mul3A_50 = arith.muli %select_n3A_48, %mul3A_49 : i32
    "tpu.region"() ({
      %run_scoped3A = tpu.sem_alloc : memref<!tpu.dma_semaphore, #tpu.memory_space<semaphore_mem>>
      %dma_start3A_1729 = tpu.memref_slice %arg3[%select_n3A, %mul3A_50] : memref<16x2048xi32, #tpu.memory_space<hbm>> -> memref<1x1024xi32, #tpu.memory_space<hbm>>
      %dma_start3A_1730 = tpu.memref_slice %arg3[%select_n3A, %mul3A_50] : memref<16x2048xi32, #tpu.memory_space<hbm>> -> memref<1x1024xi32, #tpu.memory_space<hbm>>
      tpu.enqueue_dma source(%dma_start3A_1730 : memref<1x1024xi32, #tpu.memory_space<hbm>>) target(%arg10 : memref<1x1024xi32, #tpu.memory_space<vmem>>) target_semaphore(%run_scoped3A : memref<!tpu.dma_semaphore, #tpu.memory_space<semaphore_mem>>)
      %dma_wait3A_1731 = tpu.memref_slice %arg3[%select_n3A, %mul3A_50] : memref<16x2048xi32, #tpu.memory_space<hbm>> -> memref<1x1024xi32, #tpu.memory_space<hbm>>
      %dma_wait3A_1732 = tpu.memref_slice %arg3[%select_n3A, %mul3A_50] : memref<16x2048xi32, #tpu.memory_space<hbm>> -> memref<1x1024xi32, #tpu.memory_space<hbm>>
      tpu.wait_dma2 semaphore(%run_scoped3A : memref<!tpu.dma_semaphore, #tpu.memory_space<semaphore_mem>>) src(%dma_wait3A_1732 : memref<1x1024xi32, #tpu.memory_space<hbm>>) dst(%arg10 : memref<1x1024xi32, #tpu.memory_space<vmem>>)
      tpu.yield
    }) : () -> ()
    %dma_wait3A = arith.constant 0 : i32
    %dma_wait3A_51 = arith.constant 0 : i32
    %dma_wait3A_52 = tpu.memref_slice %arg5[%mul3A_4] : memref<32768xf32, #tpu.memory_space<vmem_shared>> -> memref<2048xf32, #tpu.memory_space<vmem_shared>>
    %dma_wait3A_53 = tpu.memref_slice %arg2[%dma_wait3A, %dma_wait3A_51, %mul3A_4] : memref<3x1x32768xf32, #tpu.memory_space<hbm>> -> memref<1x1x2048xf32, #tpu.memory_space<hbm>>
    %dma_wait3A_54 = tpu.memref_squeeze %dma_wait3A_53 : memref<1x1x2048xf32, #tpu.memory_space<hbm>> -> memref<2048xf32, #tpu.memory_space<hbm>>
    tpu.wait_dma2 semaphore(%arg17 : memref<!tpu.dma_semaphore, #tpu.memory_space<semaphore_mem>>) src(%dma_wait3A_54 : memref<2048xf32, #tpu.memory_space<hbm>>) dst(%dma_wait3A_52 : memref<2048xf32, #tpu.memory_space<vmem_shared>>)
    %dma_wait3A_55 = arith.constant 1 : i32
    %dma_wait3A_56 = arith.constant 0 : i32
    %dma_wait3A_57 = tpu.memref_slice %arg6[%mul3A_4] : memref<32768xf32, #tpu.memory_space<vmem_shared>> -> memref<2048xf32, #tpu.memory_space<vmem_shared>>
    %dma_wait3A_58 = tpu.memref_slice %arg2[%dma_wait3A_55, %dma_wait3A_56, %mul3A_4] : memref<3x1x32768xf32, #tpu.memory_space<hbm>> -> memref<1x1x2048xf32, #tpu.memory_space<hbm>>
    %dma_wait3A_59 = tpu.memref_squeeze %dma_wait3A_58 : memref<1x1x2048xf32, #tpu.memory_space<hbm>> -> memref<2048xf32, #tpu.memory_space<hbm>>
    tpu.wait_dma2 semaphore(%arg17 : memref<!tpu.dma_semaphore, #tpu.memory_space<semaphore_mem>>) src(%dma_wait3A_59 : memref<2048xf32, #tpu.memory_space<hbm>>) dst(%dma_wait3A_57 : memref<2048xf32, #tpu.memory_space<vmem_shared>>)
    %dma_wait3A_60 = arith.constant 2 : i32
    %dma_wait3A_61 = arith.constant 0 : i32
    %dma_wait3A_62 = tpu.memref_slice %arg7[%mul3A_4] : memref<32768xf32, #tpu.memory_space<vmem_shared>> -> memref<2048xf32, #tpu.memory_space<vmem_shared>>
    %dma_wait3A_63 = tpu.memref_slice %arg2[%dma_wait3A_60, %dma_wait3A_61, %mul3A_4] : memref<3x1x32768xf32, #tpu.memory_space<hbm>> -> memref<1x1x2048xf32, #tpu.memory_space<hbm>>
    %dma_wait3A_64 = tpu.memref_squeeze %dma_wait3A_63 : memref<1x1x2048xf32, #tpu.memory_space<hbm>> -> memref<2048xf32, #tpu.memory_space<hbm>>
    tpu.wait_dma2 semaphore(%arg17 : memref<!tpu.dma_semaphore, #tpu.memory_space<semaphore_mem>>) src(%dma_wait3A_64 : memref<2048xf32, #tpu.memory_space<hbm>>) dst(%dma_wait3A_62 : memref<2048xf32, #tpu.memory_space<vmem_shared>>)
    %barrier3A = arith.constant 0 : index
    tpu.barrier barrier_id(%barrier3A)
    %dma_start3A_65 = arith.constant 0 : i32
    %dma_start3A_66 = arith.constant 0 : i32
    %dma_start3A_67 = tpu.memref_slice %arg11[%dma_start3A_66] : memref<1024xf32, #tpu.memory_space<vmem>> -> memref<1024xf32, #tpu.memory_space<vmem>>
    %dma_start3A_68 = arith.constant 0 : i32
    %dma_start3A_69 = tpu.memref_slice %arg10[%dma_start3A_65, %dma_start3A_68] : memref<1x1024xi32, #tpu.memory_space<vmem>> -> memref<1x1024xi32, #tpu.memory_space<vmem>>
    %dma_start3A_70 = tpu.memref_squeeze %dma_start3A_69 : memref<1x1024xi32, #tpu.memory_space<vmem>> -> memref<1024xi32, #tpu.memory_space<vmem>>
    %dma_start3A_71 = arith.constant 0 : i32
    %dma_start3A_72 = tpu.memref_slice %arg5[%dma_start3A_71] : memref<32768xf32, #tpu.memory_space<vmem_shared>> -> memref<32768xf32, #tpu.memory_space<vmem_shared>>
    tpu.enqueue_indirect_dma source(%dma_start3A_72 : memref<32768xf32, #tpu.memory_space<vmem_shared>>) target(%dma_start3A_67 : memref<1024xf32, #tpu.memory_space<vmem>>) offsets(%dma_start3A_70 : memref<1024xi32, #tpu.memory_space<vmem>>) semaphore(%arg17 : memref<!tpu.dma_semaphore, #tpu.memory_space<semaphore_mem>>)
    %dma_start3A_73 = arith.constant 0 : i32
    %dma_start3A_74 = arith.constant 0 : i32
    %dma_start3A_75 = tpu.memref_slice %arg12[%dma_start3A_74] : memref<1024xf32, #tpu.memory_space<vmem>> -> memref<1024xf32, #tpu.memory_space<vmem>>
    %dma_start3A_76 = arith.constant 0 : i32
    %dma_start3A_77 = tpu.memref_slice %arg10[%dma_start3A_73, %dma_start3A_76] : memref<1x1024xi32, #tpu.memory_space<vmem>> -> memref<1x1024xi32, #tpu.memory_space<vmem>>
    %dma_start3A_78 = tpu.memref_squeeze %dma_start3A_77 : memref<1x1024xi32, #tpu.memory_space<vmem>> -> memref<1024xi32, #tpu.memory_space<vmem>>
    %dma_start3A_79 = arith.constant 0 : i32
    %dma_start3A_80 = tpu.memref_slice %arg6[%dma_start3A_79] : memref<32768xf32, #tpu.memory_space<vmem_shared>> -> memref<32768xf32, #tpu.memory_space<vmem_shared>>
    tpu.enqueue_indirect_dma source(%dma_start3A_80 : memref<32768xf32, #tpu.memory_space<vmem_shared>>) target(%dma_start3A_75 : memref<1024xf32, #tpu.memory_space<vmem>>) offsets(%dma_start3A_78 : memref<1024xi32, #tpu.memory_space<vmem>>) semaphore(%arg17 : memref<!tpu.dma_semaphore, #tpu.memory_space<semaphore_mem>>)
    %dma_start3A_81 = arith.constant 0 : i32
    %dma_start3A_82 = arith.constant 0 : i32
    %dma_start3A_83 = tpu.memref_slice %arg13[%dma_start3A_82] : memref<1024xf32, #tpu.memory_space<vmem>> -> memref<1024xf32, #tpu.memory_space<vmem>>
    %dma_start3A_84 = arith.constant 0 : i32
    %dma_start3A_85 = tpu.memref_slice %arg10[%dma_start3A_81, %dma_start3A_84] : memref<1x1024xi32, #tpu.memory_space<vmem>> -> memref<1x1024xi32, #tpu.memory_space<vmem>>
    %dma_start3A_86 = tpu.memref_squeeze %dma_start3A_85 : memref<1x1024xi32, #tpu.memory_space<vmem>> -> memref<1024xi32, #tpu.memory_space<vmem>>
    %dma_start3A_87 = arith.constant 0 : i32
    %dma_start3A_88 = tpu.memref_slice %arg7[%dma_start3A_87] : memref<32768xf32, #tpu.memory_space<vmem_shared>> -> memref<32768xf32, #tpu.memory_space<vmem_shared>>
    tpu.enqueue_indirect_dma source(%dma_start3A_88 : memref<32768xf32, #tpu.memory_space<vmem_shared>>) target(%dma_start3A_83 : memref<1024xf32, #tpu.memory_space<vmem>>) offsets(%dma_start3A_86 : memref<1024xi32, #tpu.memory_space<vmem>>) semaphore(%arg17 : memref<!tpu.dma_semaphore, #tpu.memory_space<semaphore_mem>>)
    %broadcast_in_dim3A = arith.constant 0.000000e+00 : f32
    %broadcast_in_dim3A_89 = vector.broadcast %broadcast_in_dim3A : f32 to vector<16xf32>
    %dma_wait3A_90 = arith.constant 0 : i32
    %dma_wait3A_91 = arith.constant 0 : i32
    %dma_wait3A_92 = tpu.memref_slice %arg11[%dma_wait3A_91] : memref<1024xf32, #tpu.memory_space<vmem>> -> memref<1024xf32, #tpu.memory_space<vmem>>
    %dma_wait3A_93 = arith.constant 0 : i32
    %dma_wait3A_94 = tpu.memref_slice %arg10[%dma_wait3A_90, %dma_wait3A_93] : memref<1x1024xi32, #tpu.memory_space<vmem>> -> memref<1x1024xi32, #tpu.memory_space<vmem>>
    %dma_wait3A_95 = tpu.memref_squeeze %dma_wait3A_94 : memref<1x1024xi32, #tpu.memory_space<vmem>> -> memref<1024xi32, #tpu.memory_space<vmem>>
    %dma_wait3A_96 = arith.constant 0 : i32
    %dma_wait3A_97 = tpu.memref_slice %arg5[%dma_wait3A_96] : memref<32768xf32, #tpu.memory_space<vmem_shared>> -> memref<32768xf32, #tpu.memory_space<vmem_shared>>
    tpu.wait_indirect_dma semaphore(%arg17 : memref<!tpu.dma_semaphore, #tpu.memory_space<semaphore_mem>>) src(%dma_wait3A_97 : memref<32768xf32, #tpu.memory_space<vmem_shared>>) dst(%dma_wait3A_92 : memref<1024xf32, #tpu.memory_space<vmem>>)
    %scan3A = arith.constant 0 : i32
    %scan3A_98 = arith.constant 64 : i32
    %scan3A_99 = arith.addi %scan3A, %scan3A_98 : i32
    %scan3A_100 = arith.constant 1 : i32
    %scan3A_101:2 = scf.for %scan3A_1729 = %scan3A to %scan3A_99 step %scan3A_100 iter_args(%scan3A_1730 = %broadcast_in_dim3A_89, %scan3A_1731 = %broadcast_in_dim3A_89) -> (vector<16xf32>, vector<16xf32>)  : i32 {
      %mul3A_1732 = arith.constant 16 : i32
      %mul3A_1733 = arith.muli %scan3A_1729, %mul3A_1732 : i32
      %get3A_1734 = arith.index_cast %mul3A_1733 : i32 to index
      %get3A_1735 = tpu.vector_load %arg11[%get3A_1734] {strides = array<i32>} : memref<1024xf32, #tpu.memory_space<vmem>>, vector<16xf32>,
      %get3A_1736 = vector.shape_cast %get3A_1735 : vector<16xf32> to vector<16xf32>
      %add3A_1737 = arith.addf %scan3A_1730, %get3A_1736 : vector<16xf32>
      %mul3A_1738 = arith.mulf %get3A_1736, %get3A_1736 : vector<16xf32>
      %add3A_1739 = arith.addf %scan3A_1731, %mul3A_1738 : vector<16xf32>
      scf.yield %add3A_1737, %add3A_1739 : vector<16xf32>, vector<16xf32>
    }
    %scan3A_102 = arith.constant 64 : i32
    %dma_wait3A_103 = arith.constant 0 : i32
    %dma_wait3A_104 = arith.constant 0 : i32
    %dma_wait3A_105 = tpu.memref_slice %arg12[%dma_wait3A_104] : memref<1024xf32, #tpu.memory_space<vmem>> -> memref<1024xf32, #tpu.memory_space<vmem>>
    %dma_wait3A_106 = arith.constant 0 : i32
    %dma_wait3A_107 = tpu.memref_slice %arg10[%dma_wait3A_103, %dma_wait3A_106] : memref<1x1024xi32, #tpu.memory_space<vmem>> -> memref<1x1024xi32, #tpu.memory_space<vmem>>
    %dma_wait3A_108 = tpu.memref_squeeze %dma_wait3A_107 : memref<1x1024xi32, #tpu.memory_space<vmem>> -> memref<1024xi32, #tpu.memory_space<vmem>>
    %dma_wait3A_109 = arith.constant 0 : i32
    %dma_wait3A_110 = tpu.memref_slice %arg6[%dma_wait3A_109] : memref<32768xf32, #tpu.memory_space<vmem_shared>> -> memref<32768xf32, #tpu.memory_space<vmem_shared>>
    tpu.wait_indirect_dma semaphore(%arg17 : memref<!tpu.dma_semaphore, #tpu.memory_space<semaphore_mem>>) src(%dma_wait3A_110 : memref<32768xf32, #tpu.memory_space<vmem_shared>>) dst(%dma_wait3A_105 : memref<1024xf32, #tpu.memory_space<vmem>>)
    %scan3A_111 = arith.constant 0 : i32
    %scan3A_112 = arith.constant 64 : i32
    %scan3A_113 = arith.addi %scan3A_111, %scan3A_112 : i32
    %scan3A_114 = arith.constant 1 : i32
    %scan3A_115:3 = scf.for %scan3A_1729 = %scan3A_111 to %scan3A_113 step %scan3A_114 iter_args(%scan3A_1730 = %broadcast_in_dim3A_89, %scan3A_1731 = %broadcast_in_dim3A_89, %scan3A_1732 = %broadcast_in_dim3A_89) -> (vector<16xf32>, vector<16xf32>, vector<16xf32>)  : i32 {
      %mul3A_1733 = arith.constant 16 : i32
      %mul3A_1734 = arith.muli %scan3A_1729, %mul3A_1733 : i32
      %get3A_1735 = arith.index_cast %mul3A_1734 : i32 to index
      %get3A_1736 = tpu.vector_load %arg11[%get3A_1735] {strides = array<i32>} : memref<1024xf32, #tpu.memory_space<vmem>>, vector<16xf32>,
      %get3A_1737 = vector.shape_cast %get3A_1736 : vector<16xf32> to vector<16xf32>
      %get3A_1738 = arith.index_cast %mul3A_1734 : i32 to index
      %get3A_1739 = tpu.vector_load %arg12[%get3A_1738] {strides = array<i32>} : memref<1024xf32, #tpu.memory_space<vmem>>, vector<16xf32>,
      %get3A_1740 = vector.shape_cast %get3A_1739 : vector<16xf32> to vector<16xf32>
      %add3A_1741 = arith.addf %scan3A_1730, %get3A_1740 : vector<16xf32>
      %mul3A_1742 = arith.mulf %get3A_1740, %get3A_1740 : vector<16xf32>
      %add3A_1743 = arith.addf %scan3A_1731, %mul3A_1742 : vector<16xf32>
      %mul3A_1744 = arith.mulf %get3A_1737, %get3A_1740 : vector<16xf32>
      %add3A_1745 = arith.addf %scan3A_1732, %mul3A_1744 : vector<16xf32>
      scf.yield %add3A_1741, %add3A_1743, %add3A_1745 : vector<16xf32>, vector<16xf32>, vector<16xf32>
    }
    %scan3A_116 = arith.constant 64 : i32
    %dma_wait3A_117 = arith.constant 0 : i32
    %dma_wait3A_118 = arith.constant 0 : i32
    %dma_wait3A_119 = tpu.memref_slice %arg13[%dma_wait3A_118] : memref<1024xf32, #tpu.memory_space<vmem>> -> memref<1024xf32, #tpu.memory_space<vmem>>
    %dma_wait3A_120 = arith.constant 0 : i32
    %dma_wait3A_121 = tpu.memref_slice %arg10[%dma_wait3A_117, %dma_wait3A_120] : memref<1x1024xi32, #tpu.memory_space<vmem>> -> memref<1x1024xi32, #tpu.memory_space<vmem>>
    %dma_wait3A_122 = tpu.memref_squeeze %dma_wait3A_121 : memref<1x1024xi32, #tpu.memory_space<vmem>> -> memref<1024xi32, #tpu.memory_space<vmem>>
    %dma_wait3A_123 = arith.constant 0 : i32
    %dma_wait3A_124 = tpu.memref_slice %arg7[%dma_wait3A_123] : memref<32768xf32, #tpu.memory_space<vmem_shared>> -> memref<32768xf32, #tpu.memory_space<vmem_shared>>
    tpu.wait_indirect_dma semaphore(%arg17 : memref<!tpu.dma_semaphore, #tpu.memory_space<semaphore_mem>>) src(%dma_wait3A_124 : memref<32768xf32, #tpu.memory_space<vmem_shared>>) dst(%dma_wait3A_119 : memref<1024xf32, #tpu.memory_space<vmem>>)
    %scan3A_125 = arith.constant 0 : i32
    %scan3A_126 = arith.constant 64 : i32
    %scan3A_127 = arith.addi %scan3A_125, %scan3A_126 : i32
    %scan3A_128 = arith.constant 1 : i32
    %scan3A_129:4 = scf.for %scan3A_1729 = %scan3A_125 to %scan3A_127 step %scan3A_128 iter_args(%scan3A_1730 = %broadcast_in_dim3A_89, %scan3A_1731 = %broadcast_in_dim3A_89, %scan3A_1732 = %broadcast_in_dim3A_89, %scan3A_1733 = %broadcast_in_dim3A_89) -> (vector<16xf32>, vector<16xf32>, vector<16xf32>, vector<16xf32>)  : i32 {
      %mul3A_1734 = arith.constant 16 : i32
      %mul3A_1735 = arith.muli %scan3A_1729, %mul3A_1734 : i32
      %get3A_1736 = arith.index_cast %mul3A_1735 : i32 to index
      %get3A_1737 = tpu.vector_load %arg11[%get3A_1736] {strides = array<i32>} : memref<1024xf32, #tpu.memory_space<vmem>>, vector<16xf32>,
      %get3A_1738 = vector.shape_cast %get3A_1737 : vector<16xf32> to vector<16xf32>
      %get3A_1739 = arith.index_cast %mul3A_1735 : i32 to index
      %get3A_1740 = tpu.vector_load %arg12[%get3A_1739] {strides = array<i32>} : memref<1024xf32, #tpu.memory_space<vmem>>, vector<16xf32>,
      %get3A_1741 = vector.shape_cast %get3A_1740 : vector<16xf32> to vector<16xf32>
      %get3A_1742 = arith.index_cast %mul3A_1735 : i32 to index
      %get3A_1743 = tpu.vector_load %arg13[%get3A_1742] {strides = array<i32>} : memref<1024xf32, #tpu.memory_space<vmem>>, vector<16xf32>,
      %get3A_1744 = vector.shape_cast %get3A_1743 : vector<16xf32> to vector<16xf32>
      %add3A_1745 = arith.addf %scan3A_1730, %get3A_1744 : vector<16xf32>
      %mul3A_1746 = arith.mulf %get3A_1744, %get3A_1744 : vector<16xf32>
      %add3A_1747 = arith.addf %scan3A_1731, %mul3A_1746 : vector<16xf32>
      %mul3A_1748 = arith.mulf %get3A_1738, %get3A_1744 : vector<16xf32>
      %add3A_1749 = arith.addf %scan3A_1732, %mul3A_1748 : vector<16xf32>
      %mul3A_1750 = arith.mulf %get3A_1741, %get3A_1744 : vector<16xf32>
      %add3A_1751 = arith.addf %scan3A_1733, %mul3A_1750 : vector<16xf32>
      scf.yield %add3A_1745, %add3A_1747, %add3A_1749, %add3A_1751 : vector<16xf32>, vector<16xf32>, vector<16xf32>, vector<16xf32>
    }
    %scan3A_130 = arith.constant 64 : i32
    %iota3A = tpu.iota {dimensions = array<i32: 0>} : vector<16xi32>
    %broadcast_in_dim3A_131 = arith.constant 0.000000e+00 : f32
    %broadcast_in_dim3A_132 = vector.broadcast %broadcast_in_dim3A_131 : f32 to vector<16xf32>
    %eq3A_133 = arith.constant 0 : i32
    %eq3A_134 = vector.broadcast %eq3A_133 : i32 to vector<16xi32>
    %eq3A_135 = arith.cmpi eq, %iota3A, %eq3A_134 : vector<16xi32>
    %xor3A = arith.constant 1 : i32
    %xor3A_136 = vector.broadcast %xor3A : i32 to vector<16xi32>
    %xor3A_137 = arith.xori %iota3A, %xor3A_136 : vector<16xi32>
    %broadcast_in_dim3A_138 = vector.shape_cast %xor3A_137 : vector<16xi32> to vector<16x1xi32>
    %gather3A = vector.shape_cast %broadcast_in_dim3A_138 : vector<16x1xi32> to vector<16xi32>
    %gather3A_139 = tpu.dynamic_gather %scan3A_101#0[%gather3A] in [0] : vector<16xf32>, vector<16xi32> -> vector<16xf32>
    %add3A_140 = arith.addf %scan3A_101#0, %gather3A_139 : vector<16xf32>
    %xor3A_141 = arith.constant 2 : i32
    %xor3A_142 = vector.broadcast %xor3A_141 : i32 to vector<16xi32>
    %xor3A_143 = arith.xori %iota3A, %xor3A_142 : vector<16xi32>
    %broadcast_in_dim3A_144 = vector.shape_cast %xor3A_143 : vector<16xi32> to vector<16x1xi32>
    %gather3A_145 = vector.shape_cast %broadcast_in_dim3A_144 : vector<16x1xi32> to vector<16xi32>
    %gather3A_146 = tpu.dynamic_gather %add3A_140[%gather3A_145] in [0] : vector<16xf32>, vector<16xi32> -> vector<16xf32>
    %add3A_147 = arith.addf %add3A_140, %gather3A_146 : vector<16xf32>
    %xor3A_148 = arith.constant 4 : i32
    %xor3A_149 = vector.broadcast %xor3A_148 : i32 to vector<16xi32>
    %xor3A_150 = arith.xori %iota3A, %xor3A_149 : vector<16xi32>
    %broadcast_in_dim3A_151 = vector.shape_cast %xor3A_150 : vector<16xi32> to vector<16x1xi32>
    %gather3A_152 = vector.shape_cast %broadcast_in_dim3A_151 : vector<16x1xi32> to vector<16xi32>
    %gather3A_153 = tpu.dynamic_gather %add3A_147[%gather3A_152] in [0] : vector<16xf32>, vector<16xi32> -> vector<16xf32>
    %add3A_154 = arith.addf %add3A_147, %gather3A_153 : vector<16xf32>
    %xor3A_155 = arith.constant 8 : i32
    %xor3A_156 = vector.broadcast %xor3A_155 : i32 to vector<16xi32>
    %xor3A_157 = arith.xori %iota3A, %xor3A_156 : vector<16xi32>
    %broadcast_in_dim3A_158 = vector.shape_cast %xor3A_157 : vector<16xi32> to vector<16x1xi32>
    %gather3A_159 = vector.shape_cast %broadcast_in_dim3A_158 : vector<16x1xi32> to vector<16xi32>
    %gather3A_160 = tpu.dynamic_gather %add3A_154[%gather3A_159] in [0] : vector<16xf32>, vector<16xi32> -> vector<16xf32>
    %add3A_161 = arith.addf %add3A_154, %gather3A_160 : vector<16xf32>
    %select_n3A_162 = arith.select %eq3A_135, %add3A_161, %broadcast_in_dim3A_132 : vector<16xi1>, vector<16xf32>
    %eq3A_163 = arith.constant 1 : i32
    %eq3A_164 = vector.broadcast %eq3A_163 : i32 to vector<16xi32>
    %eq3A_165 = arith.cmpi eq, %iota3A, %eq3A_164 : vector<16xi32>
    %xor3A_166 = arith.constant 1 : i32
    %xor3A_167 = vector.broadcast %xor3A_166 : i32 to vector<16xi32>
    %xor3A_168 = arith.xori %iota3A, %xor3A_167 : vector<16xi32>
    %broadcast_in_dim3A_169 = vector.shape_cast %xor3A_168 : vector<16xi32> to vector<16x1xi32>
    %gather3A_170 = vector.shape_cast %broadcast_in_dim3A_169 : vector<16x1xi32> to vector<16xi32>
    %gather3A_171 = tpu.dynamic_gather %scan3A_115#0[%gather3A_170] in [0] : vector<16xf32>, vector<16xi32> -> vector<16xf32>
    %add3A_172 = arith.addf %scan3A_115#0, %gather3A_171 : vector<16xf32>
    %xor3A_173 = arith.constant 2 : i32
    %xor3A_174 = vector.broadcast %xor3A_173 : i32 to vector<16xi32>
    %xor3A_175 = arith.xori %iota3A, %xor3A_174 : vector<16xi32>
    %broadcast_in_dim3A_176 = vector.shape_cast %xor3A_175 : vector<16xi32> to vector<16x1xi32>
    %gather3A_177 = vector.shape_cast %broadcast_in_dim3A_176 : vector<16x1xi32> to vector<16xi32>
    %gather3A_178 = tpu.dynamic_gather %add3A_172[%gather3A_177] in [0] : vector<16xf32>, vector<16xi32> -> vector<16xf32>
    %add3A_179 = arith.addf %add3A_172, %gather3A_178 : vector<16xf32>
    %xor3A_180 = arith.constant 4 : i32
    %xor3A_181 = vector.broadcast %xor3A_180 : i32 to vector<16xi32>
    %xor3A_182 = arith.xori %iota3A, %xor3A_181 : vector<16xi32>
    %broadcast_in_dim3A_183 = vector.shape_cast %xor3A_182 : vector<16xi32> to vector<16x1xi32>
    %gather3A_184 = vector.shape_cast %broadcast_in_dim3A_183 : vector<16x1xi32> to vector<16xi32>
    %gather3A_185 = tpu.dynamic_gather %add3A_179[%gather3A_184] in [0] : vector<16xf32>, vector<16xi32> -> vector<16xf32>
    %add3A_186 = arith.addf %add3A_179, %gather3A_185 : vector<16xf32>
    %xor3A_187 = arith.constant 8 : i32
    %xor3A_188 = vector.broadcast %xor3A_187 : i32 to vector<16xi32>
    %xor3A_189 = arith.xori %iota3A, %xor3A_188 : vector<16xi32>
    %broadcast_in_dim3A_190 = vector.shape_cast %xor3A_189 : vector<16xi32> to vector<16x1xi32>
    %gather3A_191 = vector.shape_cast %broadcast_in_dim3A_190 : vector<16x1xi32> to vector<16xi32>
    %gather3A_192 = tpu.dynamic_gather %add3A_186[%gather3A_191] in [0] : vector<16xf32>, vector<16xi32> -> vector<16xf32>
    %add3A_193 = arith.addf %add3A_186, %gather3A_192 : vector<16xf32>
    %select_n3A_194 = arith.select %eq3A_165, %add3A_193, %select_n3A_162 : vector<16xi1>, vector<16xf32>
    %eq3A_195 = arith.constant 2 : i32
    %eq3A_196 = vector.broadcast %eq3A_195 : i32 to vector<16xi32>
    %eq3A_197 = arith.cmpi eq, %iota3A, %eq3A_196 : vector<16xi32>
    %xor3A_198 = arith.constant 1 : i32
    %xor3A_199 = vector.broadcast %xor3A_198 : i32 to vector<16xi32>
    %xor3A_200 = arith.xori %iota3A, %xor3A_199 : vector<16xi32>
    %broadcast_in_dim3A_201 = vector.shape_cast %xor3A_200 : vector<16xi32> to vector<16x1xi32>
    %gather3A_202 = vector.shape_cast %broadcast_in_dim3A_201 : vector<16x1xi32> to vector<16xi32>
    %gather3A_203 = tpu.dynamic_gather %scan3A_129#0[%gather3A_202] in [0] : vector<16xf32>, vector<16xi32> -> vector<16xf32>
    %add3A_204 = arith.addf %scan3A_129#0, %gather3A_203 : vector<16xf32>
    %xor3A_205 = arith.constant 2 : i32
    %xor3A_206 = vector.broadcast %xor3A_205 : i32 to vector<16xi32>
    %xor3A_207 = arith.xori %iota3A, %xor3A_206 : vector<16xi32>
    %broadcast_in_dim3A_208 = vector.shape_cast %xor3A_207 : vector<16xi32> to vector<16x1xi32>
    %gather3A_209 = vector.shape_cast %broadcast_in_dim3A_208 : vector<16x1xi32> to vector<16xi32>
    %gather3A_210 = tpu.dynamic_gather %add3A_204[%gather3A_209] in [0] : vector<16xf32>, vector<16xi32> -> vector<16xf32>
    %add3A_211 = arith.addf %add3A_204, %gather3A_210 : vector<16xf32>
    %xor3A_212 = arith.constant 4 : i32
    %xor3A_213 = vector.broadcast %xor3A_212 : i32 to vector<16xi32>
    %xor3A_214 = arith.xori %iota3A, %xor3A_213 : vector<16xi32>
    %broadcast_in_dim3A_215 = vector.shape_cast %xor3A_214 : vector<16xi32> to vector<16x1xi32>
    %gather3A_216 = vector.shape_cast %broadcast_in_dim3A_215 : vector<16x1xi32> to vector<16xi32>
    %gather3A_217 = tpu.dynamic_gather %add3A_211[%gather3A_216] in [0] : vector<16xf32>, vector<16xi32> -> vector<16xf32>
    %add3A_218 = arith.addf %add3A_211, %gather3A_217 : vector<16xf32>
    %xor3A_219 = arith.constant 8 : i32
    %xor3A_220 = vector.broadcast %xor3A_219 : i32 to vector<16xi32>
    %xor3A_221 = arith.xori %iota3A, %xor3A_220 : vector<16xi32>
    %broadcast_in_dim3A_222 = vector.shape_cast %xor3A_221 : vector<16xi32> to vector<16x1xi32>
    %gather3A_223 = vector.shape_cast %broadcast_in_dim3A_222 : vector<16x1xi32> to vector<16xi32>
    %gather3A_224 = tpu.dynamic_gather %add3A_218[%gather3A_223] in [0] : vector<16xf32>, vector<16xi32> -> vector<16xf32>
    %add3A_225 = arith.addf %add3A_218, %gather3A_224 : vector<16xf32>
    %select_n3A_226 = arith.select %eq3A_197, %add3A_225, %select_n3A_194 : vector<16xi1>, vector<16xf32>
    %eq3A_227 = arith.constant 3 : i32
    %eq3A_228 = vector.broadcast %eq3A_227 : i32 to vector<16xi32>
    %eq3A_229 = arith.cmpi eq, %iota3A, %eq3A_228 : vector<16xi32>
    %xor3A_230 = arith.constant 1 : i32
    %xor3A_231 = vector.broadcast %xor3A_230 : i32 to vector<16xi32>
    %xor3A_232 = arith.xori %iota3A, %xor3A_231 : vector<16xi32>
    %broadcast_in_dim3A_233 = vector.shape_cast %xor3A_232 : vector<16xi32> to vector<16x1xi32>
    %gather3A_234 = vector.shape_cast %broadcast_in_dim3A_233 : vector<16x1xi32> to vector<16xi32>
    %gather3A_235 = tpu.dynamic_gather %scan3A_101#1[%gather3A_234] in [0] : vector<16xf32>, vector<16xi32> -> vector<16xf32>
    %add3A_236 = arith.addf %scan3A_101#1, %gather3A_235 : vector<16xf32>
    %xor3A_237 = arith.constant 2 : i32
    %xor3A_238 = vector.broadcast %xor3A_237 : i32 to vector<16xi32>
    %xor3A_239 = arith.xori %iota3A, %xor3A_238 : vector<16xi32>
    %broadcast_in_dim3A_240 = vector.shape_cast %xor3A_239 : vector<16xi32> to vector<16x1xi32>
    %gather3A_241 = vector.shape_cast %broadcast_in_dim3A_240 : vector<16x1xi32> to vector<16xi32>
    %gather3A_242 = tpu.dynamic_gather %add3A_236[%gather3A_241] in [0] : vector<16xf32>, vector<16xi32> -> vector<16xf32>
    %add3A_243 = arith.addf %add3A_236, %gather3A_242 : vector<16xf32>
    %xor3A_244 = arith.constant 4 : i32
    %xor3A_245 = vector.broadcast %xor3A_244 : i32 to vector<16xi32>
    %xor3A_246 = arith.xori %iota3A, %xor3A_245 : vector<16xi32>
    %broadcast_in_dim3A_247 = vector.shape_cast %xor3A_246 : vector<16xi32> to vector<16x1xi32>
    %gather3A_248 = vector.shape_cast %broadcast_in_dim3A_247 : vector<16x1xi32> to vector<16xi32>
    %gather3A_249 = tpu.dynamic_gather %add3A_243[%gather3A_248] in [0] : vector<16xf32>, vector<16xi32> -> vector<16xf32>
    %add3A_250 = arith.addf %add3A_243, %gather3A_249 : vector<16xf32>
    %xor3A_251 = arith.constant 8 : i32
    %xor3A_252 = vector.broadcast %xor3A_251 : i32 to vector<16xi32>
    %xor3A_253 = arith.xori %iota3A, %xor3A_252 : vector<16xi32>
    %broadcast_in_dim3A_254 = vector.shape_cast %xor3A_253 : vector<16xi32> to vector<16x1xi32>
    %gather3A_255 = vector.shape_cast %broadcast_in_dim3A_254 : vector<16x1xi32> to vector<16xi32>
    %gather3A_256 = tpu.dynamic_gather %add3A_250[%gather3A_255] in [0] : vector<16xf32>, vector<16xi32> -> vector<16xf32>
    %add3A_257 = arith.addf %add3A_250, %gather3A_256 : vector<16xf32>
    %select_n3A_258 = arith.select %eq3A_229, %add3A_257, %select_n3A_226 : vector<16xi1>, vector<16xf32>
    %eq3A_259 = arith.constant 4 : i32
    %eq3A_260 = vector.broadcast %eq3A_259 : i32 to vector<16xi32>
    %eq3A_261 = arith.cmpi eq, %iota3A, %eq3A_260 : vector<16xi32>
    %xor3A_262 = arith.constant 1 : i32
    %xor3A_263 = vector.broadcast %xor3A_262 : i32 to vector<16xi32>
    %xor3A_264 = arith.xori %iota3A, %xor3A_263 : vector<16xi32>
    %broadcast_in_dim3A_265 = vector.shape_cast %xor3A_264 : vector<16xi32> to vector<16x1xi32>
    %gather3A_266 = vector.shape_cast %broadcast_in_dim3A_265 : vector<16x1xi32> to vector<16xi32>
    %gather3A_267 = tpu.dynamic_gather %scan3A_115#1[%gather3A_266] in [0] : vector<16xf32>, vector<16xi32> -> vector<16xf32>
    %add3A_268 = arith.addf %scan3A_115#1, %gather3A_267 : vector<16xf32>
    %xor3A_269 = arith.constant 2 : i32
    %xor3A_270 = vector.broadcast %xor3A_269 : i32 to vector<16xi32>
    %xor3A_271 = arith.xori %iota3A, %xor3A_270 : vector<16xi32>
    %broadcast_in_dim3A_272 = vector.shape_cast %xor3A_271 : vector<16xi32> to vector<16x1xi32>
    %gather3A_273 = vector.shape_cast %broadcast_in_dim3A_272 : vector<16x1xi32> to vector<16xi32>
    %gather3A_274 = tpu.dynamic_gather %add3A_268[%gather3A_273] in [0] : vector<16xf32>, vector<16xi32> -> vector<16xf32>
    %add3A_275 = arith.addf %add3A_268, %gather3A_274 : vector<16xf32>
    %xor3A_276 = arith.constant 4 : i32
    %xor3A_277 = vector.broadcast %xor3A_276 : i32 to vector<16xi32>
    %xor3A_278 = arith.xori %iota3A, %xor3A_277 : vector<16xi32>
    %broadcast_in_dim3A_279 = vector.shape_cast %xor3A_278 : vector<16xi32> to vector<16x1xi32>
    %gather3A_280 = vector.shape_cast %broadcast_in_dim3A_279 : vector<16x1xi32> to vector<16xi32>
    %gather3A_281 = tpu.dynamic_gather %add3A_275[%gather3A_280] in [0] : vector<16xf32>, vector<16xi32> -> vector<16xf32>
    %add3A_282 = arith.addf %add3A_275, %gather3A_281 : vector<16xf32>
    %xor3A_283 = arith.constant 8 : i32
    %xor3A_284 = vector.broadcast %xor3A_283 : i32 to vector<16xi32>
    %xor3A_285 = arith.xori %iota3A, %xor3A_284 : vector<16xi32>
    %broadcast_in_dim3A_286 = vector.shape_cast %xor3A_285 : vector<16xi32> to vector<16x1xi32>
    %gather3A_287 = vector.shape_cast %broadcast_in_dim3A_286 : vector<16x1xi32> to vector<16xi32>
    %gather3A_288 = tpu.dynamic_gather %add3A_282[%gather3A_287] in [0] : vector<16xf32>, vector<16xi32> -> vector<16xf32>
    %add3A_289 = arith.addf %add3A_282, %gather3A_288 : vector<16xf32>
    %select_n3A_290 = arith.select %eq3A_261, %add3A_289, %select_n3A_258 : vector<16xi1>, vector<16xf32>
    %eq3A_291 = arith.constant 5 : i32
    %eq3A_292 = vector.broadcast %eq3A_291 : i32 to vector<16xi32>
    %eq3A_293 = arith.cmpi eq, %iota3A, %eq3A_292 : vector<16xi32>
    %xor3A_294 = arith.constant 1 : i32
    %xor3A_295 = vector.broadcast %xor3A_294 : i32 to vector<16xi32>
    %xor3A_296 = arith.xori %iota3A, %xor3A_295 : vector<16xi32>
    %broadcast_in_dim3A_297 = vector.shape_cast %xor3A_296 : vector<16xi32> to vector<16x1xi32>
    %gather3A_298 = vector.shape_cast %broadcast_in_dim3A_297 : vector<16x1xi32> to vector<16xi32>
    %gather3A_299 = tpu.dynamic_gather %scan3A_129#1[%gather3A_298] in [0] : vector<16xf32>, vector<16xi32> -> vector<16xf32>
    %add3A_300 = arith.addf %scan3A_129#1, %gather3A_299 : vector<16xf32>
    %xor3A_301 = arith.constant 2 : i32
    %xor3A_302 = vector.broadcast %xor3A_301 : i32 to vector<16xi32>
    %xor3A_303 = arith.xori %iota3A, %xor3A_302 : vector<16xi32>
    %broadcast_in_dim3A_304 = vector.shape_cast %xor3A_303 : vector<16xi32> to vector<16x1xi32>
    %gather3A_305 = vector.shape_cast %broadcast_in_dim3A_304 : vector<16x1xi32> to vector<16xi32>
    %gather3A_306 = tpu.dynamic_gather %add3A_300[%gather3A_305] in [0] : vector<16xf32>, vector<16xi32> -> vector<16xf32>
    %add3A_307 = arith.addf %add3A_300, %gather3A_306 : vector<16xf32>
    %xor3A_308 = arith.constant 4 : i32
    %xor3A_309 = vector.broadcast %xor3A_308 : i32 to vector<16xi32>
    %xor3A_310 = arith.xori %iota3A, %xor3A_309 : vector<16xi32>
    %broadcast_in_dim3A_311 = vector.shape_cast %xor3A_310 : vector<16xi32> to vector<16x1xi32>
    %gather3A_312 = vector.shape_cast %broadcast_in_dim3A_311 : vector<16x1xi32> to vector<16xi32>
    %gather3A_313 = tpu.dynamic_gather %add3A_307[%gather3A_312] in [0] : vector<16xf32>, vector<16xi32> -> vector<16xf32>
    %add3A_314 = arith.addf %add3A_307, %gather3A_313 : vector<16xf32>
    %xor3A_315 = arith.constant 8 : i32
    %xor3A_316 = vector.broadcast %xor3A_315 : i32 to vector<16xi32>
    %xor3A_317 = arith.xori %iota3A, %xor3A_316 : vector<16xi32>
    %broadcast_in_dim3A_318 = vector.shape_cast %xor3A_317 : vector<16xi32> to vector<16x1xi32>
    %gather3A_319 = vector.shape_cast %broadcast_in_dim3A_318 : vector<16x1xi32> to vector<16xi32>
    %gather3A_320 = tpu.dynamic_gather %add3A_314[%gather3A_319] in [0] : vector<16xf32>, vector<16xi32> -> vector<16xf32>
    %add3A_321 = arith.addf %add3A_314, %gather3A_320 : vector<16xf32>
    %select_n3A_322 = arith.select %eq3A_293, %add3A_321, %select_n3A_290 : vector<16xi1>, vector<16xf32>
    %eq3A_323 = arith.constant 6 : i32
    %eq3A_324 = vector.broadcast %eq3A_323 : i32 to vector<16xi32>
    %eq3A_325 = arith.cmpi eq, %iota3A, %eq3A_324 : vector<16xi32>
    %xor3A_326 = arith.constant 1 : i32
    %xor3A_327 = vector.broadcast %xor3A_326 : i32 to vector<16xi32>
    %xor3A_328 = arith.xori %iota3A, %xor3A_327 : vector<16xi32>
    %broadcast_in_dim3A_329 = vector.shape_cast %xor3A_328 : vector<16xi32> to vector<16x1xi32>
    %gather3A_330 = vector.shape_cast %broadcast_in_dim3A_329 : vector<16x1xi32> to vector<16xi32>
    %gather3A_331 = tpu.dynamic_gather %scan3A_115#2[%gather3A_330] in [0] : vector<16xf32>, vector<16xi32> -> vector<16xf32>
    %add3A_332 = arith.addf %scan3A_115#2, %gather3A_331 : vector<16xf32>
    %xor3A_333 = arith.constant 2 : i32
    %xor3A_334 = vector.broadcast %xor3A_333 : i32 to vector<16xi32>
    %xor3A_335 = arith.xori %iota3A, %xor3A_334 : vector<16xi32>
    %broadcast_in_dim3A_336 = vector.shape_cast %xor3A_335 : vector<16xi32> to vector<16x1xi32>
    %gather3A_337 = vector.shape_cast %broadcast_in_dim3A_336 : vector<16x1xi32> to vector<16xi32>
    %gather3A_338 = tpu.dynamic_gather %add3A_332[%gather3A_337] in [0] : vector<16xf32>, vector<16xi32> -> vector<16xf32>
    %add3A_339 = arith.addf %add3A_332, %gather3A_338 : vector<16xf32>
    %xor3A_340 = arith.constant 4 : i32
    %xor3A_341 = vector.broadcast %xor3A_340 : i32 to vector<16xi32>
    %xor3A_342 = arith.xori %iota3A, %xor3A_341 : vector<16xi32>
    %broadcast_in_dim3A_343 = vector.shape_cast %xor3A_342 : vector<16xi32> to vector<16x1xi32>
    %gather3A_344 = vector.shape_cast %broadcast_in_dim3A_343 : vector<16x1xi32> to vector<16xi32>
    %gather3A_345 = tpu.dynamic_gather %add3A_339[%gather3A_344] in [0] : vector<16xf32>, vector<16xi32> -> vector<16xf32>
    %add3A_346 = arith.addf %add3A_339, %gather3A_345 : vector<16xf32>
    %xor3A_347 = arith.constant 8 : i32
    %xor3A_348 = vector.broadcast %xor3A_347 : i32 to vector<16xi32>
    %xor3A_349 = arith.xori %iota3A, %xor3A_348 : vector<16xi32>
    %broadcast_in_dim3A_350 = vector.shape_cast %xor3A_349 : vector<16xi32> to vector<16x1xi32>
    %gather3A_351 = vector.shape_cast %broadcast_in_dim3A_350 : vector<16x1xi32> to vector<16xi32>
    %gather3A_352 = tpu.dynamic_gather %add3A_346[%gather3A_351] in [0] : vector<16xf32>, vector<16xi32> -> vector<16xf32>
    %add3A_353 = arith.addf %add3A_346, %gather3A_352 : vector<16xf32>
    %select_n3A_354 = arith.select %eq3A_325, %add3A_353, %select_n3A_322 : vector<16xi1>, vector<16xf32>
    %eq3A_355 = arith.constant 7 : i32
    %eq3A_356 = vector.broadcast %eq3A_355 : i32 to vector<16xi32>
    %eq3A_357 = arith.cmpi eq, %iota3A, %eq3A_356 : vector<16xi32>
    %xor3A_358 = arith.constant 1 : i32
    %xor3A_359 = vector.broadcast %xor3A_358 : i32 to vector<16xi32>
    %xor3A_360 = arith.xori %iota3A, %xor3A_359 : vector<16xi32>
    %broadcast_in_dim3A_361 = vector.shape_cast %xor3A_360 : vector<16xi32> to vector<16x1xi32>
    %gather3A_362 = vector.shape_cast %broadcast_in_dim3A_361 : vector<16x1xi32> to vector<16xi32>
    %gather3A_363 = tpu.dynamic_gather %scan3A_129#2[%gather3A_362] in [0] : vector<16xf32>, vector<16xi32> -> vector<16xf32>
    %add3A_364 = arith.addf %scan3A_129#2, %gather3A_363 : vector<16xf32>
    %xor3A_365 = arith.constant 2 : i32
    %xor3A_366 = vector.broadcast %xor3A_365 : i32 to vector<16xi32>
    %xor3A_367 = arith.xori %iota3A, %xor3A_366 : vector<16xi32>
    %broadcast_in_dim3A_368 = vector.shape_cast %xor3A_367 : vector<16xi32> to vector<16x1xi32>
    %gather3A_369 = vector.shape_cast %broadcast_in_dim3A_368 : vector<16x1xi32> to vector<16xi32>
    %gather3A_370 = tpu.dynamic_gather %add3A_364[%gather3A_369] in [0] : vector<16xf32>, vector<16xi32> -> vector<16xf32>
    %add3A_371 = arith.addf %add3A_364, %gather3A_370 : vector<16xf32>
    %xor3A_372 = arith.constant 4 : i32
    %xor3A_373 = vector.broadcast %xor3A_372 : i32 to vector<16xi32>
    %xor3A_374 = arith.xori %iota3A, %xor3A_373 : vector<16xi32>
    %broadcast_in_dim3A_375 = vector.shape_cast %xor3A_374 : vector<16xi32> to vector<16x1xi32>
    %gather3A_376 = vector.shape_cast %broadcast_in_dim3A_375 : vector<16x1xi32> to vector<16xi32>
    %gather3A_377 = tpu.dynamic_gather %add3A_371[%gather3A_376] in [0] : vector<16xf32>, vector<16xi32> -> vector<16xf32>
    %add3A_378 = arith.addf %add3A_371, %gather3A_377 : vector<16xf32>
    %xor3A_379 = arith.constant 8 : i32
    %xor3A_380 = vector.broadcast %xor3A_379 : i32 to vector<16xi32>
    %xor3A_381 = arith.xori %iota3A, %xor3A_380 : vector<16xi32>
    %broadcast_in_dim3A_382 = vector.shape_cast %xor3A_381 : vector<16xi32> to vector<16x1xi32>
    %gather3A_383 = vector.shape_cast %broadcast_in_dim3A_382 : vector<16x1xi32> to vector<16xi32>
    %gather3A_384 = tpu.dynamic_gather %add3A_378[%gather3A_383] in [0] : vector<16xf32>, vector<16xi32> -> vector<16xf32>
    %add3A_385 = arith.addf %add3A_378, %gather3A_384 : vector<16xf32>
    %select_n3A_386 = arith.select %eq3A_357, %add3A_385, %select_n3A_354 : vector<16xi1>, vector<16xf32>
    %eq3A_387 = arith.constant 8 : i32
    %eq3A_388 = vector.broadcast %eq3A_387 : i32 to vector<16xi32>
    %eq3A_389 = arith.cmpi eq, %iota3A, %eq3A_388 : vector<16xi32>
    %xor3A_390 = arith.constant 1 : i32
    %xor3A_391 = vector.broadcast %xor3A_390 : i32 to vector<16xi32>
    %xor3A_392 = arith.xori %iota3A, %xor3A_391 : vector<16xi32>
    %broadcast_in_dim3A_393 = vector.shape_cast %xor3A_392 : vector<16xi32> to vector<16x1xi32>
    %gather3A_394 = vector.shape_cast %broadcast_in_dim3A_393 : vector<16x1xi32> to vector<16xi32>
    %gather3A_395 = tpu.dynamic_gather %scan3A_129#3[%gather3A_394] in [0] : vector<16xf32>, vector<16xi32> -> vector<16xf32>
    %add3A_396 = arith.addf %scan3A_129#3, %gather3A_395 : vector<16xf32>
    %xor3A_397 = arith.constant 2 : i32
    %xor3A_398 = vector.broadcast %xor3A_397 : i32 to vector<16xi32>
    %xor3A_399 = arith.xori %iota3A, %xor3A_398 : vector<16xi32>
    %broadcast_in_dim3A_400 = vector.shape_cast %xor3A_399 : vector<16xi32> to vector<16x1xi32>
    %gather3A_401 = vector.shape_cast %broadcast_in_dim3A_400 : vector<16x1xi32> to vector<16xi32>
    %gather3A_402 = tpu.dynamic_gather %add3A_396[%gather3A_401] in [0] : vector<16xf32>, vector<16xi32> -> vector<16xf32>
    %add3A_403 = arith.addf %add3A_396, %gather3A_402 : vector<16xf32>
    %xor3A_404 = arith.constant 4 : i32
    %xor3A_405 = vector.broadcast %xor3A_404 : i32 to vector<16xi32>
    %xor3A_406 = arith.xori %iota3A, %xor3A_405 : vector<16xi32>
    %broadcast_in_dim3A_407 = vector.shape_cast %xor3A_406 : vector<16xi32> to vector<16x1xi32>
    %gather3A_408 = vector.shape_cast %broadcast_in_dim3A_407 : vector<16x1xi32> to vector<16xi32>
    %gather3A_409 = tpu.dynamic_gather %add3A_403[%gather3A_408] in [0] : vector<16xf32>, vector<16xi32> -> vector<16xf32>
    %add3A_410 = arith.addf %add3A_403, %gather3A_409 : vector<16xf32>
    %xor3A_411 = arith.constant 8 : i32
    %xor3A_412 = vector.broadcast %xor3A_411 : i32 to vector<16xi32>
    %xor3A_413 = arith.xori %iota3A, %xor3A_412 : vector<16xi32>
    %broadcast_in_dim3A_414 = vector.shape_cast %xor3A_413 : vector<16xi32> to vector<16x1xi32>
    %gather3A_415 = vector.shape_cast %broadcast_in_dim3A_414 : vector<16x1xi32> to vector<16xi32>
    %gather3A_416 = tpu.dynamic_gather %add3A_410[%gather3A_415] in [0] : vector<16xf32>, vector<16xi32> -> vector<16xf32>
    %add3A_417 = arith.addf %add3A_410, %gather3A_416 : vector<16xf32>
    %select_n3A_418 = arith.select %eq3A_389, %add3A_417, %select_n3A_386 : vector<16xi1>, vector<16xf32>
    %swap3A = arith.constant 0 : index
    %swap3A_419 = tpu.vector_load %arg14[%swap3A] {strides = array<i32>} : memref<16xf32, #tpu.memory_space<vmem>>, vector<16xf32>,
    %swap3A_420 = vector.shape_cast %swap3A_419 : vector<16xf32> to vector<16xf32>
    %swap3A_421 = vector.shape_cast %select_n3A_418 : vector<16xf32> to vector<16xf32>
    tpu.vector_store %arg14[%swap3A], %swap3A_421 {strides = array<i32>} : memref<16xf32, #tpu.memory_space<vmem>>, vector<16xf32>,
    %mul3A_422 = arith.constant 16 : i32
    %mul3A_423 = arith.muli %arg1, %mul3A_422 : i32
    "tpu.region"() ({
      %run_scoped3A = tpu.sem_alloc : memref<!tpu.dma_semaphore, #tpu.memory_space<semaphore_mem>>
      %dma_start3A_1729 = tpu.memref_slice %arg8[%mul3A_423] : memref<256xf32, #tpu.memory_space<vmem_shared>> -> memref<16xf32, #tpu.memory_space<vmem_shared>>
      %dma_start3A_1730 = tpu.memref_slice %arg8[%mul3A_423] : memref<256xf32, #tpu.memory_space<vmem_shared>> -> memref<16xf32, #tpu.memory_space<vmem_shared>>
      tpu.enqueue_dma source(%arg14 : memref<16xf32, #tpu.memory_space<vmem>>) target(%dma_start3A_1730 : memref<16xf32, #tpu.memory_space<vmem_shared>>) target_semaphore(%run_scoped3A : memref<!tpu.dma_semaphore, #tpu.memory_space<semaphore_mem>>)
      %dma_wait3A_1731 = tpu.memref_slice %arg8[%mul3A_423] : memref<256xf32, #tpu.memory_space<vmem_shared>> -> memref<16xf32, #tpu.memory_space<vmem_shared>>
      %dma_wait3A_1732 = tpu.memref_slice %arg8[%mul3A_423] : memref<256xf32, #tpu.memory_space<vmem_shared>> -> memref<16xf32, #tpu.memory_space<vmem_shared>>
      tpu.wait_dma2 semaphore(%run_scoped3A : memref<!tpu.dma_semaphore, #tpu.memory_space<semaphore_mem>>) src(%arg14 : memref<16xf32, #tpu.memory_space<vmem>>) dst(%dma_wait3A_1732 : memref<16xf32, #tpu.memory_space<vmem_shared>>)
      tpu.yield
    }) : () -> ()
    %barrier3A_424 = arith.constant 0 : index
    tpu.barrier barrier_id(%barrier3A_424)
    %xor3A_425 = arith.constant 1 : i32
    %xor3A_426 = arith.xori %arg1, %xor3A_425 : i32
    %mul3A_427 = arith.constant 16 : i32
    %mul3A_428 = arith.muli %xor3A_426, %mul3A_427 : i32
    "tpu.region"() ({
      %run_scoped3A = tpu.sem_alloc : memref<!tpu.dma_semaphore, #tpu.memory_space<semaphore_mem>>
      %dma_start3A_1729 = tpu.memref_slice %arg8[%mul3A_428] : memref<256xf32, #tpu.memory_space<vmem_shared>> -> memref<16xf32, #tpu.memory_space<vmem_shared>>
      %dma_start3A_1730 = tpu.memref_slice %arg8[%mul3A_428] : memref<256xf32, #tpu.memory_space<vmem_shared>> -> memref<16xf32, #tpu.memory_space<vmem_shared>>
      tpu.enqueue_dma source(%dma_start3A_1730 : memref<16xf32, #tpu.memory_space<vmem_shared>>) target(%arg15 : memref<16xf32, #tpu.memory_space<vmem>>) target_semaphore(%run_scoped3A : memref<!tpu.dma_semaphore, #tpu.memory_space<semaphore_mem>>)
      %dma_wait3A_1731 = tpu.memref_slice %arg8[%mul3A_428] : memref<256xf32, #tpu.memory_space<vmem_shared>> -> memref<16xf32, #tpu.memory_space<vmem_shared>>
      %dma_wait3A_1732 = tpu.memref_slice %arg8[%mul3A_428] : memref<256xf32, #tpu.memory_space<vmem_shared>> -> memref<16xf32, #tpu.memory_space<vmem_shared>>
      tpu.wait_dma2 semaphore(%run_scoped3A : memref<!tpu.dma_semaphore, #tpu.memory_space<semaphore_mem>>) src(%dma_wait3A_1732 : memref<16xf32, #tpu.memory_space<vmem_shared>>) dst(%arg15 : memref<16xf32, #tpu.memory_space<vmem>>)
      tpu.yield
    }) : () -> ()
    %get3A = arith.constant 0 : index
    %get3A_429 = tpu.vector_load %arg15[%get3A] {strides = array<i32>} : memref<16xf32, #tpu.memory_space<vmem>>, vector<16xf32>,
    %get3A_430 = vector.shape_cast %get3A_429 : vector<16xf32> to vector<16xf32>
    %add3A_431 = arith.addf %select_n3A_418, %get3A_430 : vector<16xf32>
    %broadcast_in_dim3A_432 = arith.constant 0 : i32
    %broadcast_in_dim3A_433 = vector.broadcast %broadcast_in_dim3A_432 : i32 to vector<16xi32>
    %broadcast_in_dim3A_434 = vector.shape_cast %broadcast_in_dim3A_433 : vector<16xi32> to vector<16x1xi32>
    %gather3A_435 = vector.shape_cast %broadcast_in_dim3A_434 : vector<16x1xi32> to vector<16xi32>
    %gather3A_436 = tpu.dynamic_gather %add3A_431[%gather3A_435] in [0] : vector<16xf32>, vector<16xi32> -> vector<16xf32>
    %mul3A_437 = arith.constant 4.8828125E-4 : f32
    %mul3A_438 = vector.broadcast %mul3A_437 : f32 to vector<16xf32>
    %mul3A_439 = arith.mulf %gather3A_436, %mul3A_438 : vector<16xf32>
    %broadcast_in_dim3A_440 = arith.constant 1 : i32
    %broadcast_in_dim3A_441 = vector.broadcast %broadcast_in_dim3A_440 : i32 to vector<16xi32>
    %broadcast_in_dim3A_442 = vector.shape_cast %broadcast_in_dim3A_441 : vector<16xi32> to vector<16x1xi32>
    %gather3A_443 = vector.shape_cast %broadcast_in_dim3A_442 : vector<16x1xi32> to vector<16xi32>
    %gather3A_444 = tpu.dynamic_gather %add3A_431[%gather3A_443] in [0] : vector<16xf32>, vector<16xi32> -> vector<16xf32>
    %mul3A_445 = arith.constant 4.8828125E-4 : f32
    %mul3A_446 = vector.broadcast %mul3A_445 : f32 to vector<16xf32>
    %mul3A_447 = arith.mulf %gather3A_444, %mul3A_446 : vector<16xf32>
    %broadcast_in_dim3A_448 = arith.constant 2 : i32
    %broadcast_in_dim3A_449 = vector.broadcast %broadcast_in_dim3A_448 : i32 to vector<16xi32>
    %broadcast_in_dim3A_450 = vector.shape_cast %broadcast_in_dim3A_449 : vector<16xi32> to vector<16x1xi32>
    %gather3A_451 = vector.shape_cast %broadcast_in_dim3A_450 : vector<16x1xi32> to vector<16xi32>
    %gather3A_452 = tpu.dynamic_gather %add3A_431[%gather3A_451] in [0] : vector<16xf32>, vector<16xi32> -> vector<16xf32>
    %mul3A_453 = arith.constant 4.8828125E-4 : f32
    %mul3A_454 = vector.broadcast %mul3A_453 : f32 to vector<16xf32>
    %mul3A_455 = arith.mulf %gather3A_452, %mul3A_454 : vector<16xf32>
    %broadcast_in_dim3A_456 = arith.constant 3 : i32
    %broadcast_in_dim3A_457 = vector.broadcast %broadcast_in_dim3A_456 : i32 to vector<16xi32>
    %broadcast_in_dim3A_458 = vector.shape_cast %broadcast_in_dim3A_457 : vector<16xi32> to vector<16x1xi32>
    %gather3A_459 = vector.shape_cast %broadcast_in_dim3A_458 : vector<16x1xi32> to vector<16xi32>
    %gather3A_460 = tpu.dynamic_gather %add3A_431[%gather3A_459] in [0] : vector<16xf32>, vector<16xi32> -> vector<16xf32>
    %mul3A_461 = arith.constant 2.048000e+03 : f32
    %mul3A_462 = vector.broadcast %mul3A_461 : f32 to vector<16xf32>
    %mul3A_463 = arith.mulf %mul3A_462, %mul3A_439 : vector<16xf32>
    %mul3A_464 = arith.mulf %mul3A_463, %mul3A_439 : vector<16xf32>
    %sub3A_465 = arith.subf %gather3A_460, %mul3A_464 : vector<16xf32>
    %broadcast_in_dim3A_466 = arith.constant 4 : i32
    %broadcast_in_dim3A_467 = vector.broadcast %broadcast_in_dim3A_466 : i32 to vector<16xi32>
    %broadcast_in_dim3A_468 = vector.shape_cast %broadcast_in_dim3A_467 : vector<16xi32> to vector<16x1xi32>
    %gather3A_469 = vector.shape_cast %broadcast_in_dim3A_468 : vector<16x1xi32> to vector<16xi32>
    %gather3A_470 = tpu.dynamic_gather %add3A_431[%gather3A_469] in [0] : vector<16xf32>, vector<16xi32> -> vector<16xf32>
    %mul3A_471 = arith.constant 2.048000e+03 : f32
    %mul3A_472 = vector.broadcast %mul3A_471 : f32 to vector<16xf32>
    %mul3A_473 = arith.mulf %mul3A_472, %mul3A_447 : vector<16xf32>
    %mul3A_474 = arith.mulf %mul3A_473, %mul3A_447 : vector<16xf32>
    %sub3A_475 = arith.subf %gather3A_470, %mul3A_474 : vector<16xf32>
    %broadcast_in_dim3A_476 = arith.constant 5 : i32
    %broadcast_in_dim3A_477 = vector.broadcast %broadcast_in_dim3A_476 : i32 to vector<16xi32>
    %broadcast_in_dim3A_478 = vector.shape_cast %broadcast_in_dim3A_477 : vector<16xi32> to vector<16x1xi32>
    %gather3A_479 = vector.shape_cast %broadcast_in_dim3A_478 : vector<16x1xi32> to vector<16xi32>
    %gather3A_480 = tpu.dynamic_gather %add3A_431[%gather3A_479] in [0] : vector<16xf32>, vector<16xi32> -> vector<16xf32>
    %mul3A_481 = arith.constant 2.048000e+03 : f32
    %mul3A_482 = vector.broadcast %mul3A_481 : f32 to vector<16xf32>
    %mul3A_483 = arith.mulf %mul3A_482, %mul3A_455 : vector<16xf32>
    %mul3A_484 = arith.mulf %mul3A_483, %mul3A_455 : vector<16xf32>
    %sub3A_485 = arith.subf %gather3A_480, %mul3A_484 : vector<16xf32>
    %broadcast_in_dim3A_486 = arith.constant 6 : i32
    %broadcast_in_dim3A_487 = vector.broadcast %broadcast_in_dim3A_486 : i32 to vector<16xi32>
    %broadcast_in_dim3A_488 = vector.shape_cast %broadcast_in_dim3A_487 : vector<16xi32> to vector<16x1xi32>
    %gather3A_489 = vector.shape_cast %broadcast_in_dim3A_488 : vector<16x1xi32> to vector<16xi32>
    %gather3A_490 = tpu.dynamic_gather %add3A_431[%gather3A_489] in [0] : vector<16xf32>, vector<16xi32> -> vector<16xf32>
    %mul3A_491 = arith.constant 2.048000e+03 : f32
    %mul3A_492 = vector.broadcast %mul3A_491 : f32 to vector<16xf32>
    %mul3A_493 = arith.mulf %mul3A_492, %mul3A_439 : vector<16xf32>
    %mul3A_494 = arith.mulf %mul3A_493, %mul3A_447 : vector<16xf32>
    %sub3A_495 = arith.subf %gather3A_490, %mul3A_494 : vector<16xf32>
    %broadcast_in_dim3A_496 = arith.constant 7 : i32
    %broadcast_in_dim3A_497 = vector.broadcast %broadcast_in_dim3A_496 : i32 to vector<16xi32>
    %broadcast_in_dim3A_498 = vector.shape_cast %broadcast_in_dim3A_497 : vector<16xi32> to vector<16x1xi32>
    %gather3A_499 = vector.shape_cast %broadcast_in_dim3A_498 : vector<16x1xi32> to vector<16xi32>
    %gather3A_500 = tpu.dynamic_gather %add3A_431[%gather3A_499] in [0] : vector<16xf32>, vector<16xi32> -> vector<16xf32>
    %mul3A_501 = arith.constant 2.048000e+03 : f32
    %mul3A_502 = vector.broadcast %mul3A_501 : f32 to vector<16xf32>
    %mul3A_503 = arith.mulf %mul3A_502, %mul3A_439 : vector<16xf32>
    %mul3A_504 = arith.mulf %mul3A_503, %mul3A_455 : vector<16xf32>
    %sub3A_505 = arith.subf %gather3A_500, %mul3A_504 : vector<16xf32>
    %broadcast_in_dim3A_506 = arith.constant 8 : i32
    %broadcast_in_dim3A_507 = vector.broadcast %broadcast_in_dim3A_506 : i32 to vector<16xi32>
    %broadcast_in_dim3A_508 = vector.shape_cast %broadcast_in_dim3A_507 : vector<16xi32> to vector<16x1xi32>
    %gather3A_509 = vector.shape_cast %broadcast_in_dim3A_508 : vector<16x1xi32> to vector<16xi32>
    %gather3A_510 = tpu.dynamic_gather %add3A_431[%gather3A_509] in [0] : vector<16xf32>, vector<16xi32> -> vector<16xf32>
    %mul3A_511 = arith.constant 2.048000e+03 : f32
    %mul3A_512 = vector.broadcast %mul3A_511 : f32 to vector<16xf32>
    %mul3A_513 = arith.mulf %mul3A_512, %mul3A_447 : vector<16xf32>
    %mul3A_514 = arith.mulf %mul3A_513, %mul3A_455 : vector<16xf32>
    %sub3A_515 = arith.subf %gather3A_510, %mul3A_514 : vector<16xf32>
    %broadcast_in_dim3A_516 = arith.constant 1.000000e+00 : f32
    %broadcast_in_dim3A_517 = vector.broadcast %broadcast_in_dim3A_516 : f32 to vector<16xf32>
    %broadcast_in_dim3A_518 = arith.constant 0.000000e+00 : f32
    %broadcast_in_dim3A_519 = vector.broadcast %broadcast_in_dim3A_518 : f32 to vector<16xf32>
    %eq3A_520 = arith.constant 0.000000e+00 : f32
    %eq3A_521 = vector.broadcast %eq3A_520 : f32 to vector<16xf32>
    %eq3A_522 = arith.cmpf oeq, %sub3A_495, %eq3A_521 : vector<16xf32>
    %jit3A_523 = arith.constant 1.000000e+00 : f32
    %broadcast_in_dim3A_524 = vector.broadcast %jit3A_523 : f32 to vector<16xf32>
    %select_n3A_525 = arith.select %eq3A_522, %broadcast_in_dim3A_524, %sub3A_495 : vector<16xi1>, vector<16xf32>
    %sub3A_526 = arith.subf %sub3A_475, %sub3A_465 : vector<16xf32>
    %mul3A_527 = arith.constant 5.000000e-01 : f32
    %mul3A_528 = vector.broadcast %mul3A_527 : f32 to vector<16xf32>
    %mul3A_529 = arith.mulf %sub3A_526, %mul3A_528 : vector<16xf32>
    %div3A_530 = arith.divf %mul3A_529, %select_n3A_525 : vector<16xf32>
    %min3A = arith.constant 9.99999984E+17 : f32
    %min3A_531 = vector.broadcast %min3A : f32 to vector<16xf32>
    %min3A_532 = arith.minimumf %div3A_530, %min3A_531 : vector<16xf32>
    %max3A = arith.constant -9.99999984E+17 : f32
    %max3A_533 = vector.broadcast %max3A : f32 to vector<16xf32>
    %max3A_534 = arith.maximumf %min3A_532, %max3A_533 : vector<16xf32>
    %ge3A = arith.constant 0.000000e+00 : f32
    %ge3A_535 = vector.broadcast %ge3A : f32 to vector<16xf32>
    %ge3A_536 = arith.cmpf oge, %max3A_534, %ge3A_535 : vector<16xf32>
    %jit3A_537 = arith.constant 1.000000e+00 : f32
    %jit3A_538 = arith.constant -1.000000e+00 : f32
    %broadcast_in_dim3A_539 = vector.broadcast %jit3A_537 : f32 to vector<16xf32>
    %broadcast_in_dim3A_540 = vector.broadcast %jit3A_538 : f32 to vector<16xf32>
    %select_n3A_541 = arith.select %ge3A_536, %broadcast_in_dim3A_539, %broadcast_in_dim3A_540 : vector<16xi1>, vector<16xf32>
    %abs3A = math.absf %max3A_534 : vector<16xf32>
    %mul3A_542 = arith.mulf %max3A_534, %max3A_534 : vector<16xf32>
    %add3A_543 = arith.constant 1.000000e+00 : f32
    %add3A_544 = vector.broadcast %add3A_543 : f32 to vector<16xf32>
    %add3A_545 = arith.addf %add3A_544, %mul3A_542 : vector<16xf32>
    %max3A_546 = arith.constant 1.000000e-30 : f32
    %max3A_547 = vector.broadcast %max3A_546 : f32 to vector<16xf32>
    %max3A_548 = arith.maximumf %add3A_545, %max3A_547 : vector<16xf32>
    %bitcast_convert_type3A = tpu.bitcast %max3A_548 : vector<16xf32> -> vector<16xi32>
    %shift_right_logical3A = arith.constant 1 : i32
    %shift_right_logical3A_549 = vector.broadcast %shift_right_logical3A : i32 to vector<16xi32>
    %shift_right_logical3A_550 = arith.shrui %bitcast_convert_type3A, %shift_right_logical3A_549 : vector<16xi32>
    %sub3A_551 = arith.constant 1597463007 : i32
    %sub3A_552 = vector.broadcast %sub3A_551 : i32 to vector<16xi32>
    %sub3A_553 = arith.subi %sub3A_552, %shift_right_logical3A_550 : vector<16xi32>
    %bitcast_convert_type3A_554 = tpu.bitcast %sub3A_553 : vector<16xi32> -> vector<16xf32>
    %mul3A_555 = arith.constant 5.000000e-01 : f32
    %mul3A_556 = vector.broadcast %mul3A_555 : f32 to vector<16xf32>
    %mul3A_557 = arith.mulf %mul3A_556, %max3A_548 : vector<16xf32>
    %mul3A_558 = arith.mulf %mul3A_557, %bitcast_convert_type3A_554 : vector<16xf32>
    %mul3A_559 = arith.mulf %mul3A_558, %bitcast_convert_type3A_554 : vector<16xf32>
    %sub3A_560 = arith.constant 1.500000e+00 : f32
    %sub3A_561 = vector.broadcast %sub3A_560 : f32 to vector<16xf32>
    %sub3A_562 = arith.subf %sub3A_561, %mul3A_559 : vector<16xf32>
    %mul3A_563 = arith.mulf %bitcast_convert_type3A_554, %sub3A_562 : vector<16xf32>
    %mul3A_564 = arith.mulf %mul3A_557, %mul3A_563 : vector<16xf32>
    %mul3A_565 = arith.mulf %mul3A_564, %mul3A_563 : vector<16xf32>
    %sub3A_566 = arith.constant 1.500000e+00 : f32
    %sub3A_567 = vector.broadcast %sub3A_566 : f32 to vector<16xf32>
    %sub3A_568 = arith.subf %sub3A_567, %mul3A_565 : vector<16xf32>
    %mul3A_569 = arith.mulf %mul3A_563, %sub3A_568 : vector<16xf32>
    %mul3A_570 = arith.mulf %max3A_548, %mul3A_569 : vector<16xf32>
    %add3A_571 = arith.addf %abs3A, %mul3A_570 : vector<16xf32>
    %div3A_572 = arith.divf %select_n3A_541, %add3A_571 : vector<16xf32>
    %jit3A_573 = arith.constant 0.000000e+00 : f32
    %broadcast_in_dim3A_574 = vector.broadcast %jit3A_573 : f32 to vector<16xf32>
    %select_n3A_575 = arith.select %eq3A_522, %broadcast_in_dim3A_574, %div3A_572 : vector<16xi1>, vector<16xf32>
    %mul3A_576 = arith.mulf %select_n3A_575, %select_n3A_575 : vector<16xf32>
    %add3A_577 = arith.constant 1.000000e+00 : f32
    %add3A_578 = vector.broadcast %add3A_577 : f32 to vector<16xf32>
    %add3A_579 = arith.addf %add3A_578, %mul3A_576 : vector<16xf32>
    %bitcast_convert_type3A_580 = tpu.bitcast %add3A_579 : vector<16xf32> -> vector<16xi32>
    %shift_right_logical3A_581 = arith.constant 1 : i32
    %shift_right_logical3A_582 = vector.broadcast %shift_right_logical3A_581 : i32 to vector<16xi32>
    %shift_right_logical3A_583 = arith.shrui %bitcast_convert_type3A_580, %shift_right_logical3A_582 : vector<16xi32>
    %sub3A_584 = arith.constant 1597463007 : i32
    %sub3A_585 = vector.broadcast %sub3A_584 : i32 to vector<16xi32>
    %sub3A_586 = arith.subi %sub3A_585, %shift_right_logical3A_583 : vector<16xi32>
    %bitcast_convert_type3A_587 = tpu.bitcast %sub3A_586 : vector<16xi32> -> vector<16xf32>
    %mul3A_588 = arith.constant 5.000000e-01 : f32
    %mul3A_589 = vector.broadcast %mul3A_588 : f32 to vector<16xf32>
    %mul3A_590 = arith.mulf %mul3A_589, %add3A_579 : vector<16xf32>
    %mul3A_591 = arith.mulf %mul3A_590, %bitcast_convert_type3A_587 : vector<16xf32>
    %mul3A_592 = arith.mulf %mul3A_591, %bitcast_convert_type3A_587 : vector<16xf32>
    %sub3A_593 = arith.constant 1.500000e+00 : f32
    %sub3A_594 = vector.broadcast %sub3A_593 : f32 to vector<16xf32>
    %sub3A_595 = arith.subf %sub3A_594, %mul3A_592 : vector<16xf32>
    %mul3A_596 = arith.mulf %bitcast_convert_type3A_587, %sub3A_595 : vector<16xf32>
    %mul3A_597 = arith.mulf %mul3A_590, %mul3A_596 : vector<16xf32>
    %mul3A_598 = arith.mulf %mul3A_597, %mul3A_596 : vector<16xf32>
    %sub3A_599 = arith.constant 1.500000e+00 : f32
    %sub3A_600 = vector.broadcast %sub3A_599 : f32 to vector<16xf32>
    %sub3A_601 = arith.subf %sub3A_600, %mul3A_598 : vector<16xf32>
    %mul3A_602 = arith.mulf %mul3A_596, %sub3A_601 : vector<16xf32>
    %mul3A_603 = arith.mulf %select_n3A_575, %mul3A_602 : vector<16xf32>
    %mul3A_604 = arith.mulf %select_n3A_575, %sub3A_495 : vector<16xf32>
    %sub3A_605 = arith.subf %sub3A_465, %mul3A_604 : vector<16xf32>
    %mul3A_606 = arith.mulf %select_n3A_575, %sub3A_495 : vector<16xf32>
    %add3A_607 = arith.addf %sub3A_475, %mul3A_606 : vector<16xf32>
    %mul3A_608 = arith.constant 0.000000e+00 : f32
    %mul3A_609 = vector.broadcast %mul3A_608 : f32 to vector<16xf32>
    %mul3A_610 = arith.mulf %sub3A_495, %mul3A_609 : vector<16xf32>
    %mul3A_611 = arith.mulf %mul3A_602, %sub3A_505 : vector<16xf32>
    %mul3A_612 = arith.mulf %mul3A_603, %sub3A_515 : vector<16xf32>
    %sub3A_613 = arith.subf %mul3A_611, %mul3A_612 : vector<16xf32>
    %mul3A_614 = arith.mulf %mul3A_602, %sub3A_515 : vector<16xf32>
    %mul3A_615 = arith.mulf %mul3A_603, %sub3A_505 : vector<16xf32>
    %add3A_616 = arith.addf %mul3A_614, %mul3A_615 : vector<16xf32>
    %mul3A_617 = arith.mulf %mul3A_602, %broadcast_in_dim3A_517 : vector<16xf32>
    %mul3A_618 = arith.mulf %mul3A_603, %broadcast_in_dim3A_519 : vector<16xf32>
    %sub3A_619 = arith.subf %mul3A_617, %mul3A_618 : vector<16xf32>
    %mul3A_620 = arith.mulf %mul3A_603, %broadcast_in_dim3A_517 : vector<16xf32>
    %mul3A_621 = arith.mulf %mul3A_602, %broadcast_in_dim3A_519 : vector<16xf32>
    %add3A_622 = arith.addf %mul3A_620, %mul3A_621 : vector<16xf32>
    %mul3A_623 = arith.mulf %mul3A_602, %broadcast_in_dim3A_519 : vector<16xf32>
    %mul3A_624 = arith.mulf %mul3A_603, %broadcast_in_dim3A_517 : vector<16xf32>
    %sub3A_625 = arith.subf %mul3A_623, %mul3A_624 : vector<16xf32>
    %mul3A_626 = arith.mulf %mul3A_603, %broadcast_in_dim3A_519 : vector<16xf32>
    %mul3A_627 = arith.mulf %mul3A_602, %broadcast_in_dim3A_517 : vector<16xf32>
    %add3A_628 = arith.addf %mul3A_626, %mul3A_627 : vector<16xf32>
    %mul3A_629 = arith.mulf %mul3A_602, %broadcast_in_dim3A_519 : vector<16xf32>
    %mul3A_630 = arith.mulf %mul3A_603, %broadcast_in_dim3A_519 : vector<16xf32>
    %sub3A_631 = arith.subf %mul3A_629, %mul3A_630 : vector<16xf32>
    %mul3A_632 = arith.mulf %mul3A_603, %broadcast_in_dim3A_519 : vector<16xf32>
    %mul3A_633 = arith.mulf %mul3A_602, %broadcast_in_dim3A_519 : vector<16xf32>
    %add3A_634 = arith.addf %mul3A_632, %mul3A_633 : vector<16xf32>
    %eq3A_635 = arith.constant 0.000000e+00 : f32
    %eq3A_636 = vector.broadcast %eq3A_635 : f32 to vector<16xf32>
    %eq3A_637 = arith.cmpf oeq, %sub3A_613, %eq3A_636 : vector<16xf32>
    %jit3A_638 = arith.constant 1.000000e+00 : f32
    %broadcast_in_dim3A_639 = vector.broadcast %jit3A_638 : f32 to vector<16xf32>
    %select_n3A_640 = arith.select %eq3A_637, %broadcast_in_dim3A_639, %sub3A_613 : vector<16xi1>, vector<16xf32>
    %sub3A_641 = arith.subf %sub3A_485, %sub3A_605 : vector<16xf32>
    %mul3A_642 = arith.constant 5.000000e-01 : f32
    %mul3A_643 = vector.broadcast %mul3A_642 : f32 to vector<16xf32>
    %mul3A_644 = arith.mulf %sub3A_641, %mul3A_643 : vector<16xf32>
    %div3A_645 = arith.divf %mul3A_644, %select_n3A_640 : vector<16xf32>
    %min3A_646 = arith.constant 9.99999984E+17 : f32
    %min3A_647 = vector.broadcast %min3A_646 : f32 to vector<16xf32>
    %min3A_648 = arith.minimumf %div3A_645, %min3A_647 : vector<16xf32>
    %max3A_649 = arith.constant -9.99999984E+17 : f32
    %max3A_650 = vector.broadcast %max3A_649 : f32 to vector<16xf32>
    %max3A_651 = arith.maximumf %min3A_648, %max3A_650 : vector<16xf32>
    %ge3A_652 = arith.constant 0.000000e+00 : f32
    %ge3A_653 = vector.broadcast %ge3A_652 : f32 to vector<16xf32>
    %ge3A_654 = arith.cmpf oge, %max3A_651, %ge3A_653 : vector<16xf32>
    %jit3A_655 = arith.constant 1.000000e+00 : f32
    %jit3A_656 = arith.constant -1.000000e+00 : f32
    %broadcast_in_dim3A_657 = vector.broadcast %jit3A_655 : f32 to vector<16xf32>
    %broadcast_in_dim3A_658 = vector.broadcast %jit3A_656 : f32 to vector<16xf32>
    %select_n3A_659 = arith.select %ge3A_654, %broadcast_in_dim3A_657, %broadcast_in_dim3A_658 : vector<16xi1>, vector<16xf32>
    %abs3A_660 = math.absf %max3A_651 : vector<16xf32>
    %mul3A_661 = arith.mulf %max3A_651, %max3A_651 : vector<16xf32>
    %add3A_662 = arith.constant 1.000000e+00 : f32
    %add3A_663 = vector.broadcast %add3A_662 : f32 to vector<16xf32>
    %add3A_664 = arith.addf %add3A_663, %mul3A_661 : vector<16xf32>
    %max3A_665 = arith.constant 1.000000e-30 : f32
    %max3A_666 = vector.broadcast %max3A_665 : f32 to vector<16xf32>
    %max3A_667 = arith.maximumf %add3A_664, %max3A_666 : vector<16xf32>
    %bitcast_convert_type3A_668 = tpu.bitcast %max3A_667 : vector<16xf32> -> vector<16xi32>
    %shift_right_logical3A_669 = arith.constant 1 : i32
    %shift_right_logical3A_670 = vector.broadcast %shift_right_logical3A_669 : i32 to vector<16xi32>
    %shift_right_logical3A_671 = arith.shrui %bitcast_convert_type3A_668, %shift_right_logical3A_670 : vector<16xi32>
    %sub3A_672 = arith.constant 1597463007 : i32
    %sub3A_673 = vector.broadcast %sub3A_672 : i32 to vector<16xi32>
    %sub3A_674 = arith.subi %sub3A_673, %shift_right_logical3A_671 : vector<16xi32>
    %bitcast_convert_type3A_675 = tpu.bitcast %sub3A_674 : vector<16xi32> -> vector<16xf32>
    %mul3A_676 = arith.constant 5.000000e-01 : f32
    %mul3A_677 = vector.broadcast %mul3A_676 : f32 to vector<16xf32>
    %mul3A_678 = arith.mulf %mul3A_677, %max3A_667 : vector<16xf32>
    %mul3A_679 = arith.mulf %mul3A_678, %bitcast_convert_type3A_675 : vector<16xf32>
    %mul3A_680 = arith.mulf %mul3A_679, %bitcast_convert_type3A_675 : vector<16xf32>
    %sub3A_681 = arith.constant 1.500000e+00 : f32
    %sub3A_682 = vector.broadcast %sub3A_681 : f32 to vector<16xf32>
    %sub3A_683 = arith.subf %sub3A_682, %mul3A_680 : vector<16xf32>
    %mul3A_684 = arith.mulf %bitcast_convert_type3A_675, %sub3A_683 : vector<16xf32>
    %mul3A_685 = arith.mulf %mul3A_678, %mul3A_684 : vector<16xf32>
    %mul3A_686 = arith.mulf %mul3A_685, %mul3A_684 : vector<16xf32>
    %sub3A_687 = arith.constant 1.500000e+00 : f32
    %sub3A_688 = vector.broadcast %sub3A_687 : f32 to vector<16xf32>
    %sub3A_689 = arith.subf %sub3A_688, %mul3A_686 : vector<16xf32>
    %mul3A_690 = arith.mulf %mul3A_684, %sub3A_689 : vector<16xf32>
    %mul3A_691 = arith.mulf %max3A_667, %mul3A_690 : vector<16xf32>
    %add3A_692 = arith.addf %abs3A_660, %mul3A_691 : vector<16xf32>
    %div3A_693 = arith.divf %select_n3A_659, %add3A_692 : vector<16xf32>
    %jit3A_694 = arith.constant 0.000000e+00 : f32
    %broadcast_in_dim3A_695 = vector.broadcast %jit3A_694 : f32 to vector<16xf32>
    %select_n3A_696 = arith.select %eq3A_637, %broadcast_in_dim3A_695, %div3A_693 : vector<16xi1>, vector<16xf32>
    %mul3A_697 = arith.mulf %select_n3A_696, %select_n3A_696 : vector<16xf32>
    %add3A_698 = arith.constant 1.000000e+00 : f32
    %add3A_699 = vector.broadcast %add3A_698 : f32 to vector<16xf32>
    %add3A_700 = arith.addf %add3A_699, %mul3A_697 : vector<16xf32>
    %bitcast_convert_type3A_701 = tpu.bitcast %add3A_700 : vector<16xf32> -> vector<16xi32>
    %shift_right_logical3A_702 = arith.constant 1 : i32
    %shift_right_logical3A_703 = vector.broadcast %shift_right_logical3A_702 : i32 to vector<16xi32>
    %shift_right_logical3A_704 = arith.shrui %bitcast_convert_type3A_701, %shift_right_logical3A_703 : vector<16xi32>
    %sub3A_705 = arith.constant 1597463007 : i32
    %sub3A_706 = vector.broadcast %sub3A_705 : i32 to vector<16xi32>
    %sub3A_707 = arith.subi %sub3A_706, %shift_right_logical3A_704 : vector<16xi32>
    %bitcast_convert_type3A_708 = tpu.bitcast %sub3A_707 : vector<16xi32> -> vector<16xf32>
    %mul3A_709 = arith.constant 5.000000e-01 : f32
    %mul3A_710 = vector.broadcast %mul3A_709 : f32 to vector<16xf32>
    %mul3A_711 = arith.mulf %mul3A_710, %add3A_700 : vector<16xf32>
    %mul3A_712 = arith.mulf %mul3A_711, %bitcast_convert_type3A_708 : vector<16xf32>
    %mul3A_713 = arith.mulf %mul3A_712, %bitcast_convert_type3A_708 : vector<16xf32>
    %sub3A_714 = arith.constant 1.500000e+00 : f32
    %sub3A_715 = vector.broadcast %sub3A_714 : f32 to vector<16xf32>
    %sub3A_716 = arith.subf %sub3A_715, %mul3A_713 : vector<16xf32>
    %mul3A_717 = arith.mulf %bitcast_convert_type3A_708, %sub3A_716 : vector<16xf32>
    %mul3A_718 = arith.mulf %mul3A_711, %mul3A_717 : vector<16xf32>
    %mul3A_719 = arith.mulf %mul3A_718, %mul3A_717 : vector<16xf32>
    %sub3A_720 = arith.constant 1.500000e+00 : f32
    %sub3A_721 = vector.broadcast %sub3A_720 : f32 to vector<16xf32>
    %sub3A_722 = arith.subf %sub3A_721, %mul3A_719 : vector<16xf32>
    %mul3A_723 = arith.mulf %mul3A_717, %sub3A_722 : vector<16xf32>
    %mul3A_724 = arith.mulf %select_n3A_696, %mul3A_723 : vector<16xf32>
    %mul3A_725 = arith.mulf %select_n3A_696, %sub3A_613 : vector<16xf32>
    %sub3A_726 = arith.subf %sub3A_605, %mul3A_725 : vector<16xf32>
    %mul3A_727 = arith.mulf %select_n3A_696, %sub3A_613 : vector<16xf32>
    %add3A_728 = arith.addf %sub3A_485, %mul3A_727 : vector<16xf32>
    %mul3A_729 = arith.constant 0.000000e+00 : f32
    %mul3A_730 = vector.broadcast %mul3A_729 : f32 to vector<16xf32>
    %mul3A_731 = arith.mulf %sub3A_613, %mul3A_730 : vector<16xf32>
    %mul3A_732 = arith.mulf %mul3A_723, %mul3A_610 : vector<16xf32>
    %mul3A_733 = arith.mulf %mul3A_724, %add3A_616 : vector<16xf32>
    %sub3A_734 = arith.subf %mul3A_732, %mul3A_733 : vector<16xf32>
    %mul3A_735 = arith.mulf %mul3A_723, %add3A_616 : vector<16xf32>
    %mul3A_736 = arith.mulf %mul3A_724, %mul3A_610 : vector<16xf32>
    %add3A_737 = arith.addf %mul3A_735, %mul3A_736 : vector<16xf32>
    %mul3A_738 = arith.mulf %mul3A_723, %sub3A_619 : vector<16xf32>
    %mul3A_739 = arith.mulf %mul3A_724, %broadcast_in_dim3A_519 : vector<16xf32>
    %sub3A_740 = arith.subf %mul3A_738, %mul3A_739 : vector<16xf32>
    %mul3A_741 = arith.mulf %mul3A_724, %sub3A_619 : vector<16xf32>
    %mul3A_742 = arith.mulf %mul3A_723, %broadcast_in_dim3A_519 : vector<16xf32>
    %add3A_743 = arith.addf %mul3A_741, %mul3A_742 : vector<16xf32>
    %mul3A_744 = arith.mulf %mul3A_723, %sub3A_625 : vector<16xf32>
    %mul3A_745 = arith.mulf %mul3A_724, %broadcast_in_dim3A_519 : vector<16xf32>
    %sub3A_746 = arith.subf %mul3A_744, %mul3A_745 : vector<16xf32>
    %mul3A_747 = arith.mulf %mul3A_724, %sub3A_625 : vector<16xf32>
    %mul3A_748 = arith.mulf %mul3A_723, %broadcast_in_dim3A_519 : vector<16xf32>
    %add3A_749 = arith.addf %mul3A_747, %mul3A_748 : vector<16xf32>
    %mul3A_750 = arith.mulf %mul3A_723, %sub3A_631 : vector<16xf32>
    %mul3A_751 = arith.mulf %mul3A_724, %broadcast_in_dim3A_517 : vector<16xf32>
    %sub3A_752 = arith.subf %mul3A_750, %mul3A_751 : vector<16xf32>
    %mul3A_753 = arith.mulf %mul3A_724, %sub3A_631 : vector<16xf32>
    %mul3A_754 = arith.mulf %mul3A_723, %broadcast_in_dim3A_517 : vector<16xf32>
    %add3A_755 = arith.addf %mul3A_753, %mul3A_754 : vector<16xf32>
    %eq3A_756 = arith.constant 0.000000e+00 : f32
    %eq3A_757 = vector.broadcast %eq3A_756 : f32 to vector<16xf32>
    %eq3A_758 = arith.cmpf oeq, %add3A_737, %eq3A_757 : vector<16xf32>
    %jit3A_759 = arith.constant 1.000000e+00 : f32
    %broadcast_in_dim3A_760 = vector.broadcast %jit3A_759 : f32 to vector<16xf32>
    %select_n3A_761 = arith.select %eq3A_758, %broadcast_in_dim3A_760, %add3A_737 : vector<16xi1>, vector<16xf32>
    %sub3A_762 = arith.subf %add3A_728, %add3A_607 : vector<16xf32>
    %mul3A_763 = arith.constant 5.000000e-01 : f32
    %mul3A_764 = vector.broadcast %mul3A_763 : f32 to vector<16xf32>
    %mul3A_765 = arith.mulf %sub3A_762, %mul3A_764 : vector<16xf32>
    %div3A_766 = arith.divf %mul3A_765, %select_n3A_761 : vector<16xf32>
    %min3A_767 = arith.constant 9.99999984E+17 : f32
    %min3A_768 = vector.broadcast %min3A_767 : f32 to vector<16xf32>
    %min3A_769 = arith.minimumf %div3A_766, %min3A_768 : vector<16xf32>
    %max3A_770 = arith.constant -9.99999984E+17 : f32
    %max3A_771 = vector.broadcast %max3A_770 : f32 to vector<16xf32>
    %max3A_772 = arith.maximumf %min3A_769, %max3A_771 : vector<16xf32>
    %ge3A_773 = arith.constant 0.000000e+00 : f32
    %ge3A_774 = vector.broadcast %ge3A_773 : f32 to vector<16xf32>
    %ge3A_775 = arith.cmpf oge, %max3A_772, %ge3A_774 : vector<16xf32>
    %jit3A_776 = arith.constant 1.000000e+00 : f32
    %jit3A_777 = arith.constant -1.000000e+00 : f32
    %broadcast_in_dim3A_778 = vector.broadcast %jit3A_776 : f32 to vector<16xf32>
    %broadcast_in_dim3A_779 = vector.broadcast %jit3A_777 : f32 to vector<16xf32>
    %select_n3A_780 = arith.select %ge3A_775, %broadcast_in_dim3A_778, %broadcast_in_dim3A_779 : vector<16xi1>, vector<16xf32>
    %abs3A_781 = math.absf %max3A_772 : vector<16xf32>
    %mul3A_782 = arith.mulf %max3A_772, %max3A_772 : vector<16xf32>
    %add3A_783 = arith.constant 1.000000e+00 : f32
    %add3A_784 = vector.broadcast %add3A_783 : f32 to vector<16xf32>
    %add3A_785 = arith.addf %add3A_784, %mul3A_782 : vector<16xf32>
    %max3A_786 = arith.constant 1.000000e-30 : f32
    %max3A_787 = vector.broadcast %max3A_786 : f32 to vector<16xf32>
    %max3A_788 = arith.maximumf %add3A_785, %max3A_787 : vector<16xf32>
    %bitcast_convert_type3A_789 = tpu.bitcast %max3A_788 : vector<16xf32> -> vector<16xi32>
    %shift_right_logical3A_790 = arith.constant 1 : i32
    %shift_right_logical3A_791 = vector.broadcast %shift_right_logical3A_790 : i32 to vector<16xi32>
    %shift_right_logical3A_792 = arith.shrui %bitcast_convert_type3A_789, %shift_right_logical3A_791 : vector<16xi32>
    %sub3A_793 = arith.constant 1597463007 : i32
    %sub3A_794 = vector.broadcast %sub3A_793 : i32 to vector<16xi32>
    %sub3A_795 = arith.subi %sub3A_794, %shift_right_logical3A_792 : vector<16xi32>
    %bitcast_convert_type3A_796 = tpu.bitcast %sub3A_795 : vector<16xi32> -> vector<16xf32>
    %mul3A_797 = arith.constant 5.000000e-01 : f32
    %mul3A_798 = vector.broadcast %mul3A_797 : f32 to vector<16xf32>
    %mul3A_799 = arith.mulf %mul3A_798, %max3A_788 : vector<16xf32>
    %mul3A_800 = arith.mulf %mul3A_799, %bitcast_convert_type3A_796 : vector<16xf32>
    %mul3A_801 = arith.mulf %mul3A_800, %bitcast_convert_type3A_796 : vector<16xf32>
    %sub3A_802 = arith.constant 1.500000e+00 : f32
    %sub3A_803 = vector.broadcast %sub3A_802 : f32 to vector<16xf32>
    %sub3A_804 = arith.subf %sub3A_803, %mul3A_801 : vector<16xf32>
    %mul3A_805 = arith.mulf %bitcast_convert_type3A_796, %sub3A_804 : vector<16xf32>
    %mul3A_806 = arith.mulf %mul3A_799, %mul3A_805 : vector<16xf32>
    %mul3A_807 = arith.mulf %mul3A_806, %mul3A_805 : vector<16xf32>
    %sub3A_808 = arith.constant 1.500000e+00 : f32
    %sub3A_809 = vector.broadcast %sub3A_808 : f32 to vector<16xf32>
    %sub3A_810 = arith.subf %sub3A_809, %mul3A_807 : vector<16xf32>
    %mul3A_811 = arith.mulf %mul3A_805, %sub3A_810 : vector<16xf32>
    %mul3A_812 = arith.mulf %max3A_788, %mul3A_811 : vector<16xf32>
    %add3A_813 = arith.addf %abs3A_781, %mul3A_812 : vector<16xf32>
    %div3A_814 = arith.divf %select_n3A_780, %add3A_813 : vector<16xf32>
    %jit3A_815 = arith.constant 0.000000e+00 : f32
    %broadcast_in_dim3A_816 = vector.broadcast %jit3A_815 : f32 to vector<16xf32>
    %select_n3A_817 = arith.select %eq3A_758, %broadcast_in_dim3A_816, %div3A_814 : vector<16xi1>, vector<16xf32>
    %mul3A_818 = arith.mulf %select_n3A_817, %select_n3A_817 : vector<16xf32>
    %add3A_819 = arith.constant 1.000000e+00 : f32
    %add3A_820 = vector.broadcast %add3A_819 : f32 to vector<16xf32>
    %add3A_821 = arith.addf %add3A_820, %mul3A_818 : vector<16xf32>
    %bitcast_convert_type3A_822 = tpu.bitcast %add3A_821 : vector<16xf32> -> vector<16xi32>
    %shift_right_logical3A_823 = arith.constant 1 : i32
    %shift_right_logical3A_824 = vector.broadcast %shift_right_logical3A_823 : i32 to vector<16xi32>
    %shift_right_logical3A_825 = arith.shrui %bitcast_convert_type3A_822, %shift_right_logical3A_824 : vector<16xi32>
    %sub3A_826 = arith.constant 1597463007 : i32
    %sub3A_827 = vector.broadcast %sub3A_826 : i32 to vector<16xi32>
    %sub3A_828 = arith.subi %sub3A_827, %shift_right_logical3A_825 : vector<16xi32>
    %bitcast_convert_type3A_829 = tpu.bitcast %sub3A_828 : vector<16xi32> -> vector<16xf32>
    %mul3A_830 = arith.constant 5.000000e-01 : f32
    %mul3A_831 = vector.broadcast %mul3A_830 : f32 to vector<16xf32>
    %mul3A_832 = arith.mulf %mul3A_831, %add3A_821 : vector<16xf32>
    %mul3A_833 = arith.mulf %mul3A_832, %bitcast_convert_type3A_829 : vector<16xf32>
    %mul3A_834 = arith.mulf %mul3A_833, %bitcast_convert_type3A_829 : vector<16xf32>
    %sub3A_835 = arith.constant 1.500000e+00 : f32
    %sub3A_836 = vector.broadcast %sub3A_835 : f32 to vector<16xf32>
    %sub3A_837 = arith.subf %sub3A_836, %mul3A_834 : vector<16xf32>
    %mul3A_838 = arith.mulf %bitcast_convert_type3A_829, %sub3A_837 : vector<16xf32>
    %mul3A_839 = arith.mulf %mul3A_832, %mul3A_838 : vector<16xf32>
    %mul3A_840 = arith.mulf %mul3A_839, %mul3A_838 : vector<16xf32>
    %sub3A_841 = arith.constant 1.500000e+00 : f32
    %sub3A_842 = vector.broadcast %sub3A_841 : f32 to vector<16xf32>
    %sub3A_843 = arith.subf %sub3A_842, %mul3A_840 : vector<16xf32>
    %mul3A_844 = arith.mulf %mul3A_838, %sub3A_843 : vector<16xf32>
    %mul3A_845 = arith.mulf %select_n3A_817, %mul3A_844 : vector<16xf32>
    %mul3A_846 = arith.mulf %select_n3A_817, %add3A_737 : vector<16xf32>
    %sub3A_847 = arith.subf %add3A_607, %mul3A_846 : vector<16xf32>
    %mul3A_848 = arith.mulf %select_n3A_817, %add3A_737 : vector<16xf32>
    %add3A_849 = arith.addf %add3A_728, %mul3A_848 : vector<16xf32>
    %mul3A_850 = arith.constant 0.000000e+00 : f32
    %mul3A_851 = vector.broadcast %mul3A_850 : f32 to vector<16xf32>
    %mul3A_852 = arith.mulf %add3A_737, %mul3A_851 : vector<16xf32>
    %mul3A_853 = arith.mulf %mul3A_844, %sub3A_734 : vector<16xf32>
    %mul3A_854 = arith.mulf %mul3A_845, %mul3A_731 : vector<16xf32>
    %sub3A_855 = arith.subf %mul3A_853, %mul3A_854 : vector<16xf32>
    %mul3A_856 = arith.mulf %mul3A_844, %mul3A_731 : vector<16xf32>
    %mul3A_857 = arith.mulf %mul3A_845, %sub3A_734 : vector<16xf32>
    %add3A_858 = arith.addf %mul3A_856, %mul3A_857 : vector<16xf32>
    %mul3A_859 = arith.mulf %mul3A_844, %add3A_622 : vector<16xf32>
    %mul3A_860 = arith.mulf %mul3A_845, %add3A_743 : vector<16xf32>
    %sub3A_861 = arith.subf %mul3A_859, %mul3A_860 : vector<16xf32>
    %mul3A_862 = arith.mulf %mul3A_845, %add3A_622 : vector<16xf32>
    %mul3A_863 = arith.mulf %mul3A_844, %add3A_743 : vector<16xf32>
    %add3A_864 = arith.addf %mul3A_862, %mul3A_863 : vector<16xf32>
    %mul3A_865 = arith.mulf %mul3A_844, %add3A_628 : vector<16xf32>
    %mul3A_866 = arith.mulf %mul3A_845, %add3A_749 : vector<16xf32>
    %sub3A_867 = arith.subf %mul3A_865, %mul3A_866 : vector<16xf32>
    %mul3A_868 = arith.mulf %mul3A_845, %add3A_628 : vector<16xf32>
    %mul3A_869 = arith.mulf %mul3A_844, %add3A_749 : vector<16xf32>
    %add3A_870 = arith.addf %mul3A_868, %mul3A_869 : vector<16xf32>
    %mul3A_871 = arith.mulf %mul3A_844, %add3A_634 : vector<16xf32>
    %mul3A_872 = arith.mulf %mul3A_845, %add3A_755 : vector<16xf32>
    %sub3A_873 = arith.subf %mul3A_871, %mul3A_872 : vector<16xf32>
    %mul3A_874 = arith.mulf %mul3A_845, %add3A_634 : vector<16xf32>
    %mul3A_875 = arith.mulf %mul3A_844, %add3A_755 : vector<16xf32>
    %add3A_876 = arith.addf %mul3A_874, %mul3A_875 : vector<16xf32>
    %eq3A_877 = arith.constant 0.000000e+00 : f32
    %eq3A_878 = vector.broadcast %eq3A_877 : f32 to vector<16xf32>
    %eq3A_879 = arith.cmpf oeq, %sub3A_855, %eq3A_878 : vector<16xf32>
    %jit3A_880 = arith.constant 1.000000e+00 : f32
    %broadcast_in_dim3A_881 = vector.broadcast %jit3A_880 : f32 to vector<16xf32>
    %select_n3A_882 = arith.select %eq3A_879, %broadcast_in_dim3A_881, %sub3A_855 : vector<16xi1>, vector<16xf32>
    %sub3A_883 = arith.subf %sub3A_847, %sub3A_726 : vector<16xf32>
    %mul3A_884 = arith.constant 5.000000e-01 : f32
    %mul3A_885 = vector.broadcast %mul3A_884 : f32 to vector<16xf32>
    %mul3A_886 = arith.mulf %sub3A_883, %mul3A_885 : vector<16xf32>
    %div3A_887 = arith.divf %mul3A_886, %select_n3A_882 : vector<16xf32>
    %min3A_888 = arith.constant 9.99999984E+17 : f32
    %min3A_889 = vector.broadcast %min3A_888 : f32 to vector<16xf32>
    %min3A_890 = arith.minimumf %div3A_887, %min3A_889 : vector<16xf32>
    %max3A_891 = arith.constant -9.99999984E+17 : f32
    %max3A_892 = vector.broadcast %max3A_891 : f32 to vector<16xf32>
    %max3A_893 = arith.maximumf %min3A_890, %max3A_892 : vector<16xf32>
    %ge3A_894 = arith.constant 0.000000e+00 : f32
    %ge3A_895 = vector.broadcast %ge3A_894 : f32 to vector<16xf32>
    %ge3A_896 = arith.cmpf oge, %max3A_893, %ge3A_895 : vector<16xf32>
    %jit3A_897 = arith.constant 1.000000e+00 : f32
    %jit3A_898 = arith.constant -1.000000e+00 : f32
    %broadcast_in_dim3A_899 = vector.broadcast %jit3A_897 : f32 to vector<16xf32>
    %broadcast_in_dim3A_900 = vector.broadcast %jit3A_898 : f32 to vector<16xf32>
    %select_n3A_901 = arith.select %ge3A_896, %broadcast_in_dim3A_899, %broadcast_in_dim3A_900 : vector<16xi1>, vector<16xf32>
    %abs3A_902 = math.absf %max3A_893 : vector<16xf32>
    %mul3A_903 = arith.mulf %max3A_893, %max3A_893 : vector<16xf32>
    %add3A_904 = arith.constant 1.000000e+00 : f32
    %add3A_905 = vector.broadcast %add3A_904 : f32 to vector<16xf32>
    %add3A_906 = arith.addf %add3A_905, %mul3A_903 : vector<16xf32>
    %max3A_907 = arith.constant 1.000000e-30 : f32
    %max3A_908 = vector.broadcast %max3A_907 : f32 to vector<16xf32>
    %max3A_909 = arith.maximumf %add3A_906, %max3A_908 : vector<16xf32>
    %bitcast_convert_type3A_910 = tpu.bitcast %max3A_909 : vector<16xf32> -> vector<16xi32>
    %shift_right_logical3A_911 = arith.constant 1 : i32
    %shift_right_logical3A_912 = vector.broadcast %shift_right_logical3A_911 : i32 to vector<16xi32>
    %shift_right_logical3A_913 = arith.shrui %bitcast_convert_type3A_910, %shift_right_logical3A_912 : vector<16xi32>
    %sub3A_914 = arith.constant 1597463007 : i32
    %sub3A_915 = vector.broadcast %sub3A_914 : i32 to vector<16xi32>
    %sub3A_916 = arith.subi %sub3A_915, %shift_right_logical3A_913 : vector<16xi32>
    %bitcast_convert_type3A_917 = tpu.bitcast %sub3A_916 : vector<16xi32> -> vector<16xf32>
    %mul3A_918 = arith.constant 5.000000e-01 : f32
    %mul3A_919 = vector.broadcast %mul3A_918 : f32 to vector<16xf32>
    %mul3A_920 = arith.mulf %mul3A_919, %max3A_909 : vector<16xf32>
    %mul3A_921 = arith.mulf %mul3A_920, %bitcast_convert_type3A_917 : vector<16xf32>
    %mul3A_922 = arith.mulf %mul3A_921, %bitcast_convert_type3A_917 : vector<16xf32>
    %sub3A_923 = arith.constant 1.500000e+00 : f32
    %sub3A_924 = vector.broadcast %sub3A_923 : f32 to vector<16xf32>
    %sub3A_925 = arith.subf %sub3A_924, %mul3A_922 : vector<16xf32>
    %mul3A_926 = arith.mulf %bitcast_convert_type3A_917, %sub3A_925 : vector<16xf32>
    %mul3A_927 = arith.mulf %mul3A_920, %mul3A_926 : vector<16xf32>
    %mul3A_928 = arith.mulf %mul3A_927, %mul3A_926 : vector<16xf32>
    %sub3A_929 = arith.constant 1.500000e+00 : f32
    %sub3A_930 = vector.broadcast %sub3A_929 : f32 to vector<16xf32>
    %sub3A_931 = arith.subf %sub3A_930, %mul3A_928 : vector<16xf32>
    %mul3A_932 = arith.mulf %mul3A_926, %sub3A_931 : vector<16xf32>
    %mul3A_933 = arith.mulf %max3A_909, %mul3A_932 : vector<16xf32>
    %add3A_934 = arith.addf %abs3A_902, %mul3A_933 : vector<16xf32>
    %div3A_935 = arith.divf %select_n3A_901, %add3A_934 : vector<16xf32>
    %jit3A_936 = arith.constant 0.000000e+00 : f32
    %broadcast_in_dim3A_937 = vector.broadcast %jit3A_936 : f32 to vector<16xf32>
    %select_n3A_938 = arith.select %eq3A_879, %broadcast_in_dim3A_937, %div3A_935 : vector<16xi1>, vector<16xf32>
    %mul3A_939 = arith.mulf %select_n3A_938, %select_n3A_938 : vector<16xf32>
    %add3A_940 = arith.constant 1.000000e+00 : f32
    %add3A_941 = vector.broadcast %add3A_940 : f32 to vector<16xf32>
    %add3A_942 = arith.addf %add3A_941, %mul3A_939 : vector<16xf32>
    %bitcast_convert_type3A_943 = tpu.bitcast %add3A_942 : vector<16xf32> -> vector<16xi32>
    %shift_right_logical3A_944 = arith.constant 1 : i32
    %shift_right_logical3A_945 = vector.broadcast %shift_right_logical3A_944 : i32 to vector<16xi32>
    %shift_right_logical3A_946 = arith.shrui %bitcast_convert_type3A_943, %shift_right_logical3A_945 : vector<16xi32>
    %sub3A_947 = arith.constant 1597463007 : i32
    %sub3A_948 = vector.broadcast %sub3A_947 : i32 to vector<16xi32>
    %sub3A_949 = arith.subi %sub3A_948, %shift_right_logical3A_946 : vector<16xi32>
    %bitcast_convert_type3A_950 = tpu.bitcast %sub3A_949 : vector<16xi32> -> vector<16xf32>
    %mul3A_951 = arith.constant 5.000000e-01 : f32
    %mul3A_952 = vector.broadcast %mul3A_951 : f32 to vector<16xf32>
    %mul3A_953 = arith.mulf %mul3A_952, %add3A_942 : vector<16xf32>
    %mul3A_954 = arith.mulf %mul3A_953, %bitcast_convert_type3A_950 : vector<16xf32>
    %mul3A_955 = arith.mulf %mul3A_954, %bitcast_convert_type3A_950 : vector<16xf32>
    %sub3A_956 = arith.constant 1.500000e+00 : f32
    %sub3A_957 = vector.broadcast %sub3A_956 : f32 to vector<16xf32>
    %sub3A_958 = arith.subf %sub3A_957, %mul3A_955 : vector<16xf32>
    %mul3A_959 = arith.mulf %bitcast_convert_type3A_950, %sub3A_958 : vector<16xf32>
    %mul3A_960 = arith.mulf %mul3A_953, %mul3A_959 : vector<16xf32>
    %mul3A_961 = arith.mulf %mul3A_960, %mul3A_959 : vector<16xf32>
    %sub3A_962 = arith.constant 1.500000e+00 : f32
    %sub3A_963 = vector.broadcast %sub3A_962 : f32 to vector<16xf32>
    %sub3A_964 = arith.subf %sub3A_963, %mul3A_961 : vector<16xf32>
    %mul3A_965 = arith.mulf %mul3A_959, %sub3A_964 : vector<16xf32>
    %mul3A_966 = arith.mulf %select_n3A_938, %mul3A_965 : vector<16xf32>
    %mul3A_967 = arith.mulf %select_n3A_938, %sub3A_855 : vector<16xf32>
    %sub3A_968 = arith.subf %sub3A_726, %mul3A_967 : vector<16xf32>
    %mul3A_969 = arith.mulf %select_n3A_938, %sub3A_855 : vector<16xf32>
    %add3A_970 = arith.addf %sub3A_847, %mul3A_969 : vector<16xf32>
    %mul3A_971 = arith.constant 0.000000e+00 : f32
    %mul3A_972 = vector.broadcast %mul3A_971 : f32 to vector<16xf32>
    %mul3A_973 = arith.mulf %sub3A_855, %mul3A_972 : vector<16xf32>
    %mul3A_974 = arith.mulf %mul3A_965, %add3A_858 : vector<16xf32>
    %mul3A_975 = arith.mulf %mul3A_966, %mul3A_852 : vector<16xf32>
    %sub3A_976 = arith.subf %mul3A_974, %mul3A_975 : vector<16xf32>
    %mul3A_977 = arith.mulf %mul3A_965, %mul3A_852 : vector<16xf32>
    %mul3A_978 = arith.mulf %mul3A_966, %add3A_858 : vector<16xf32>
    %add3A_979 = arith.addf %mul3A_977, %mul3A_978 : vector<16xf32>
    %mul3A_980 = arith.mulf %mul3A_965, %sub3A_740 : vector<16xf32>
    %mul3A_981 = arith.mulf %mul3A_966, %sub3A_861 : vector<16xf32>
    %sub3A_982 = arith.subf %mul3A_980, %mul3A_981 : vector<16xf32>
    %mul3A_983 = arith.mulf %mul3A_966, %sub3A_740 : vector<16xf32>
    %mul3A_984 = arith.mulf %mul3A_965, %sub3A_861 : vector<16xf32>
    %add3A_985 = arith.addf %mul3A_983, %mul3A_984 : vector<16xf32>
    %mul3A_986 = arith.mulf %mul3A_965, %sub3A_746 : vector<16xf32>
    %mul3A_987 = arith.mulf %mul3A_966, %sub3A_867 : vector<16xf32>
    %sub3A_988 = arith.subf %mul3A_986, %mul3A_987 : vector<16xf32>
    %mul3A_989 = arith.mulf %mul3A_966, %sub3A_746 : vector<16xf32>
    %mul3A_990 = arith.mulf %mul3A_965, %sub3A_867 : vector<16xf32>
    %add3A_991 = arith.addf %mul3A_989, %mul3A_990 : vector<16xf32>
    %mul3A_992 = arith.mulf %mul3A_965, %sub3A_752 : vector<16xf32>
    %mul3A_993 = arith.mulf %mul3A_966, %sub3A_873 : vector<16xf32>
    %sub3A_994 = arith.subf %mul3A_992, %mul3A_993 : vector<16xf32>
    %mul3A_995 = arith.mulf %mul3A_966, %sub3A_752 : vector<16xf32>
    %mul3A_996 = arith.mulf %mul3A_965, %sub3A_873 : vector<16xf32>
    %add3A_997 = arith.addf %mul3A_995, %mul3A_996 : vector<16xf32>
    %eq3A_998 = arith.constant 0.000000e+00 : f32
    %eq3A_999 = vector.broadcast %eq3A_998 : f32 to vector<16xf32>
    %eq3A_1000 = arith.cmpf oeq, %sub3A_976, %eq3A_999 : vector<16xf32>
    %jit3A_1001 = arith.constant 1.000000e+00 : f32
    %broadcast_in_dim3A_1002 = vector.broadcast %jit3A_1001 : f32 to vector<16xf32>
    %select_n3A_1003 = arith.select %eq3A_1000, %broadcast_in_dim3A_1002, %sub3A_976 : vector<16xi1>, vector<16xf32>
    %sub3A_1004 = arith.subf %add3A_849, %sub3A_968 : vector<16xf32>
    %mul3A_1005 = arith.constant 5.000000e-01 : f32
    %mul3A_1006 = vector.broadcast %mul3A_1005 : f32 to vector<16xf32>
    %mul3A_1007 = arith.mulf %sub3A_1004, %mul3A_1006 : vector<16xf32>
    %div3A_1008 = arith.divf %mul3A_1007, %select_n3A_1003 : vector<16xf32>
    %min3A_1009 = arith.constant 9.99999984E+17 : f32
    %min3A_1010 = vector.broadcast %min3A_1009 : f32 to vector<16xf32>
    %min3A_1011 = arith.minimumf %div3A_1008, %min3A_1010 : vector<16xf32>
    %max3A_1012 = arith.constant -9.99999984E+17 : f32
    %max3A_1013 = vector.broadcast %max3A_1012 : f32 to vector<16xf32>
    %max3A_1014 = arith.maximumf %min3A_1011, %max3A_1013 : vector<16xf32>
    %ge3A_1015 = arith.constant 0.000000e+00 : f32
    %ge3A_1016 = vector.broadcast %ge3A_1015 : f32 to vector<16xf32>
    %ge3A_1017 = arith.cmpf oge, %max3A_1014, %ge3A_1016 : vector<16xf32>
    %jit3A_1018 = arith.constant 1.000000e+00 : f32
    %jit3A_1019 = arith.constant -1.000000e+00 : f32
    %broadcast_in_dim3A_1020 = vector.broadcast %jit3A_1018 : f32 to vector<16xf32>
    %broadcast_in_dim3A_1021 = vector.broadcast %jit3A_1019 : f32 to vector<16xf32>
    %select_n3A_1022 = arith.select %ge3A_1017, %broadcast_in_dim3A_1020, %broadcast_in_dim3A_1021 : vector<16xi1>, vector<16xf32>
    %abs3A_1023 = math.absf %max3A_1014 : vector<16xf32>
    %mul3A_1024 = arith.mulf %max3A_1014, %max3A_1014 : vector<16xf32>
    %add3A_1025 = arith.constant 1.000000e+00 : f32
    %add3A_1026 = vector.broadcast %add3A_1025 : f32 to vector<16xf32>
    %add3A_1027 = arith.addf %add3A_1026, %mul3A_1024 : vector<16xf32>
    %max3A_1028 = arith.constant 1.000000e-30 : f32
    %max3A_1029 = vector.broadcast %max3A_1028 : f32 to vector<16xf32>
    %max3A_1030 = arith.maximumf %add3A_1027, %max3A_1029 : vector<16xf32>
    %bitcast_convert_type3A_1031 = tpu.bitcast %max3A_1030 : vector<16xf32> -> vector<16xi32>
    %shift_right_logical3A_1032 = arith.constant 1 : i32
    %shift_right_logical3A_1033 = vector.broadcast %shift_right_logical3A_1032 : i32 to vector<16xi32>
    %shift_right_logical3A_1034 = arith.shrui %bitcast_convert_type3A_1031, %shift_right_logical3A_1033 : vector<16xi32>
    %sub3A_1035 = arith.constant 1597463007 : i32
    %sub3A_1036 = vector.broadcast %sub3A_1035 : i32 to vector<16xi32>
    %sub3A_1037 = arith.subi %sub3A_1036, %shift_right_logical3A_1034 : vector<16xi32>
    %bitcast_convert_type3A_1038 = tpu.bitcast %sub3A_1037 : vector<16xi32> -> vector<16xf32>
    %mul3A_1039 = arith.constant 5.000000e-01 : f32
    %mul3A_1040 = vector.broadcast %mul3A_1039 : f32 to vector<16xf32>
    %mul3A_1041 = arith.mulf %mul3A_1040, %max3A_1030 : vector<16xf32>
    %mul3A_1042 = arith.mulf %mul3A_1041, %bitcast_convert_type3A_1038 : vector<16xf32>
    %mul3A_1043 = arith.mulf %mul3A_1042, %bitcast_convert_type3A_1038 : vector<16xf32>
    %sub3A_1044 = arith.constant 1.500000e+00 : f32
    %sub3A_1045 = vector.broadcast %sub3A_1044 : f32 to vector<16xf32>
    %sub3A_1046 = arith.subf %sub3A_1045, %mul3A_1043 : vector<16xf32>
    %mul3A_1047 = arith.mulf %bitcast_convert_type3A_1038, %sub3A_1046 : vector<16xf32>
    %mul3A_1048 = arith.mulf %mul3A_1041, %mul3A_1047 : vector<16xf32>
    %mul3A_1049 = arith.mulf %mul3A_1048, %mul3A_1047 : vector<16xf32>
    %sub3A_1050 = arith.constant 1.500000e+00 : f32
    %sub3A_1051 = vector.broadcast %sub3A_1050 : f32 to vector<16xf32>
    %sub3A_1052 = arith.subf %sub3A_1051, %mul3A_1049 : vector<16xf32>
    %mul3A_1053 = arith.mulf %mul3A_1047, %sub3A_1052 : vector<16xf32>
    %mul3A_1054 = arith.mulf %max3A_1030, %mul3A_1053 : vector<16xf32>
    %add3A_1055 = arith.addf %abs3A_1023, %mul3A_1054 : vector<16xf32>
    %div3A_1056 = arith.divf %select_n3A_1022, %add3A_1055 : vector<16xf32>
    %jit3A_1057 = arith.constant 0.000000e+00 : f32
    %broadcast_in_dim3A_1058 = vector.broadcast %jit3A_1057 : f32 to vector<16xf32>
    %select_n3A_1059 = arith.select %eq3A_1000, %broadcast_in_dim3A_1058, %div3A_1056 : vector<16xi1>, vector<16xf32>
    %mul3A_1060 = arith.mulf %select_n3A_1059, %select_n3A_1059 : vector<16xf32>
    %add3A_1061 = arith.constant 1.000000e+00 : f32
    %add3A_1062 = vector.broadcast %add3A_1061 : f32 to vector<16xf32>
    %add3A_1063 = arith.addf %add3A_1062, %mul3A_1060 : vector<16xf32>
    %bitcast_convert_type3A_1064 = tpu.bitcast %add3A_1063 : vector<16xf32> -> vector<16xi32>
    %shift_right_logical3A_1065 = arith.constant 1 : i32
    %shift_right_logical3A_1066 = vector.broadcast %shift_right_logical3A_1065 : i32 to vector<16xi32>
    %shift_right_logical3A_1067 = arith.shrui %bitcast_convert_type3A_1064, %shift_right_logical3A_1066 : vector<16xi32>
    %sub3A_1068 = arith.constant 1597463007 : i32
    %sub3A_1069 = vector.broadcast %sub3A_1068 : i32 to vector<16xi32>
    %sub3A_1070 = arith.subi %sub3A_1069, %shift_right_logical3A_1067 : vector<16xi32>
    %bitcast_convert_type3A_1071 = tpu.bitcast %sub3A_1070 : vector<16xi32> -> vector<16xf32>
    %mul3A_1072 = arith.constant 5.000000e-01 : f32
    %mul3A_1073 = vector.broadcast %mul3A_1072 : f32 to vector<16xf32>
    %mul3A_1074 = arith.mulf %mul3A_1073, %add3A_1063 : vector<16xf32>
    %mul3A_1075 = arith.mulf %mul3A_1074, %bitcast_convert_type3A_1071 : vector<16xf32>
    %mul3A_1076 = arith.mulf %mul3A_1075, %bitcast_convert_type3A_1071 : vector<16xf32>
    %sub3A_1077 = arith.constant 1.500000e+00 : f32
    %sub3A_1078 = vector.broadcast %sub3A_1077 : f32 to vector<16xf32>
    %sub3A_1079 = arith.subf %sub3A_1078, %mul3A_1076 : vector<16xf32>
    %mul3A_1080 = arith.mulf %bitcast_convert_type3A_1071, %sub3A_1079 : vector<16xf32>
    %mul3A_1081 = arith.mulf %mul3A_1074, %mul3A_1080 : vector<16xf32>
    %mul3A_1082 = arith.mulf %mul3A_1081, %mul3A_1080 : vector<16xf32>
    %sub3A_1083 = arith.constant 1.500000e+00 : f32
    %sub3A_1084 = vector.broadcast %sub3A_1083 : f32 to vector<16xf32>
    %sub3A_1085 = arith.subf %sub3A_1084, %mul3A_1082 : vector<16xf32>
    %mul3A_1086 = arith.mulf %mul3A_1080, %sub3A_1085 : vector<16xf32>
    %mul3A_1087 = arith.mulf %select_n3A_1059, %mul3A_1086 : vector<16xf32>
    %mul3A_1088 = arith.mulf %select_n3A_1059, %sub3A_976 : vector<16xf32>
    %sub3A_1089 = arith.subf %sub3A_968, %mul3A_1088 : vector<16xf32>
    %mul3A_1090 = arith.mulf %select_n3A_1059, %sub3A_976 : vector<16xf32>
    %add3A_1091 = arith.addf %add3A_849, %mul3A_1090 : vector<16xf32>
    %mul3A_1092 = arith.constant 0.000000e+00 : f32
    %mul3A_1093 = vector.broadcast %mul3A_1092 : f32 to vector<16xf32>
    %mul3A_1094 = arith.mulf %sub3A_976, %mul3A_1093 : vector<16xf32>
    %mul3A_1095 = arith.mulf %mul3A_1086, %mul3A_973 : vector<16xf32>
    %mul3A_1096 = arith.mulf %mul3A_1087, %add3A_979 : vector<16xf32>
    %sub3A_1097 = arith.subf %mul3A_1095, %mul3A_1096 : vector<16xf32>
    %mul3A_1098 = arith.mulf %mul3A_1086, %add3A_979 : vector<16xf32>
    %mul3A_1099 = arith.mulf %mul3A_1087, %mul3A_973 : vector<16xf32>
    %add3A_1100 = arith.addf %mul3A_1098, %mul3A_1099 : vector<16xf32>
    %mul3A_1101 = arith.mulf %mul3A_1086, %sub3A_982 : vector<16xf32>
    %mul3A_1102 = arith.mulf %mul3A_1087, %add3A_864 : vector<16xf32>
    %sub3A_1103 = arith.subf %mul3A_1101, %mul3A_1102 : vector<16xf32>
    %mul3A_1104 = arith.mulf %mul3A_1087, %sub3A_982 : vector<16xf32>
    %mul3A_1105 = arith.mulf %mul3A_1086, %add3A_864 : vector<16xf32>
    %add3A_1106 = arith.addf %mul3A_1104, %mul3A_1105 : vector<16xf32>
    %mul3A_1107 = arith.mulf %mul3A_1086, %sub3A_988 : vector<16xf32>
    %mul3A_1108 = arith.mulf %mul3A_1087, %add3A_870 : vector<16xf32>
    %sub3A_1109 = arith.subf %mul3A_1107, %mul3A_1108 : vector<16xf32>
    %mul3A_1110 = arith.mulf %mul3A_1087, %sub3A_988 : vector<16xf32>
    %mul3A_1111 = arith.mulf %mul3A_1086, %add3A_870 : vector<16xf32>
    %add3A_1112 = arith.addf %mul3A_1110, %mul3A_1111 : vector<16xf32>
    %mul3A_1113 = arith.mulf %mul3A_1086, %sub3A_994 : vector<16xf32>
    %mul3A_1114 = arith.mulf %mul3A_1087, %add3A_876 : vector<16xf32>
    %sub3A_1115 = arith.subf %mul3A_1113, %mul3A_1114 : vector<16xf32>
    %mul3A_1116 = arith.mulf %mul3A_1087, %sub3A_994 : vector<16xf32>
    %mul3A_1117 = arith.mulf %mul3A_1086, %add3A_876 : vector<16xf32>
    %add3A_1118 = arith.addf %mul3A_1116, %mul3A_1117 : vector<16xf32>
    %eq3A_1119 = arith.constant 0.000000e+00 : f32
    %eq3A_1120 = vector.broadcast %eq3A_1119 : f32 to vector<16xf32>
    %eq3A_1121 = arith.cmpf oeq, %add3A_1100, %eq3A_1120 : vector<16xf32>
    %jit3A_1122 = arith.constant 1.000000e+00 : f32
    %broadcast_in_dim3A_1123 = vector.broadcast %jit3A_1122 : f32 to vector<16xf32>
    %select_n3A_1124 = arith.select %eq3A_1121, %broadcast_in_dim3A_1123, %add3A_1100 : vector<16xi1>, vector<16xf32>
    %sub3A_1125 = arith.subf %add3A_1091, %add3A_970 : vector<16xf32>
    %mul3A_1126 = arith.constant 5.000000e-01 : f32
    %mul3A_1127 = vector.broadcast %mul3A_1126 : f32 to vector<16xf32>
    %mul3A_1128 = arith.mulf %sub3A_1125, %mul3A_1127 : vector<16xf32>
    %div3A_1129 = arith.divf %mul3A_1128, %select_n3A_1124 : vector<16xf32>
    %min3A_1130 = arith.constant 9.99999984E+17 : f32
    %min3A_1131 = vector.broadcast %min3A_1130 : f32 to vector<16xf32>
    %min3A_1132 = arith.minimumf %div3A_1129, %min3A_1131 : vector<16xf32>
    %max3A_1133 = arith.constant -9.99999984E+17 : f32
    %max3A_1134 = vector.broadcast %max3A_1133 : f32 to vector<16xf32>
    %max3A_1135 = arith.maximumf %min3A_1132, %max3A_1134 : vector<16xf32>
    %ge3A_1136 = arith.constant 0.000000e+00 : f32
    %ge3A_1137 = vector.broadcast %ge3A_1136 : f32 to vector<16xf32>
    %ge3A_1138 = arith.cmpf oge, %max3A_1135, %ge3A_1137 : vector<16xf32>
    %jit3A_1139 = arith.constant 1.000000e+00 : f32
    %jit3A_1140 = arith.constant -1.000000e+00 : f32
    %broadcast_in_dim3A_1141 = vector.broadcast %jit3A_1139 : f32 to vector<16xf32>
    %broadcast_in_dim3A_1142 = vector.broadcast %jit3A_1140 : f32 to vector<16xf32>
    %select_n3A_1143 = arith.select %ge3A_1138, %broadcast_in_dim3A_1141, %broadcast_in_dim3A_1142 : vector<16xi1>, vector<16xf32>
    %abs3A_1144 = math.absf %max3A_1135 : vector<16xf32>
    %mul3A_1145 = arith.mulf %max3A_1135, %max3A_1135 : vector<16xf32>
    %add3A_1146 = arith.constant 1.000000e+00 : f32
    %add3A_1147 = vector.broadcast %add3A_1146 : f32 to vector<16xf32>
    %add3A_1148 = arith.addf %add3A_1147, %mul3A_1145 : vector<16xf32>
    %max3A_1149 = arith.constant 1.000000e-30 : f32
    %max3A_1150 = vector.broadcast %max3A_1149 : f32 to vector<16xf32>
    %max3A_1151 = arith.maximumf %add3A_1148, %max3A_1150 : vector<16xf32>
    %bitcast_convert_type3A_1152 = tpu.bitcast %max3A_1151 : vector<16xf32> -> vector<16xi32>
    %shift_right_logical3A_1153 = arith.constant 1 : i32
    %shift_right_logical3A_1154 = vector.broadcast %shift_right_logical3A_1153 : i32 to vector<16xi32>
    %shift_right_logical3A_1155 = arith.shrui %bitcast_convert_type3A_1152, %shift_right_logical3A_1154 : vector<16xi32>
    %sub3A_1156 = arith.constant 1597463007 : i32
    %sub3A_1157 = vector.broadcast %sub3A_1156 : i32 to vector<16xi32>
    %sub3A_1158 = arith.subi %sub3A_1157, %shift_right_logical3A_1155 : vector<16xi32>
    %bitcast_convert_type3A_1159 = tpu.bitcast %sub3A_1158 : vector<16xi32> -> vector<16xf32>
    %mul3A_1160 = arith.constant 5.000000e-01 : f32
    %mul3A_1161 = vector.broadcast %mul3A_1160 : f32 to vector<16xf32>
    %mul3A_1162 = arith.mulf %mul3A_1161, %max3A_1151 : vector<16xf32>
    %mul3A_1163 = arith.mulf %mul3A_1162, %bitcast_convert_type3A_1159 : vector<16xf32>
    %mul3A_1164 = arith.mulf %mul3A_1163, %bitcast_convert_type3A_1159 : vector<16xf32>
    %sub3A_1165 = arith.constant 1.500000e+00 : f32
    %sub3A_1166 = vector.broadcast %sub3A_1165 : f32 to vector<16xf32>
    %sub3A_1167 = arith.subf %sub3A_1166, %mul3A_1164 : vector<16xf32>
    %mul3A_1168 = arith.mulf %bitcast_convert_type3A_1159, %sub3A_1167 : vector<16xf32>
    %mul3A_1169 = arith.mulf %mul3A_1162, %mul3A_1168 : vector<16xf32>
    %mul3A_1170 = arith.mulf %mul3A_1169, %mul3A_1168 : vector<16xf32>
    %sub3A_1171 = arith.constant 1.500000e+00 : f32
    %sub3A_1172 = vector.broadcast %sub3A_1171 : f32 to vector<16xf32>
    %sub3A_1173 = arith.subf %sub3A_1172, %mul3A_1170 : vector<16xf32>
    %mul3A_1174 = arith.mulf %mul3A_1168, %sub3A_1173 : vector<16xf32>
    %mul3A_1175 = arith.mulf %max3A_1151, %mul3A_1174 : vector<16xf32>
    %add3A_1176 = arith.addf %abs3A_1144, %mul3A_1175 : vector<16xf32>
    %div3A_1177 = arith.divf %select_n3A_1143, %add3A_1176 : vector<16xf32>
    %jit3A_1178 = arith.constant 0.000000e+00 : f32
    %broadcast_in_dim3A_1179 = vector.broadcast %jit3A_1178 : f32 to vector<16xf32>
    %select_n3A_1180 = arith.select %eq3A_1121, %broadcast_in_dim3A_1179, %div3A_1177 : vector<16xi1>, vector<16xf32>
    %mul3A_1181 = arith.mulf %select_n3A_1180, %select_n3A_1180 : vector<16xf32>
    %add3A_1182 = arith.constant 1.000000e+00 : f32
    %add3A_1183 = vector.broadcast %add3A_1182 : f32 to vector<16xf32>
    %add3A_1184 = arith.addf %add3A_1183, %mul3A_1181 : vector<16xf32>
    %bitcast_convert_type3A_1185 = tpu.bitcast %add3A_1184 : vector<16xf32> -> vector<16xi32>
    %shift_right_logical3A_1186 = arith.constant 1 : i32
    %shift_right_logical3A_1187 = vector.broadcast %shift_right_logical3A_1186 : i32 to vector<16xi32>
    %shift_right_logical3A_1188 = arith.shrui %bitcast_convert_type3A_1185, %shift_right_logical3A_1187 : vector<16xi32>
    %sub3A_1189 = arith.constant 1597463007 : i32
    %sub3A_1190 = vector.broadcast %sub3A_1189 : i32 to vector<16xi32>
    %sub3A_1191 = arith.subi %sub3A_1190, %shift_right_logical3A_1188 : vector<16xi32>
    %bitcast_convert_type3A_1192 = tpu.bitcast %sub3A_1191 : vector<16xi32> -> vector<16xf32>
    %mul3A_1193 = arith.constant 5.000000e-01 : f32
    %mul3A_1194 = vector.broadcast %mul3A_1193 : f32 to vector<16xf32>
    %mul3A_1195 = arith.mulf %mul3A_1194, %add3A_1184 : vector<16xf32>
    %mul3A_1196 = arith.mulf %mul3A_1195, %bitcast_convert_type3A_1192 : vector<16xf32>
    %mul3A_1197 = arith.mulf %mul3A_1196, %bitcast_convert_type3A_1192 : vector<16xf32>
    %sub3A_1198 = arith.constant 1.500000e+00 : f32
    %sub3A_1199 = vector.broadcast %sub3A_1198 : f32 to vector<16xf32>
    %sub3A_1200 = arith.subf %sub3A_1199, %mul3A_1197 : vector<16xf32>
    %mul3A_1201 = arith.mulf %bitcast_convert_type3A_1192, %sub3A_1200 : vector<16xf32>
    %mul3A_1202 = arith.mulf %mul3A_1195, %mul3A_1201 : vector<16xf32>
    %mul3A_1203 = arith.mulf %mul3A_1202, %mul3A_1201 : vector<16xf32>
    %sub3A_1204 = arith.constant 1.500000e+00 : f32
    %sub3A_1205 = vector.broadcast %sub3A_1204 : f32 to vector<16xf32>
    %sub3A_1206 = arith.subf %sub3A_1205, %mul3A_1203 : vector<16xf32>
    %mul3A_1207 = arith.mulf %mul3A_1201, %sub3A_1206 : vector<16xf32>
    %mul3A_1208 = arith.mulf %select_n3A_1180, %mul3A_1207 : vector<16xf32>
    %mul3A_1209 = arith.mulf %select_n3A_1180, %add3A_1100 : vector<16xf32>
    %sub3A_1210 = arith.subf %add3A_970, %mul3A_1209 : vector<16xf32>
    %mul3A_1211 = arith.mulf %select_n3A_1180, %add3A_1100 : vector<16xf32>
    %add3A_1212 = arith.addf %add3A_1091, %mul3A_1211 : vector<16xf32>
    %mul3A_1213 = arith.constant 0.000000e+00 : f32
    %mul3A_1214 = vector.broadcast %mul3A_1213 : f32 to vector<16xf32>
    %mul3A_1215 = arith.mulf %add3A_1100, %mul3A_1214 : vector<16xf32>
    %mul3A_1216 = arith.mulf %mul3A_1207, %sub3A_1097 : vector<16xf32>
    %mul3A_1217 = arith.mulf %mul3A_1208, %mul3A_1094 : vector<16xf32>
    %sub3A_1218 = arith.subf %mul3A_1216, %mul3A_1217 : vector<16xf32>
    %mul3A_1219 = arith.mulf %mul3A_1207, %mul3A_1094 : vector<16xf32>
    %mul3A_1220 = arith.mulf %mul3A_1208, %sub3A_1097 : vector<16xf32>
    %add3A_1221 = arith.addf %mul3A_1219, %mul3A_1220 : vector<16xf32>
    %mul3A_1222 = arith.mulf %mul3A_1207, %add3A_985 : vector<16xf32>
    %mul3A_1223 = arith.mulf %mul3A_1208, %add3A_1106 : vector<16xf32>
    %sub3A_1224 = arith.subf %mul3A_1222, %mul3A_1223 : vector<16xf32>
    %mul3A_1225 = arith.mulf %mul3A_1208, %add3A_985 : vector<16xf32>
    %mul3A_1226 = arith.mulf %mul3A_1207, %add3A_1106 : vector<16xf32>
    %add3A_1227 = arith.addf %mul3A_1225, %mul3A_1226 : vector<16xf32>
    %mul3A_1228 = arith.mulf %mul3A_1207, %add3A_991 : vector<16xf32>
    %mul3A_1229 = arith.mulf %mul3A_1208, %add3A_1112 : vector<16xf32>
    %sub3A_1230 = arith.subf %mul3A_1228, %mul3A_1229 : vector<16xf32>
    %mul3A_1231 = arith.mulf %mul3A_1208, %add3A_991 : vector<16xf32>
    %mul3A_1232 = arith.mulf %mul3A_1207, %add3A_1112 : vector<16xf32>
    %add3A_1233 = arith.addf %mul3A_1231, %mul3A_1232 : vector<16xf32>
    %mul3A_1234 = arith.mulf %mul3A_1207, %add3A_997 : vector<16xf32>
    %mul3A_1235 = arith.mulf %mul3A_1208, %add3A_1118 : vector<16xf32>
    %sub3A_1236 = arith.subf %mul3A_1234, %mul3A_1235 : vector<16xf32>
    %mul3A_1237 = arith.mulf %mul3A_1208, %add3A_997 : vector<16xf32>
    %mul3A_1238 = arith.mulf %mul3A_1207, %add3A_1118 : vector<16xf32>
    %add3A_1239 = arith.addf %mul3A_1237, %mul3A_1238 : vector<16xf32>
    %eq3A_1240 = arith.constant 0.000000e+00 : f32
    %eq3A_1241 = vector.broadcast %eq3A_1240 : f32 to vector<16xf32>
    %eq3A_1242 = arith.cmpf oeq, %sub3A_1218, %eq3A_1241 : vector<16xf32>
    %jit3A_1243 = arith.constant 1.000000e+00 : f32
    %broadcast_in_dim3A_1244 = vector.broadcast %jit3A_1243 : f32 to vector<16xf32>
    %select_n3A_1245 = arith.select %eq3A_1242, %broadcast_in_dim3A_1244, %sub3A_1218 : vector<16xi1>, vector<16xf32>
    %sub3A_1246 = arith.subf %sub3A_1210, %sub3A_1089 : vector<16xf32>
    %mul3A_1247 = arith.constant 5.000000e-01 : f32
    %mul3A_1248 = vector.broadcast %mul3A_1247 : f32 to vector<16xf32>
    %mul3A_1249 = arith.mulf %sub3A_1246, %mul3A_1248 : vector<16xf32>
    %div3A_1250 = arith.divf %mul3A_1249, %select_n3A_1245 : vector<16xf32>
    %min3A_1251 = arith.constant 9.99999984E+17 : f32
    %min3A_1252 = vector.broadcast %min3A_1251 : f32 to vector<16xf32>
    %min3A_1253 = arith.minimumf %div3A_1250, %min3A_1252 : vector<16xf32>
    %max3A_1254 = arith.constant -9.99999984E+17 : f32
    %max3A_1255 = vector.broadcast %max3A_1254 : f32 to vector<16xf32>
    %max3A_1256 = arith.maximumf %min3A_1253, %max3A_1255 : vector<16xf32>
    %ge3A_1257 = arith.constant 0.000000e+00 : f32
    %ge3A_1258 = vector.broadcast %ge3A_1257 : f32 to vector<16xf32>
    %ge3A_1259 = arith.cmpf oge, %max3A_1256, %ge3A_1258 : vector<16xf32>
    %jit3A_1260 = arith.constant 1.000000e+00 : f32
    %jit3A_1261 = arith.constant -1.000000e+00 : f32
    %broadcast_in_dim3A_1262 = vector.broadcast %jit3A_1260 : f32 to vector<16xf32>
    %broadcast_in_dim3A_1263 = vector.broadcast %jit3A_1261 : f32 to vector<16xf32>
    %select_n3A_1264 = arith.select %ge3A_1259, %broadcast_in_dim3A_1262, %broadcast_in_dim3A_1263 : vector<16xi1>, vector<16xf32>
    %abs3A_1265 = math.absf %max3A_1256 : vector<16xf32>
    %mul3A_1266 = arith.mulf %max3A_1256, %max3A_1256 : vector<16xf32>
    %add3A_1267 = arith.constant 1.000000e+00 : f32
    %add3A_1268 = vector.broadcast %add3A_1267 : f32 to vector<16xf32>
    %add3A_1269 = arith.addf %add3A_1268, %mul3A_1266 : vector<16xf32>
    %max3A_1270 = arith.constant 1.000000e-30 : f32
    %max3A_1271 = vector.broadcast %max3A_1270 : f32 to vector<16xf32>
    %max3A_1272 = arith.maximumf %add3A_1269, %max3A_1271 : vector<16xf32>
    %bitcast_convert_type3A_1273 = tpu.bitcast %max3A_1272 : vector<16xf32> -> vector<16xi32>
    %shift_right_logical3A_1274 = arith.constant 1 : i32
    %shift_right_logical3A_1275 = vector.broadcast %shift_right_logical3A_1274 : i32 to vector<16xi32>
    %shift_right_logical3A_1276 = arith.shrui %bitcast_convert_type3A_1273, %shift_right_logical3A_1275 : vector<16xi32>
    %sub3A_1277 = arith.constant 1597463007 : i32
    %sub3A_1278 = vector.broadcast %sub3A_1277 : i32 to vector<16xi32>
    %sub3A_1279 = arith.subi %sub3A_1278, %shift_right_logical3A_1276 : vector<16xi32>
    %bitcast_convert_type3A_1280 = tpu.bitcast %sub3A_1279 : vector<16xi32> -> vector<16xf32>
    %mul3A_1281 = arith.constant 5.000000e-01 : f32
    %mul3A_1282 = vector.broadcast %mul3A_1281 : f32 to vector<16xf32>
    %mul3A_1283 = arith.mulf %mul3A_1282, %max3A_1272 : vector<16xf32>
    %mul3A_1284 = arith.mulf %mul3A_1283, %bitcast_convert_type3A_1280 : vector<16xf32>
    %mul3A_1285 = arith.mulf %mul3A_1284, %bitcast_convert_type3A_1280 : vector<16xf32>
    %sub3A_1286 = arith.constant 1.500000e+00 : f32
    %sub3A_1287 = vector.broadcast %sub3A_1286 : f32 to vector<16xf32>
    %sub3A_1288 = arith.subf %sub3A_1287, %mul3A_1285 : vector<16xf32>
    %mul3A_1289 = arith.mulf %bitcast_convert_type3A_1280, %sub3A_1288 : vector<16xf32>
    %mul3A_1290 = arith.mulf %mul3A_1283, %mul3A_1289 : vector<16xf32>
    %mul3A_1291 = arith.mulf %mul3A_1290, %mul3A_1289 : vector<16xf32>
    %sub3A_1292 = arith.constant 1.500000e+00 : f32
    %sub3A_1293 = vector.broadcast %sub3A_1292 : f32 to vector<16xf32>
    %sub3A_1294 = arith.subf %sub3A_1293, %mul3A_1291 : vector<16xf32>
    %mul3A_1295 = arith.mulf %mul3A_1289, %sub3A_1294 : vector<16xf32>
    %mul3A_1296 = arith.mulf %max3A_1272, %mul3A_1295 : vector<16xf32>
    %add3A_1297 = arith.addf %abs3A_1265, %mul3A_1296 : vector<16xf32>
    %div3A_1298 = arith.divf %select_n3A_1264, %add3A_1297 : vector<16xf32>
    %jit3A_1299 = arith.constant 0.000000e+00 : f32
    %broadcast_in_dim3A_1300 = vector.broadcast %jit3A_1299 : f32 to vector<16xf32>
    %select_n3A_1301 = arith.select %eq3A_1242, %broadcast_in_dim3A_1300, %div3A_1298 : vector<16xi1>, vector<16xf32>
    %mul3A_1302 = arith.mulf %select_n3A_1301, %select_n3A_1301 : vector<16xf32>
    %add3A_1303 = arith.constant 1.000000e+00 : f32
    %add3A_1304 = vector.broadcast %add3A_1303 : f32 to vector<16xf32>
    %add3A_1305 = arith.addf %add3A_1304, %mul3A_1302 : vector<16xf32>
    %bitcast_convert_type3A_1306 = tpu.bitcast %add3A_1305 : vector<16xf32> -> vector<16xi32>
    %shift_right_logical3A_1307 = arith.constant 1 : i32
    %shift_right_logical3A_1308 = vector.broadcast %shift_right_logical3A_1307 : i32 to vector<16xi32>
    %shift_right_logical3A_1309 = arith.shrui %bitcast_convert_type3A_1306, %shift_right_logical3A_1308 : vector<16xi32>
    %sub3A_1310 = arith.constant 1597463007 : i32
    %sub3A_1311 = vector.broadcast %sub3A_1310 : i32 to vector<16xi32>
    %sub3A_1312 = arith.subi %sub3A_1311, %shift_right_logical3A_1309 : vector<16xi32>
    %bitcast_convert_type3A_1313 = tpu.bitcast %sub3A_1312 : vector<16xi32> -> vector<16xf32>
    %mul3A_1314 = arith.constant 5.000000e-01 : f32
    %mul3A_1315 = vector.broadcast %mul3A_1314 : f32 to vector<16xf32>
    %mul3A_1316 = arith.mulf %mul3A_1315, %add3A_1305 : vector<16xf32>
    %mul3A_1317 = arith.mulf %mul3A_1316, %bitcast_convert_type3A_1313 : vector<16xf32>
    %mul3A_1318 = arith.mulf %mul3A_1317, %bitcast_convert_type3A_1313 : vector<16xf32>
    %sub3A_1319 = arith.constant 1.500000e+00 : f32
    %sub3A_1320 = vector.broadcast %sub3A_1319 : f32 to vector<16xf32>
    %sub3A_1321 = arith.subf %sub3A_1320, %mul3A_1318 : vector<16xf32>
    %mul3A_1322 = arith.mulf %bitcast_convert_type3A_1313, %sub3A_1321 : vector<16xf32>
    %mul3A_1323 = arith.mulf %mul3A_1316, %mul3A_1322 : vector<16xf32>
    %mul3A_1324 = arith.mulf %mul3A_1323, %mul3A_1322 : vector<16xf32>
    %sub3A_1325 = arith.constant 1.500000e+00 : f32
    %sub3A_1326 = vector.broadcast %sub3A_1325 : f32 to vector<16xf32>
    %sub3A_1327 = arith.subf %sub3A_1326, %mul3A_1324 : vector<16xf32>
    %mul3A_1328 = arith.mulf %mul3A_1322, %sub3A_1327 : vector<16xf32>
    %mul3A_1329 = arith.mulf %select_n3A_1301, %mul3A_1328 : vector<16xf32>
    %mul3A_1330 = arith.mulf %select_n3A_1301, %sub3A_1218 : vector<16xf32>
    %sub3A_1331 = arith.subf %sub3A_1089, %mul3A_1330 : vector<16xf32>
    %mul3A_1332 = arith.mulf %select_n3A_1301, %sub3A_1218 : vector<16xf32>
    %add3A_1333 = arith.addf %sub3A_1210, %mul3A_1332 : vector<16xf32>
    %mul3A_1334 = arith.constant 0.000000e+00 : f32
    %mul3A_1335 = vector.broadcast %mul3A_1334 : f32 to vector<16xf32>
    %mul3A_1336 = arith.mulf %sub3A_1218, %mul3A_1335 : vector<16xf32>
    %mul3A_1337 = arith.mulf %mul3A_1328, %add3A_1221 : vector<16xf32>
    %mul3A_1338 = arith.mulf %mul3A_1329, %mul3A_1215 : vector<16xf32>
    %sub3A_1339 = arith.subf %mul3A_1337, %mul3A_1338 : vector<16xf32>
    %mul3A_1340 = arith.mulf %mul3A_1328, %mul3A_1215 : vector<16xf32>
    %mul3A_1341 = arith.mulf %mul3A_1329, %add3A_1221 : vector<16xf32>
    %add3A_1342 = arith.addf %mul3A_1340, %mul3A_1341 : vector<16xf32>
    %mul3A_1343 = arith.mulf %mul3A_1328, %sub3A_1103 : vector<16xf32>
    %mul3A_1344 = arith.mulf %mul3A_1329, %sub3A_1224 : vector<16xf32>
    %sub3A_1345 = arith.subf %mul3A_1343, %mul3A_1344 : vector<16xf32>
    %mul3A_1346 = arith.mulf %mul3A_1329, %sub3A_1103 : vector<16xf32>
    %mul3A_1347 = arith.mulf %mul3A_1328, %sub3A_1224 : vector<16xf32>
    %add3A_1348 = arith.addf %mul3A_1346, %mul3A_1347 : vector<16xf32>
    %mul3A_1349 = arith.mulf %mul3A_1328, %sub3A_1109 : vector<16xf32>
    %mul3A_1350 = arith.mulf %mul3A_1329, %sub3A_1230 : vector<16xf32>
    %sub3A_1351 = arith.subf %mul3A_1349, %mul3A_1350 : vector<16xf32>
    %mul3A_1352 = arith.mulf %mul3A_1329, %sub3A_1109 : vector<16xf32>
    %mul3A_1353 = arith.mulf %mul3A_1328, %sub3A_1230 : vector<16xf32>
    %add3A_1354 = arith.addf %mul3A_1352, %mul3A_1353 : vector<16xf32>
    %mul3A_1355 = arith.mulf %mul3A_1328, %sub3A_1115 : vector<16xf32>
    %mul3A_1356 = arith.mulf %mul3A_1329, %sub3A_1236 : vector<16xf32>
    %sub3A_1357 = arith.subf %mul3A_1355, %mul3A_1356 : vector<16xf32>
    %mul3A_1358 = arith.mulf %mul3A_1329, %sub3A_1115 : vector<16xf32>
    %mul3A_1359 = arith.mulf %mul3A_1328, %sub3A_1236 : vector<16xf32>
    %add3A_1360 = arith.addf %mul3A_1358, %mul3A_1359 : vector<16xf32>
    %eq3A_1361 = arith.constant 0.000000e+00 : f32
    %eq3A_1362 = vector.broadcast %eq3A_1361 : f32 to vector<16xf32>
    %eq3A_1363 = arith.cmpf oeq, %sub3A_1339, %eq3A_1362 : vector<16xf32>
    %jit3A_1364 = arith.constant 1.000000e+00 : f32
    %broadcast_in_dim3A_1365 = vector.broadcast %jit3A_1364 : f32 to vector<16xf32>
    %select_n3A_1366 = arith.select %eq3A_1363, %broadcast_in_dim3A_1365, %sub3A_1339 : vector<16xi1>, vector<16xf32>
    %sub3A_1367 = arith.subf %add3A_1212, %sub3A_1331 : vector<16xf32>
    %mul3A_1368 = arith.constant 5.000000e-01 : f32
    %mul3A_1369 = vector.broadcast %mul3A_1368 : f32 to vector<16xf32>
    %mul3A_1370 = arith.mulf %sub3A_1367, %mul3A_1369 : vector<16xf32>
    %div3A_1371 = arith.divf %mul3A_1370, %select_n3A_1366 : vector<16xf32>
    %min3A_1372 = arith.constant 9.99999984E+17 : f32
    %min3A_1373 = vector.broadcast %min3A_1372 : f32 to vector<16xf32>
    %min3A_1374 = arith.minimumf %div3A_1371, %min3A_1373 : vector<16xf32>
    %max3A_1375 = arith.constant -9.99999984E+17 : f32
    %max3A_1376 = vector.broadcast %max3A_1375 : f32 to vector<16xf32>
    %max3A_1377 = arith.maximumf %min3A_1374, %max3A_1376 : vector<16xf32>
    %ge3A_1378 = arith.constant 0.000000e+00 : f32
    %ge3A_1379 = vector.broadcast %ge3A_1378 : f32 to vector<16xf32>
    %ge3A_1380 = arith.cmpf oge, %max3A_1377, %ge3A_1379 : vector<16xf32>
    %jit3A_1381 = arith.constant 1.000000e+00 : f32
    %jit3A_1382 = arith.constant -1.000000e+00 : f32
    %broadcast_in_dim3A_1383 = vector.broadcast %jit3A_1381 : f32 to vector<16xf32>
    %broadcast_in_dim3A_1384 = vector.broadcast %jit3A_1382 : f32 to vector<16xf32>
    %select_n3A_1385 = arith.select %ge3A_1380, %broadcast_in_dim3A_1383, %broadcast_in_dim3A_1384 : vector<16xi1>, vector<16xf32>
    %abs3A_1386 = math.absf %max3A_1377 : vector<16xf32>
    %mul3A_1387 = arith.mulf %max3A_1377, %max3A_1377 : vector<16xf32>
    %add3A_1388 = arith.constant 1.000000e+00 : f32
    %add3A_1389 = vector.broadcast %add3A_1388 : f32 to vector<16xf32>
    %add3A_1390 = arith.addf %add3A_1389, %mul3A_1387 : vector<16xf32>
    %max3A_1391 = arith.constant 1.000000e-30 : f32
    %max3A_1392 = vector.broadcast %max3A_1391 : f32 to vector<16xf32>
    %max3A_1393 = arith.maximumf %add3A_1390, %max3A_1392 : vector<16xf32>
    %bitcast_convert_type3A_1394 = tpu.bitcast %max3A_1393 : vector<16xf32> -> vector<16xi32>
    %shift_right_logical3A_1395 = arith.constant 1 : i32
    %shift_right_logical3A_1396 = vector.broadcast %shift_right_logical3A_1395 : i32 to vector<16xi32>
    %shift_right_logical3A_1397 = arith.shrui %bitcast_convert_type3A_1394, %shift_right_logical3A_1396 : vector<16xi32>
    %sub3A_1398 = arith.constant 1597463007 : i32
    %sub3A_1399 = vector.broadcast %sub3A_1398 : i32 to vector<16xi32>
    %sub3A_1400 = arith.subi %sub3A_1399, %shift_right_logical3A_1397 : vector<16xi32>
    %bitcast_convert_type3A_1401 = tpu.bitcast %sub3A_1400 : vector<16xi32> -> vector<16xf32>
    %mul3A_1402 = arith.constant 5.000000e-01 : f32
    %mul3A_1403 = vector.broadcast %mul3A_1402 : f32 to vector<16xf32>
    %mul3A_1404 = arith.mulf %mul3A_1403, %max3A_1393 : vector<16xf32>
    %mul3A_1405 = arith.mulf %mul3A_1404, %bitcast_convert_type3A_1401 : vector<16xf32>
    %mul3A_1406 = arith.mulf %mul3A_1405, %bitcast_convert_type3A_1401 : vector<16xf32>
    %sub3A_1407 = arith.constant 1.500000e+00 : f32
    %sub3A_1408 = vector.broadcast %sub3A_1407 : f32 to vector<16xf32>
    %sub3A_1409 = arith.subf %sub3A_1408, %mul3A_1406 : vector<16xf32>
    %mul3A_1410 = arith.mulf %bitcast_convert_type3A_1401, %sub3A_1409 : vector<16xf32>
    %mul3A_1411 = arith.mulf %mul3A_1404, %mul3A_1410 : vector<16xf32>
    %mul3A_1412 = arith.mulf %mul3A_1411, %mul3A_1410 : vector<16xf32>
    %sub3A_1413 = arith.constant 1.500000e+00 : f32
    %sub3A_1414 = vector.broadcast %sub3A_1413 : f32 to vector<16xf32>
    %sub3A_1415 = arith.subf %sub3A_1414, %mul3A_1412 : vector<16xf32>
    %mul3A_1416 = arith.mulf %mul3A_1410, %sub3A_1415 : vector<16xf32>
    %mul3A_1417 = arith.mulf %max3A_1393, %mul3A_1416 : vector<16xf32>
    %add3A_1418 = arith.addf %abs3A_1386, %mul3A_1417 : vector<16xf32>
    %div3A_1419 = arith.divf %select_n3A_1385, %add3A_1418 : vector<16xf32>
    %jit3A_1420 = arith.constant 0.000000e+00 : f32
    %broadcast_in_dim3A_1421 = vector.broadcast %jit3A_1420 : f32 to vector<16xf32>
    %select_n3A_1422 = arith.select %eq3A_1363, %broadcast_in_dim3A_1421, %div3A_1419 : vector<16xi1>, vector<16xf32>
    %mul3A_1423 = arith.mulf %select_n3A_1422, %select_n3A_1422 : vector<16xf32>
    %add3A_1424 = arith.constant 1.000000e+00 : f32
    %add3A_1425 = vector.broadcast %add3A_1424 : f32 to vector<16xf32>
    %add3A_1426 = arith.addf %add3A_1425, %mul3A_1423 : vector<16xf32>
    %bitcast_convert_type3A_1427 = tpu.bitcast %add3A_1426 : vector<16xf32> -> vector<16xi32>
    %shift_right_logical3A_1428 = arith.constant 1 : i32
    %shift_right_logical3A_1429 = vector.broadcast %shift_right_logical3A_1428 : i32 to vector<16xi32>
    %shift_right_logical3A_1430 = arith.shrui %bitcast_convert_type3A_1427, %shift_right_logical3A_1429 : vector<16xi32>
    %sub3A_1431 = arith.constant 1597463007 : i32
    %sub3A_1432 = vector.broadcast %sub3A_1431 : i32 to vector<16xi32>
    %sub3A_1433 = arith.subi %sub3A_1432, %shift_right_logical3A_1430 : vector<16xi32>
    %bitcast_convert_type3A_1434 = tpu.bitcast %sub3A_1433 : vector<16xi32> -> vector<16xf32>
    %mul3A_1435 = arith.constant 5.000000e-01 : f32
    %mul3A_1436 = vector.broadcast %mul3A_1435 : f32 to vector<16xf32>
    %mul3A_1437 = arith.mulf %mul3A_1436, %add3A_1426 : vector<16xf32>
    %mul3A_1438 = arith.mulf %mul3A_1437, %bitcast_convert_type3A_1434 : vector<16xf32>
    %mul3A_1439 = arith.mulf %mul3A_1438, %bitcast_convert_type3A_1434 : vector<16xf32>
    %sub3A_1440 = arith.constant 1.500000e+00 : f32
    %sub3A_1441 = vector.broadcast %sub3A_1440 : f32 to vector<16xf32>
    %sub3A_1442 = arith.subf %sub3A_1441, %mul3A_1439 : vector<16xf32>
    %mul3A_1443 = arith.mulf %bitcast_convert_type3A_1434, %sub3A_1442 : vector<16xf32>
    %mul3A_1444 = arith.mulf %mul3A_1437, %mul3A_1443 : vector<16xf32>
    %mul3A_1445 = arith.mulf %mul3A_1444, %mul3A_1443 : vector<16xf32>
    %sub3A_1446 = arith.constant 1.500000e+00 : f32
    %sub3A_1447 = vector.broadcast %sub3A_1446 : f32 to vector<16xf32>
    %sub3A_1448 = arith.subf %sub3A_1447, %mul3A_1445 : vector<16xf32>
    %mul3A_1449 = arith.mulf %mul3A_1443, %sub3A_1448 : vector<16xf32>
    %mul3A_1450 = arith.mulf %select_n3A_1422, %mul3A_1449 : vector<16xf32>
    %mul3A_1451 = arith.mulf %select_n3A_1422, %sub3A_1339 : vector<16xf32>
    %sub3A_1452 = arith.subf %sub3A_1331, %mul3A_1451 : vector<16xf32>
    %mul3A_1453 = arith.mulf %select_n3A_1422, %sub3A_1339 : vector<16xf32>
    %add3A_1454 = arith.addf %add3A_1212, %mul3A_1453 : vector<16xf32>
    %mul3A_1455 = arith.constant 0.000000e+00 : f32
    %mul3A_1456 = vector.broadcast %mul3A_1455 : f32 to vector<16xf32>
    %mul3A_1457 = arith.mulf %sub3A_1339, %mul3A_1456 : vector<16xf32>
    %mul3A_1458 = arith.mulf %mul3A_1449, %mul3A_1336 : vector<16xf32>
    %mul3A_1459 = arith.mulf %mul3A_1450, %add3A_1342 : vector<16xf32>
    %sub3A_1460 = arith.subf %mul3A_1458, %mul3A_1459 : vector<16xf32>
    %mul3A_1461 = arith.mulf %mul3A_1449, %add3A_1342 : vector<16xf32>
    %mul3A_1462 = arith.mulf %mul3A_1450, %mul3A_1336 : vector<16xf32>
    %add3A_1463 = arith.addf %mul3A_1461, %mul3A_1462 : vector<16xf32>
    %mul3A_1464 = arith.mulf %mul3A_1449, %sub3A_1345 : vector<16xf32>
    %mul3A_1465 = arith.mulf %mul3A_1450, %add3A_1227 : vector<16xf32>
    %sub3A_1466 = arith.subf %mul3A_1464, %mul3A_1465 : vector<16xf32>
    %mul3A_1467 = arith.mulf %mul3A_1450, %sub3A_1345 : vector<16xf32>
    %mul3A_1468 = arith.mulf %mul3A_1449, %add3A_1227 : vector<16xf32>
    %add3A_1469 = arith.addf %mul3A_1467, %mul3A_1468 : vector<16xf32>
    %mul3A_1470 = arith.mulf %mul3A_1449, %sub3A_1351 : vector<16xf32>
    %mul3A_1471 = arith.mulf %mul3A_1450, %add3A_1233 : vector<16xf32>
    %sub3A_1472 = arith.subf %mul3A_1470, %mul3A_1471 : vector<16xf32>
    %mul3A_1473 = arith.mulf %mul3A_1450, %sub3A_1351 : vector<16xf32>
    %mul3A_1474 = arith.mulf %mul3A_1449, %add3A_1233 : vector<16xf32>
    %add3A_1475 = arith.addf %mul3A_1473, %mul3A_1474 : vector<16xf32>
    %mul3A_1476 = arith.mulf %mul3A_1449, %sub3A_1357 : vector<16xf32>
    %mul3A_1477 = arith.mulf %mul3A_1450, %add3A_1239 : vector<16xf32>
    %sub3A_1478 = arith.subf %mul3A_1476, %mul3A_1477 : vector<16xf32>
    %mul3A_1479 = arith.mulf %mul3A_1450, %sub3A_1357 : vector<16xf32>
    %mul3A_1480 = arith.mulf %mul3A_1449, %add3A_1239 : vector<16xf32>
    %add3A_1481 = arith.addf %mul3A_1479, %mul3A_1480 : vector<16xf32>
    %eq3A_1482 = arith.constant 0.000000e+00 : f32
    %eq3A_1483 = vector.broadcast %eq3A_1482 : f32 to vector<16xf32>
    %eq3A_1484 = arith.cmpf oeq, %add3A_1463, %eq3A_1483 : vector<16xf32>
    %jit3A_1485 = arith.constant 1.000000e+00 : f32
    %broadcast_in_dim3A_1486 = vector.broadcast %jit3A_1485 : f32 to vector<16xf32>
    %select_n3A_1487 = arith.select %eq3A_1484, %broadcast_in_dim3A_1486, %add3A_1463 : vector<16xi1>, vector<16xf32>
    %sub3A_1488 = arith.subf %add3A_1454, %add3A_1333 : vector<16xf32>
    %mul3A_1489 = arith.constant 5.000000e-01 : f32
    %mul3A_1490 = vector.broadcast %mul3A_1489 : f32 to vector<16xf32>
    %mul3A_1491 = arith.mulf %sub3A_1488, %mul3A_1490 : vector<16xf32>
    %div3A_1492 = arith.divf %mul3A_1491, %select_n3A_1487 : vector<16xf32>
    %min3A_1493 = arith.constant 9.99999984E+17 : f32
    %min3A_1494 = vector.broadcast %min3A_1493 : f32 to vector<16xf32>
    %min3A_1495 = arith.minimumf %div3A_1492, %min3A_1494 : vector<16xf32>
    %max3A_1496 = arith.constant -9.99999984E+17 : f32
    %max3A_1497 = vector.broadcast %max3A_1496 : f32 to vector<16xf32>
    %max3A_1498 = arith.maximumf %min3A_1495, %max3A_1497 : vector<16xf32>
    %ge3A_1499 = arith.constant 0.000000e+00 : f32
    %ge3A_1500 = vector.broadcast %ge3A_1499 : f32 to vector<16xf32>
    %ge3A_1501 = arith.cmpf oge, %max3A_1498, %ge3A_1500 : vector<16xf32>
    %jit3A_1502 = arith.constant 1.000000e+00 : f32
    %jit3A_1503 = arith.constant -1.000000e+00 : f32
    %broadcast_in_dim3A_1504 = vector.broadcast %jit3A_1502 : f32 to vector<16xf32>
    %broadcast_in_dim3A_1505 = vector.broadcast %jit3A_1503 : f32 to vector<16xf32>
    %select_n3A_1506 = arith.select %ge3A_1501, %broadcast_in_dim3A_1504, %broadcast_in_dim3A_1505 : vector<16xi1>, vector<16xf32>
    %abs3A_1507 = math.absf %max3A_1498 : vector<16xf32>
    %mul3A_1508 = arith.mulf %max3A_1498, %max3A_1498 : vector<16xf32>
    %add3A_1509 = arith.constant 1.000000e+00 : f32
    %add3A_1510 = vector.broadcast %add3A_1509 : f32 to vector<16xf32>
    %add3A_1511 = arith.addf %add3A_1510, %mul3A_1508 : vector<16xf32>
    %max3A_1512 = arith.constant 1.000000e-30 : f32
    %max3A_1513 = vector.broadcast %max3A_1512 : f32 to vector<16xf32>
    %max3A_1514 = arith.maximumf %add3A_1511, %max3A_1513 : vector<16xf32>
    %bitcast_convert_type3A_1515 = tpu.bitcast %max3A_1514 : vector<16xf32> -> vector<16xi32>
    %shift_right_logical3A_1516 = arith.constant 1 : i32
    %shift_right_logical3A_1517 = vector.broadcast %shift_right_logical3A_1516 : i32 to vector<16xi32>
    %shift_right_logical3A_1518 = arith.shrui %bitcast_convert_type3A_1515, %shift_right_logical3A_1517 : vector<16xi32>
    %sub3A_1519 = arith.constant 1597463007 : i32
    %sub3A_1520 = vector.broadcast %sub3A_1519 : i32 to vector<16xi32>
    %sub3A_1521 = arith.subi %sub3A_1520, %shift_right_logical3A_1518 : vector<16xi32>
    %bitcast_convert_type3A_1522 = tpu.bitcast %sub3A_1521 : vector<16xi32> -> vector<16xf32>
    %mul3A_1523 = arith.constant 5.000000e-01 : f32
    %mul3A_1524 = vector.broadcast %mul3A_1523 : f32 to vector<16xf32>
    %mul3A_1525 = arith.mulf %mul3A_1524, %max3A_1514 : vector<16xf32>
    %mul3A_1526 = arith.mulf %mul3A_1525, %bitcast_convert_type3A_1522 : vector<16xf32>
    %mul3A_1527 = arith.mulf %mul3A_1526, %bitcast_convert_type3A_1522 : vector<16xf32>
    %sub3A_1528 = arith.constant 1.500000e+00 : f32
    %sub3A_1529 = vector.broadcast %sub3A_1528 : f32 to vector<16xf32>
    %sub3A_1530 = arith.subf %sub3A_1529, %mul3A_1527 : vector<16xf32>
    %mul3A_1531 = arith.mulf %bitcast_convert_type3A_1522, %sub3A_1530 : vector<16xf32>
    %mul3A_1532 = arith.mulf %mul3A_1525, %mul3A_1531 : vector<16xf32>
    %mul3A_1533 = arith.mulf %mul3A_1532, %mul3A_1531 : vector<16xf32>
    %sub3A_1534 = arith.constant 1.500000e+00 : f32
    %sub3A_1535 = vector.broadcast %sub3A_1534 : f32 to vector<16xf32>
    %sub3A_1536 = arith.subf %sub3A_1535, %mul3A_1533 : vector<16xf32>
    %mul3A_1537 = arith.mulf %mul3A_1531, %sub3A_1536 : vector<16xf32>
    %mul3A_1538 = arith.mulf %max3A_1514, %mul3A_1537 : vector<16xf32>
    %add3A_1539 = arith.addf %abs3A_1507, %mul3A_1538 : vector<16xf32>
    %div3A_1540 = arith.divf %select_n3A_1506, %add3A_1539 : vector<16xf32>
    %jit3A_1541 = arith.constant 0.000000e+00 : f32
    %broadcast_in_dim3A_1542 = vector.broadcast %jit3A_1541 : f32 to vector<16xf32>
    %select_n3A_1543 = arith.select %eq3A_1484, %broadcast_in_dim3A_1542, %div3A_1540 : vector<16xi1>, vector<16xf32>
    %mul3A_1544 = arith.mulf %select_n3A_1543, %select_n3A_1543 : vector<16xf32>
    %add3A_1545 = arith.constant 1.000000e+00 : f32
    %add3A_1546 = vector.broadcast %add3A_1545 : f32 to vector<16xf32>
    %add3A_1547 = arith.addf %add3A_1546, %mul3A_1544 : vector<16xf32>
    %bitcast_convert_type3A_1548 = tpu.bitcast %add3A_1547 : vector<16xf32> -> vector<16xi32>
    %shift_right_logical3A_1549 = arith.constant 1 : i32
    %shift_right_logical3A_1550 = vector.broadcast %shift_right_logical3A_1549 : i32 to vector<16xi32>
    %shift_right_logical3A_1551 = arith.shrui %bitcast_convert_type3A_1548, %shift_right_logical3A_1550 : vector<16xi32>
    %sub3A_1552 = arith.constant 1597463007 : i32
    %sub3A_1553 = vector.broadcast %sub3A_1552 : i32 to vector<16xi32>
    %sub3A_1554 = arith.subi %sub3A_1553, %shift_right_logical3A_1551 : vector<16xi32>
    %bitcast_convert_type3A_1555 = tpu.bitcast %sub3A_1554 : vector<16xi32> -> vector<16xf32>
    %mul3A_1556 = arith.constant 5.000000e-01 : f32
    %mul3A_1557 = vector.broadcast %mul3A_1556 : f32 to vector<16xf32>
    %mul3A_1558 = arith.mulf %mul3A_1557, %add3A_1547 : vector<16xf32>
    %mul3A_1559 = arith.mulf %mul3A_1558, %bitcast_convert_type3A_1555 : vector<16xf32>
    %mul3A_1560 = arith.mulf %mul3A_1559, %bitcast_convert_type3A_1555 : vector<16xf32>
    %sub3A_1561 = arith.constant 1.500000e+00 : f32
    %sub3A_1562 = vector.broadcast %sub3A_1561 : f32 to vector<16xf32>
    %sub3A_1563 = arith.subf %sub3A_1562, %mul3A_1560 : vector<16xf32>
    %mul3A_1564 = arith.mulf %bitcast_convert_type3A_1555, %sub3A_1563 : vector<16xf32>
    %mul3A_1565 = arith.mulf %mul3A_1558, %mul3A_1564 : vector<16xf32>
    %mul3A_1566 = arith.mulf %mul3A_1565, %mul3A_1564 : vector<16xf32>
    %sub3A_1567 = arith.constant 1.500000e+00 : f32
    %sub3A_1568 = vector.broadcast %sub3A_1567 : f32 to vector<16xf32>
    %sub3A_1569 = arith.subf %sub3A_1568, %mul3A_1566 : vector<16xf32>
    %mul3A_1570 = arith.mulf %mul3A_1564, %sub3A_1569 : vector<16xf32>
    %mul3A_1571 = arith.mulf %select_n3A_1543, %mul3A_1570 : vector<16xf32>
    %mul3A_1572 = arith.mulf %select_n3A_1543, %add3A_1463 : vector<16xf32>
    %sub3A_1573 = arith.subf %add3A_1333, %mul3A_1572 : vector<16xf32>
    %mul3A_1574 = arith.mulf %select_n3A_1543, %add3A_1463 : vector<16xf32>
    %add3A_1575 = arith.addf %add3A_1454, %mul3A_1574 : vector<16xf32>
    %mul3A_1576 = arith.constant 0.000000e+00 : f32
    %mul3A_1577 = vector.broadcast %mul3A_1576 : f32 to vector<16xf32>
    %mul3A_1578 = arith.mulf %add3A_1463, %mul3A_1577 : vector<16xf32>
    %mul3A_1579 = arith.mulf %mul3A_1570, %sub3A_1460 : vector<16xf32>
    %mul3A_1580 = arith.mulf %mul3A_1571, %mul3A_1457 : vector<16xf32>
    %sub3A_1581 = arith.subf %mul3A_1579, %mul3A_1580 : vector<16xf32>
    %mul3A_1582 = arith.mulf %mul3A_1570, %mul3A_1457 : vector<16xf32>
    %mul3A_1583 = arith.mulf %mul3A_1571, %sub3A_1460 : vector<16xf32>
    %add3A_1584 = arith.addf %mul3A_1582, %mul3A_1583 : vector<16xf32>
    %mul3A_1585 = arith.mulf %mul3A_1570, %add3A_1348 : vector<16xf32>
    %mul3A_1586 = arith.mulf %mul3A_1571, %add3A_1469 : vector<16xf32>
    %sub3A_1587 = arith.subf %mul3A_1585, %mul3A_1586 : vector<16xf32>
    %mul3A_1588 = arith.mulf %mul3A_1571, %add3A_1348 : vector<16xf32>
    %mul3A_1589 = arith.mulf %mul3A_1570, %add3A_1469 : vector<16xf32>
    %add3A_1590 = arith.addf %mul3A_1588, %mul3A_1589 : vector<16xf32>
    %mul3A_1591 = arith.mulf %mul3A_1570, %add3A_1354 : vector<16xf32>
    %mul3A_1592 = arith.mulf %mul3A_1571, %add3A_1475 : vector<16xf32>
    %sub3A_1593 = arith.subf %mul3A_1591, %mul3A_1592 : vector<16xf32>
    %mul3A_1594 = arith.mulf %mul3A_1571, %add3A_1354 : vector<16xf32>
    %mul3A_1595 = arith.mulf %mul3A_1570, %add3A_1475 : vector<16xf32>
    %add3A_1596 = arith.addf %mul3A_1594, %mul3A_1595 : vector<16xf32>
    %mul3A_1597 = arith.mulf %mul3A_1570, %add3A_1360 : vector<16xf32>
    %mul3A_1598 = arith.mulf %mul3A_1571, %add3A_1481 : vector<16xf32>
    %sub3A_1599 = arith.subf %mul3A_1597, %mul3A_1598 : vector<16xf32>
    %mul3A_1600 = arith.mulf %mul3A_1571, %add3A_1360 : vector<16xf32>
    %mul3A_1601 = arith.mulf %mul3A_1570, %add3A_1481 : vector<16xf32>
    %add3A_1602 = arith.addf %mul3A_1600, %mul3A_1601 : vector<16xf32>
    %max3A_1603 = arith.maximumf %sub3A_1452, %sub3A_1573 : vector<16xf32>
    %max3A_1604 = arith.maximumf %max3A_1603, %add3A_1575 : vector<16xf32>
    %min3A_1605 = arith.minimumf %sub3A_1452, %sub3A_1573 : vector<16xf32>
    %min3A_1606 = arith.minimumf %min3A_1605, %add3A_1575 : vector<16xf32>
    %add3A_1607 = arith.addf %sub3A_1452, %sub3A_1573 : vector<16xf32>
    %add3A_1608 = arith.addf %add3A_1607, %add3A_1575 : vector<16xf32>
    %sub3A_1609 = arith.subf %add3A_1608, %max3A_1604 : vector<16xf32>
    %sub3A_1610 = arith.subf %sub3A_1609, %min3A_1606 : vector<16xf32>
    %ge3A_1611 = arith.cmpf oge, %sub3A_1452, %sub3A_1573 : vector<16xf32>
    %jit3A_1612 = arith.constant 1.000000e+00 : f32
    %jit3A_1613 = arith.constant 0.000000e+00 : f32
    %broadcast_in_dim3A_1614 = vector.broadcast %jit3A_1612 : f32 to vector<16xf32>
    %broadcast_in_dim3A_1615 = vector.broadcast %jit3A_1613 : f32 to vector<16xf32>
    %select_n3A_1616 = arith.select %ge3A_1611, %broadcast_in_dim3A_1614, %broadcast_in_dim3A_1615 : vector<16xi1>, vector<16xf32>
    %ge3A_1617 = arith.cmpf oge, %sub3A_1452, %add3A_1575 : vector<16xf32>
    %jit3A_1618 = arith.constant 1.000000e+00 : f32
    %jit3A_1619 = arith.constant 0.000000e+00 : f32
    %broadcast_in_dim3A_1620 = vector.broadcast %jit3A_1618 : f32 to vector<16xf32>
    %broadcast_in_dim3A_1621 = vector.broadcast %jit3A_1619 : f32 to vector<16xf32>
    %select_n3A_1622 = arith.select %ge3A_1617, %broadcast_in_dim3A_1620, %broadcast_in_dim3A_1621 : vector<16xi1>, vector<16xf32>
    %mul3A_1623 = arith.mulf %select_n3A_1616, %select_n3A_1622 : vector<16xf32>
    %sub3A_1624 = arith.constant 1.000000e+00 : f32
    %sub3A_1625 = vector.broadcast %sub3A_1624 : f32 to vector<16xf32>
    %sub3A_1626 = arith.subf %sub3A_1625, %mul3A_1623 : vector<16xf32>
    %ge3A_1627 = arith.cmpf oge, %sub3A_1573, %add3A_1575 : vector<16xf32>
    %jit3A_1628 = arith.constant 1.000000e+00 : f32
    %jit3A_1629 = arith.constant 0.000000e+00 : f32
    %broadcast_in_dim3A_1630 = vector.broadcast %jit3A_1628 : f32 to vector<16xf32>
    %broadcast_in_dim3A_1631 = vector.broadcast %jit3A_1629 : f32 to vector<16xf32>
    %select_n3A_1632 = arith.select %ge3A_1627, %broadcast_in_dim3A_1630, %broadcast_in_dim3A_1631 : vector<16xi1>, vector<16xf32>
    %mul3A_1633 = arith.mulf %sub3A_1626, %select_n3A_1632 : vector<16xf32>
    %sub3A_1634 = arith.constant 1.000000e+00 : f32
    %sub3A_1635 = vector.broadcast %sub3A_1634 : f32 to vector<16xf32>
    %sub3A_1636 = arith.subf %sub3A_1635, %mul3A_1623 : vector<16xf32>
    %sub3A_1637 = arith.subf %sub3A_1636, %mul3A_1633 : vector<16xf32>
    %mul3A_1638 = arith.mulf %mul3A_1623, %sub3A_1466 : vector<16xf32>
    %mul3A_1639 = arith.mulf %mul3A_1633, %sub3A_1587 : vector<16xf32>
    %add3A_1640 = arith.addf %mul3A_1638, %mul3A_1639 : vector<16xf32>
    %mul3A_1641 = arith.mulf %sub3A_1637, %add3A_1590 : vector<16xf32>
    %add3A_1642 = arith.addf %add3A_1640, %mul3A_1641 : vector<16xf32>
    %mul3A_1643 = arith.mulf %mul3A_1623, %sub3A_1472 : vector<16xf32>
    %mul3A_1644 = arith.mulf %mul3A_1633, %sub3A_1593 : vector<16xf32>
    %add3A_1645 = arith.addf %mul3A_1643, %mul3A_1644 : vector<16xf32>
    %mul3A_1646 = arith.mulf %sub3A_1637, %add3A_1596 : vector<16xf32>
    %add3A_1647 = arith.addf %add3A_1645, %mul3A_1646 : vector<16xf32>
    %mul3A_1648 = arith.mulf %mul3A_1623, %sub3A_1478 : vector<16xf32>
    %mul3A_1649 = arith.mulf %mul3A_1633, %sub3A_1599 : vector<16xf32>
    %add3A_1650 = arith.addf %mul3A_1648, %mul3A_1649 : vector<16xf32>
    %mul3A_1651 = arith.mulf %sub3A_1637, %add3A_1602 : vector<16xf32>
    %add3A_1652 = arith.addf %add3A_1650, %mul3A_1651 : vector<16xf32>
    %div3A_1653 = arith.divf %sub3A_1610, %max3A_1604 : vector<16xf32>
    %sub3A_1654 = arith.constant 1.000000e+00 : f32
    %sub3A_1655 = vector.broadcast %sub3A_1654 : f32 to vector<16xf32>
    %sub3A_1656 = arith.subf %sub3A_1655, %div3A_1653 : vector<16xf32>
    %div3A_1657 = arith.constant 1.000000e+00 : f32
    %div3A_1658 = vector.broadcast %div3A_1657 : f32 to vector<16xf32>
    %div3A_1659 = arith.divf %div3A_1658, %max3A_1604 : vector<16xf32>
    %scan3A_1660 = arith.constant 0 : i32
    %scan3A_1661 = arith.constant 64 : i32
    %scan3A_1662 = arith.addi %scan3A_1660, %scan3A_1661 : i32
    %scan3A_1663 = arith.constant 1 : i32
    %scan3A_1664 = scf.for %scan3A_1729 = %scan3A_1660 to %scan3A_1662 step %scan3A_1663 iter_args(%scan3A_1730 = %broadcast_in_dim3A_89) -> (vector<16xf32>)  : i32 {
      %mul3A_1731 = arith.constant 16 : i32
      %mul3A_1732 = arith.muli %scan3A_1729, %mul3A_1731 : i32
      %get3A_1733 = arith.index_cast %mul3A_1732 : i32 to index
      %get3A_1734 = tpu.vector_load %arg11[%get3A_1733] {strides = array<i32>} : memref<1024xf32, #tpu.memory_space<vmem>>, vector<16xf32>,
      %get3A_1735 = vector.shape_cast %get3A_1734 : vector<16xf32> to vector<16xf32>
      %sub3A_1736 = arith.subf %get3A_1735, %mul3A_439 : vector<16xf32>
      %get3A_1737 = arith.index_cast %mul3A_1732 : i32 to index
      %get3A_1738 = tpu.vector_load %arg12[%get3A_1737] {strides = array<i32>} : memref<1024xf32, #tpu.memory_space<vmem>>, vector<16xf32>,
      %get3A_1739 = vector.shape_cast %get3A_1738 : vector<16xf32> to vector<16xf32>
      %sub3A_1740 = arith.subf %get3A_1739, %mul3A_447 : vector<16xf32>
      %get3A_1741 = arith.index_cast %mul3A_1732 : i32 to index
      %get3A_1742 = tpu.vector_load %arg13[%get3A_1741] {strides = array<i32>} : memref<1024xf32, #tpu.memory_space<vmem>>, vector<16xf32>,
      %get3A_1743 = vector.shape_cast %get3A_1742 : vector<16xf32> to vector<16xf32>
      %sub3A_1744 = arith.subf %get3A_1743, %mul3A_455 : vector<16xf32>
      %mul3A_1745 = arith.mulf %sub3A_1736, %add3A_1642 : vector<16xf32>
      %mul3A_1746 = arith.mulf %sub3A_1740, %add3A_1647 : vector<16xf32>
      %add3A_1747 = arith.addf %mul3A_1745, %mul3A_1746 : vector<16xf32>
      %mul3A_1748 = arith.mulf %sub3A_1744, %add3A_1652 : vector<16xf32>
      %add3A_1749 = arith.addf %add3A_1747, %mul3A_1748 : vector<16xf32>
      %mul3A_1750 = arith.mulf %sub3A_1736, %sub3A_1736 : vector<16xf32>
      %mul3A_1751 = arith.mulf %sub3A_1740, %sub3A_1740 : vector<16xf32>
      %add3A_1752 = arith.addf %mul3A_1750, %mul3A_1751 : vector<16xf32>
      %mul3A_1753 = arith.mulf %sub3A_1744, %sub3A_1744 : vector<16xf32>
      %add3A_1754 = arith.addf %add3A_1752, %mul3A_1753 : vector<16xf32>
      %mul3A_1755 = arith.mulf %add3A_1749, %add3A_1749 : vector<16xf32>
      %sub3A_1756 = arith.subf %add3A_1754, %mul3A_1755 : vector<16xf32>
      %max3A_1757 = arith.constant 1.000000e-30 : f32
      %max3A_1758 = vector.broadcast %max3A_1757 : f32 to vector<16xf32>
      %max3A_1759 = arith.maximumf %sub3A_1756, %max3A_1758 : vector<16xf32>
      %bitcast_convert_type3A_1760 = tpu.bitcast %max3A_1759 : vector<16xf32> -> vector<16xi32>
      %shift_right_logical3A_1761 = arith.constant 1 : i32
      %shift_right_logical3A_1762 = vector.broadcast %shift_right_logical3A_1761 : i32 to vector<16xi32>
      %shift_right_logical3A_1763 = arith.shrui %bitcast_convert_type3A_1760, %shift_right_logical3A_1762 : vector<16xi32>
      %sub3A_1764 = arith.constant 1597463007 : i32
      %sub3A_1765 = vector.broadcast %sub3A_1764 : i32 to vector<16xi32>
      %sub3A_1766 = arith.subi %sub3A_1765, %shift_right_logical3A_1763 : vector<16xi32>
      %bitcast_convert_type3A_1767 = tpu.bitcast %sub3A_1766 : vector<16xi32> -> vector<16xf32>
      %mul3A_1768 = arith.constant 5.000000e-01 : f32
      %mul3A_1769 = vector.broadcast %mul3A_1768 : f32 to vector<16xf32>
      %mul3A_1770 = arith.mulf %mul3A_1769, %max3A_1759 : vector<16xf32>
      %mul3A_1771 = arith.mulf %mul3A_1770, %bitcast_convert_type3A_1767 : vector<16xf32>
      %mul3A_1772 = arith.mulf %mul3A_1771, %bitcast_convert_type3A_1767 : vector<16xf32>
      %sub3A_1773 = arith.constant 1.500000e+00 : f32
      %sub3A_1774 = vector.broadcast %sub3A_1773 : f32 to vector<16xf32>
      %sub3A_1775 = arith.subf %sub3A_1774, %mul3A_1772 : vector<16xf32>
      %mul3A_1776 = arith.mulf %bitcast_convert_type3A_1767, %sub3A_1775 : vector<16xf32>
      %mul3A_1777 = arith.mulf %mul3A_1770, %mul3A_1776 : vector<16xf32>
      %mul3A_1778 = arith.mulf %mul3A_1777, %mul3A_1776 : vector<16xf32>
      %sub3A_1779 = arith.constant 1.500000e+00 : f32
      %sub3A_1780 = vector.broadcast %sub3A_1779 : f32 to vector<16xf32>
      %sub3A_1781 = arith.subf %sub3A_1780, %mul3A_1778 : vector<16xf32>
      %mul3A_1782 = arith.mulf %mul3A_1776, %sub3A_1781 : vector<16xf32>
      %mul3A_1783 = arith.mulf %max3A_1759, %mul3A_1782 : vector<16xf32>
      %mul3A_1784 = arith.mulf %add3A_1749, %mul3A_1783 : vector<16xf32>
      %add3A_1785 = arith.addf %scan3A_1730, %mul3A_1784 : vector<16xf32>
      scf.yield %add3A_1785 : vector<16xf32>
    }
    %scan3A_1665 = arith.constant 64 : i32
    %xor3A_1666 = arith.constant 1 : i32
    %xor3A_1667 = vector.broadcast %xor3A_1666 : i32 to vector<16xi32>
    %xor3A_1668 = arith.xori %iota3A, %xor3A_1667 : vector<16xi32>
    %broadcast_in_dim3A_1669 = vector.shape_cast %xor3A_1668 : vector<16xi32> to vector<16x1xi32>
    %gather3A_1670 = vector.shape_cast %broadcast_in_dim3A_1669 : vector<16x1xi32> to vector<16xi32>
    %gather3A_1671 = tpu.dynamic_gather %scan3A_1664[%gather3A_1670] in [0] : vector<16xf32>, vector<16xi32> -> vector<16xf32>
    %add3A_1672 = arith.addf %scan3A_1664, %gather3A_1671 : vector<16xf32>
    %xor3A_1673 = arith.constant 2 : i32
    %xor3A_1674 = vector.broadcast %xor3A_1673 : i32 to vector<16xi32>
    %xor3A_1675 = arith.xori %iota3A, %xor3A_1674 : vector<16xi32>
    %broadcast_in_dim3A_1676 = vector.shape_cast %xor3A_1675 : vector<16xi32> to vector<16x1xi32>
    %gather3A_1677 = vector.shape_cast %broadcast_in_dim3A_1676 : vector<16x1xi32> to vector<16xi32>
    %gather3A_1678 = tpu.dynamic_gather %add3A_1672[%gather3A_1677] in [0] : vector<16xf32>, vector<16xi32> -> vector<16xf32>
    %add3A_1679 = arith.addf %add3A_1672, %gather3A_1678 : vector<16xf32>
    %xor3A_1680 = arith.constant 4 : i32
    %xor3A_1681 = vector.broadcast %xor3A_1680 : i32 to vector<16xi32>
    %xor3A_1682 = arith.xori %iota3A, %xor3A_1681 : vector<16xi32>
    %broadcast_in_dim3A_1683 = vector.shape_cast %xor3A_1682 : vector<16xi32> to vector<16x1xi32>
    %gather3A_1684 = vector.shape_cast %broadcast_in_dim3A_1683 : vector<16x1xi32> to vector<16xi32>
    %gather3A_1685 = tpu.dynamic_gather %add3A_1679[%gather3A_1684] in [0] : vector<16xf32>, vector<16xi32> -> vector<16xf32>
    %add3A_1686 = arith.addf %add3A_1679, %gather3A_1685 : vector<16xf32>
    %xor3A_1687 = arith.constant 8 : i32
    %xor3A_1688 = vector.broadcast %xor3A_1687 : i32 to vector<16xi32>
    %xor3A_1689 = arith.xori %iota3A, %xor3A_1688 : vector<16xi32>
    %broadcast_in_dim3A_1690 = vector.shape_cast %xor3A_1689 : vector<16xi32> to vector<16x1xi32>
    %gather3A_1691 = vector.shape_cast %broadcast_in_dim3A_1690 : vector<16x1xi32> to vector<16xi32>
    %gather3A_1692 = tpu.dynamic_gather %add3A_1686[%gather3A_1691] in [0] : vector<16xf32>, vector<16xi32> -> vector<16xf32>
    %add3A_1693 = arith.addf %add3A_1686, %gather3A_1692 : vector<16xf32>
    %swap3A_1694 = arith.constant 0 : index
    %swap3A_1695 = tpu.vector_load %arg14[%swap3A_1694] {strides = array<i32>} : memref<16xf32, #tpu.memory_space<vmem>>, vector<16xf32>,
    %swap3A_1696 = vector.shape_cast %swap3A_1695 : vector<16xf32> to vector<16xf32>
    %swap3A_1697 = vector.shape_cast %add3A_1693 : vector<16xf32> to vector<16xf32>
    tpu.vector_store %arg14[%swap3A_1694], %swap3A_1697 {strides = array<i32>} : memref<16xf32, #tpu.memory_space<vmem>>, vector<16xf32>,
    %mul3A_1698 = arith.constant 16 : i32
    %mul3A_1699 = arith.muli %arg1, %mul3A_1698 : i32
    "tpu.region"() ({
      %run_scoped3A = tpu.sem_alloc : memref<!tpu.dma_semaphore, #tpu.memory_space<semaphore_mem>>
      %dma_start3A_1729 = tpu.memref_slice %arg9[%mul3A_1699] : memref<256xf32, #tpu.memory_space<vmem_shared>> -> memref<16xf32, #tpu.memory_space<vmem_shared>>
      %dma_start3A_1730 = tpu.memref_slice %arg9[%mul3A_1699] : memref<256xf32, #tpu.memory_space<vmem_shared>> -> memref<16xf32, #tpu.memory_space<vmem_shared>>
      tpu.enqueue_dma source(%arg14 : memref<16xf32, #tpu.memory_space<vmem>>) target(%dma_start3A_1730 : memref<16xf32, #tpu.memory_space<vmem_shared>>) target_semaphore(%run_scoped3A : memref<!tpu.dma_semaphore, #tpu.memory_space<semaphore_mem>>)
      %dma_wait3A_1731 = tpu.memref_slice %arg9[%mul3A_1699] : memref<256xf32, #tpu.memory_space<vmem_shared>> -> memref<16xf32, #tpu.memory_space<vmem_shared>>
      %dma_wait3A_1732 = tpu.memref_slice %arg9[%mul3A_1699] : memref<256xf32, #tpu.memory_space<vmem_shared>> -> memref<16xf32, #tpu.memory_space<vmem_shared>>
      tpu.wait_dma2 semaphore(%run_scoped3A : memref<!tpu.dma_semaphore, #tpu.memory_space<semaphore_mem>>) src(%arg14 : memref<16xf32, #tpu.memory_space<vmem>>) dst(%dma_wait3A_1732 : memref<16xf32, #tpu.memory_space<vmem_shared>>)
      tpu.yield
    }) : () -> ()
    %barrier3A_1700 = arith.constant 0 : index
    tpu.barrier barrier_id(%barrier3A_1700)
    %xor3A_1701 = arith.constant 1 : i32
    %xor3A_1702 = arith.xori %arg1, %xor3A_1701 : i32
    %mul3A_1703 = arith.constant 16 : i32
    %mul3A_1704 = arith.muli %xor3A_1702, %mul3A_1703 : i32
    "tpu.region"() ({
      %run_scoped3A = tpu.sem_alloc : memref<!tpu.dma_semaphore, #tpu.memory_space<semaphore_mem>>
      %dma_start3A_1729 = tpu.memref_slice %arg9[%mul3A_1704] : memref<256xf32, #tpu.memory_space<vmem_shared>> -> memref<16xf32, #tpu.memory_space<vmem_shared>>
      %dma_start3A_1730 = tpu.memref_slice %arg9[%mul3A_1704] : memref<256xf32, #tpu.memory_space<vmem_shared>> -> memref<16xf32, #tpu.memory_space<vmem_shared>>
      tpu.enqueue_dma source(%dma_start3A_1730 : memref<16xf32, #tpu.memory_space<vmem_shared>>) target(%arg15 : memref<16xf32, #tpu.memory_space<vmem>>) target_semaphore(%run_scoped3A : memref<!tpu.dma_semaphore, #tpu.memory_space<semaphore_mem>>)
      %dma_wait3A_1731 = tpu.memref_slice %arg9[%mul3A_1704] : memref<256xf32, #tpu.memory_space<vmem_shared>> -> memref<16xf32, #tpu.memory_space<vmem_shared>>
      %dma_wait3A_1732 = tpu.memref_slice %arg9[%mul3A_1704] : memref<256xf32, #tpu.memory_space<vmem_shared>> -> memref<16xf32, #tpu.memory_space<vmem_shared>>
      tpu.wait_dma2 semaphore(%run_scoped3A : memref<!tpu.dma_semaphore, #tpu.memory_space<semaphore_mem>>) src(%dma_wait3A_1732 : memref<16xf32, #tpu.memory_space<vmem_shared>>) dst(%arg15 : memref<16xf32, #tpu.memory_space<vmem>>)
      tpu.yield
    }) : () -> ()
    %get3A_1705 = arith.constant 0 : index
    %get3A_1706 = tpu.vector_load %arg15[%get3A_1705] {strides = array<i32>} : memref<16xf32, #tpu.memory_space<vmem>>, vector<16xf32>,
    %get3A_1707 = vector.shape_cast %get3A_1706 : vector<16xf32> to vector<16xf32>
    %add3A_1708 = arith.addf %add3A_1693, %get3A_1707 : vector<16xf32>
    %jit3A_1709 = arith.constant 2 : i32
    %eq3A_1710 = arith.constant 0 : i32
    %eq3A_1711 = arith.cmpi eq, %jit3A_1709, %eq3A_1710 : i32
    %jit3A_1712 = arith.constant 1 : i32
    %select_n3A_1713 = arith.select %eq3A_1711, %jit3A_1712, %jit3A_1709 : i32
    %rem3A_1714 = arith.remsi %arg1, %select_n3A_1713 : i32
    %ne3A_1715 = arith.constant 0 : i32
    %ne3A_1716 = arith.cmpi ne, %rem3A_1714, %ne3A_1715 : i32
    %lt3A_1717 = arith.constant 0 : i32
    %lt3A_1718 = arith.cmpi slt, %rem3A_1714, %lt3A_1717 : i32
    %lt3A_1719 = arith.constant 0 : i32
    %lt3A_1720 = arith.cmpi slt, %select_n3A_1713, %lt3A_1719 : i32
    %ne3A_1721 = arith.xori %lt3A_1718, %lt3A_1720 : i1
    %and3A_1722 = arith.andi %ne3A_1721, %ne3A_1716 : i1
    %add3A_1723 = arith.addi %rem3A_1714, %select_n3A_1713 : i32
    %select_n3A_1724 = arith.select %and3A_1722, %add3A_1723, %rem3A_1714 : i32
    %eq3A_1725 = arith.constant 0 : i32
    %eq3A_1726 = arith.cmpi eq, %select_n3A_1724, %eq3A_1725 : i32
    %convert_element_type3A = arith.extui %eq3A_1726 : i1 to i32
    %cond3A = arith.constant 2.048000e+03 : f32
    %cond3A_1727 = arith.constant 0 : i32
    %cond3A_1728 = arith.cmpi ne, %convert_element_type3A, %cond3A_1727 : i32
    scf.if %cond3A_1728 {
      %lt3A_1729 = arith.constant 0.000000e+00 : f32
      %lt3A_1730 = vector.broadcast %lt3A_1729 : f32 to vector<16xf32>
      %lt3A_1731 = arith.cmpf olt, %add3A_1708, %lt3A_1730 : vector<16xf32>
      %neg3A = arith.constant 0.000000e+00 : f32
      %neg3A_1732 = vector.broadcast %neg3A : f32 to vector<16xf32>
      %neg3A_1733 = arith.subf %neg3A_1732, %sub3A_1656 : vector<16xf32>
      %select_n3A_1734 = arith.select %lt3A_1731, %neg3A_1733, %sub3A_1656 : vector<16xi1>, vector<16xf32>
      %mul3A_1735 = arith.mulf %select_n3A_1734, %add3A_1642 : vector<16xf32>
      %mul3A_1736 = arith.mulf %select_n3A_1734, %add3A_1647 : vector<16xf32>
      %mul3A_1737 = arith.mulf %select_n3A_1734, %add3A_1652 : vector<16xf32>
      %mul3A_1738 = arith.mulf %sub3A_465, %div3A_1659 : vector<16xf32>
      %mul3A_1739 = arith.mulf %sub3A_495, %div3A_1659 : vector<16xf32>
      %mul3A_1740 = arith.mulf %sub3A_505, %div3A_1659 : vector<16xf32>
      %mul3A_1741 = arith.mulf %sub3A_495, %div3A_1659 : vector<16xf32>
      %mul3A_1742 = arith.mulf %sub3A_475, %div3A_1659 : vector<16xf32>
      %mul3A_1743 = arith.mulf %sub3A_515, %div3A_1659 : vector<16xf32>
      %mul3A_1744 = arith.mulf %sub3A_505, %div3A_1659 : vector<16xf32>
      %mul3A_1745 = arith.mulf %sub3A_515, %div3A_1659 : vector<16xf32>
      %mul3A_1746 = arith.mulf %sub3A_485, %div3A_1659 : vector<16xf32>
      %broadcast_in_dim3A_1747 = vector.broadcast %cond3A : f32 to vector<16xf32>
      %broadcast_in_dim3A_1748 = arith.constant 0.000000e+00 : f32
      %broadcast_in_dim3A_1749 = vector.broadcast %broadcast_in_dim3A_1748 : f32 to vector<16xf32>
      %eq3A_1750 = arith.constant 0 : i32
      %eq3A_1751 = vector.broadcast %eq3A_1750 : i32 to vector<16xi32>
      %eq3A_1752 = arith.cmpi eq, %iota3A, %eq3A_1751 : vector<16xi32>
      %select_n3A_1753 = arith.select %eq3A_1752, %mul3A_439, %broadcast_in_dim3A_1749 : vector<16xi1>, vector<16xf32>
      %eq3A_1754 = arith.constant 1 : i32
      %eq3A_1755 = vector.broadcast %eq3A_1754 : i32 to vector<16xi32>
      %eq3A_1756 = arith.cmpi eq, %iota3A, %eq3A_1755 : vector<16xi32>
      %select_n3A_1757 = arith.select %eq3A_1756, %mul3A_447, %select_n3A_1753 : vector<16xi1>, vector<16xf32>
      %eq3A_1758 = arith.constant 2 : i32
      %eq3A_1759 = vector.broadcast %eq3A_1758 : i32 to vector<16xi32>
      %eq3A_1760 = arith.cmpi eq, %iota3A, %eq3A_1759 : vector<16xi32>
      %select_n3A_1761 = arith.select %eq3A_1760, %mul3A_455, %select_n3A_1757 : vector<16xi1>, vector<16xf32>
      %eq3A_1762 = arith.constant 3 : i32
      %eq3A_1763 = vector.broadcast %eq3A_1762 : i32 to vector<16xi32>
      %eq3A_1764 = arith.cmpi eq, %iota3A, %eq3A_1763 : vector<16xi32>
      %select_n3A_1765 = arith.select %eq3A_1764, %mul3A_1738, %select_n3A_1761 : vector<16xi1>, vector<16xf32>
      %eq3A_1766 = arith.constant 4 : i32
      %eq3A_1767 = vector.broadcast %eq3A_1766 : i32 to vector<16xi32>
      %eq3A_1768 = arith.cmpi eq, %iota3A, %eq3A_1767 : vector<16xi32>
      %select_n3A_1769 = arith.select %eq3A_1768, %mul3A_1739, %select_n3A_1765 : vector<16xi1>, vector<16xf32>
      %eq3A_1770 = arith.constant 5 : i32
      %eq3A_1771 = vector.broadcast %eq3A_1770 : i32 to vector<16xi32>
      %eq3A_1772 = arith.cmpi eq, %iota3A, %eq3A_1771 : vector<16xi32>
      %select_n3A_1773 = arith.select %eq3A_1772, %mul3A_1740, %select_n3A_1769 : vector<16xi1>, vector<16xf32>
      %eq3A_1774 = arith.constant 6 : i32
      %eq3A_1775 = vector.broadcast %eq3A_1774 : i32 to vector<16xi32>
      %eq3A_1776 = arith.cmpi eq, %iota3A, %eq3A_1775 : vector<16xi32>
      %select_n3A_1777 = arith.select %eq3A_1776, %mul3A_1741, %select_n3A_1773 : vector<16xi1>, vector<16xf32>
      %eq3A_1778 = arith.constant 7 : i32
      %eq3A_1779 = vector.broadcast %eq3A_1778 : i32 to vector<16xi32>
      %eq3A_1780 = arith.cmpi eq, %iota3A, %eq3A_1779 : vector<16xi32>
      %select_n3A_1781 = arith.select %eq3A_1780, %mul3A_1742, %select_n3A_1777 : vector<16xi1>, vector<16xf32>
      %eq3A_1782 = arith.constant 8 : i32
      %eq3A_1783 = vector.broadcast %eq3A_1782 : i32 to vector<16xi32>
      %eq3A_1784 = arith.cmpi eq, %iota3A, %eq3A_1783 : vector<16xi32>
      %select_n3A_1785 = arith.select %eq3A_1784, %mul3A_1743, %select_n3A_1781 : vector<16xi1>, vector<16xf32>
      %eq3A_1786 = arith.constant 9 : i32
      %eq3A_1787 = vector.broadcast %eq3A_1786 : i32 to vector<16xi32>
      %eq3A_1788 = arith.cmpi eq, %iota3A, %eq3A_1787 : vector<16xi32>
      %select_n3A_1789 = arith.select %eq3A_1788, %mul3A_1744, %select_n3A_1785 : vector<16xi1>, vector<16xf32>
      %eq3A_1790 = arith.constant 10 : i32
      %eq3A_1791 = vector.broadcast %eq3A_1790 : i32 to vector<16xi32>
      %eq3A_1792 = arith.cmpi eq, %iota3A, %eq3A_1791 : vector<16xi32>
      %select_n3A_1793 = arith.select %eq3A_1792, %mul3A_1745, %select_n3A_1789 : vector<16xi1>, vector<16xf32>
      %eq3A_1794 = arith.constant 11 : i32
      %eq3A_1795 = vector.broadcast %eq3A_1794 : i32 to vector<16xi32>
      %eq3A_1796 = arith.cmpi eq, %iota3A, %eq3A_1795 : vector<16xi32>
      %select_n3A_1797 = arith.select %eq3A_1796, %mul3A_1746, %select_n3A_1793 : vector<16xi1>, vector<16xf32>
      %eq3A_1798 = arith.constant 12 : i32
      %eq3A_1799 = vector.broadcast %eq3A_1798 : i32 to vector<16xi32>
      %eq3A_1800 = arith.cmpi eq, %iota3A, %eq3A_1799 : vector<16xi32>
      %select_n3A_1801 = arith.select %eq3A_1800, %mul3A_1735, %select_n3A_1797 : vector<16xi1>, vector<16xf32>
      %eq3A_1802 = arith.constant 13 : i32
      %eq3A_1803 = vector.broadcast %eq3A_1802 : i32 to vector<16xi32>
      %eq3A_1804 = arith.cmpi eq, %iota3A, %eq3A_1803 : vector<16xi32>
      %select_n3A_1805 = arith.select %eq3A_1804, %mul3A_1736, %select_n3A_1801 : vector<16xi1>, vector<16xf32>
      %eq3A_1806 = arith.constant 14 : i32
      %eq3A_1807 = vector.broadcast %eq3A_1806 : i32 to vector<16xi32>
      %eq3A_1808 = arith.cmpi eq, %iota3A, %eq3A_1807 : vector<16xi32>
      %select_n3A_1809 = arith.select %eq3A_1808, %mul3A_1737, %select_n3A_1805 : vector<16xi1>, vector<16xf32>
      %eq3A_1810 = arith.constant 15 : i32
      %eq3A_1811 = vector.broadcast %eq3A_1810 : i32 to vector<16xi32>
      %eq3A_1812 = arith.cmpi eq, %iota3A, %eq3A_1811 : vector<16xi32>
      %select_n3A_1813 = arith.select %eq3A_1812, %broadcast_in_dim3A_1747, %select_n3A_1809 : vector<16xi1>, vector<16xf32>
      %swap3A_1814 = arith.constant 0 : index
      %swap3A_1815 = tpu.vector_load %arg16[%swap3A_1814] {strides = array<i32>} : memref<16xf32, #tpu.memory_space<vmem>>, vector<16xf32>,
      %swap3A_1816 = vector.shape_cast %swap3A_1815 : vector<16xf32> to vector<16xf32>
      %swap3A_1817 = vector.shape_cast %select_n3A_1813 : vector<16xf32> to vector<16xf32>
      tpu.vector_store %arg16[%swap3A_1814], %swap3A_1817 {strides = array<i32>} : memref<16xf32, #tpu.memory_space<vmem>>, vector<16xf32>,
      %mul3A_1818 = arith.constant 8 : i32
      %mul3A_1819 = arith.muli %arg0, %mul3A_1818 : i32
      %jit3A_1820 = arith.constant 2 : i32
      %div3A_1821 = arith.divsi %arg1, %jit3A_1820 : i32
      %sign3A_1822 = arith.constant 0 : i32
      %sign3A_1823 = arith.cmpi sgt, %arg1, %sign3A_1822 : i32
      %sign3A_1824 = arith.extui %sign3A_1823 : i1 to i32
      %sign3A_1825 = arith.constant 0 : i32
      %sign3A_1826 = arith.cmpi slt, %arg1, %sign3A_1825 : i32
      %sign3A_1827 = arith.extui %sign3A_1826 : i1 to i32
      %sign3A_1828 = arith.subi %sign3A_1824, %sign3A_1827 : i32
      %sign3A_1829 = arith.constant 0 : i32
      %sign3A_1830 = arith.cmpi sgt, %jit3A_1820, %sign3A_1829 : i32
      %sign3A_1831 = arith.extui %sign3A_1830 : i1 to i32
      %sign3A_1832 = arith.constant 0 : i32
      %sign3A_1833 = arith.cmpi slt, %jit3A_1820, %sign3A_1832 : i32
      %sign3A_1834 = arith.extui %sign3A_1833 : i1 to i32
      %sign3A_1835 = arith.subi %sign3A_1831, %sign3A_1834 : i32
      %ne3A_1836 = arith.cmpi ne, %sign3A_1828, %sign3A_1835 : i32
      %rem3A_1837 = arith.remsi %arg1, %jit3A_1820 : i32
      %ne3A_1838 = arith.constant 0 : i32
      %ne3A_1839 = arith.cmpi ne, %rem3A_1837, %ne3A_1838 : i32
      %and3A_1840 = arith.andi %ne3A_1836, %ne3A_1839 : i1
      %sub3A_1841 = arith.constant 1 : i32
      %sub3A_1842 = arith.subi %div3A_1821, %sub3A_1841 : i32
      %select_n3A_1843 = arith.select %and3A_1840, %sub3A_1842, %div3A_1821 : i32
      %add3A_1844 = arith.addi %mul3A_1819, %select_n3A_1843 : i32
      %mul3A_1845 = arith.constant 16 : i32
      %mul3A_1846 = arith.muli %add3A_1844, %mul3A_1845 : i32
      "tpu.region"() ({
        %run_scoped3A = tpu.sem_alloc : memref<!tpu.dma_semaphore, #tpu.memory_space<semaphore_mem>>
        %dma_start3A_1847 = tpu.memref_slice %arg4[%mul3A_1846] : memref<256xf32, #tpu.memory_space<hbm>> -> memref<16xf32, #tpu.memory_space<hbm>>
        %dma_start3A_1848 = tpu.memref_slice %arg4[%mul3A_1846] : memref<256xf32, #tpu.memory_space<hbm>> -> memref<16xf32, #tpu.memory_space<hbm>>
        tpu.enqueue_dma source(%arg16 : memref<16xf32, #tpu.memory_space<vmem>>) target(%dma_start3A_1848 : memref<16xf32, #tpu.memory_space<hbm>>) target_semaphore(%run_scoped3A : memref<!tpu.dma_semaphore, #tpu.memory_space<semaphore_mem>>)
        %dma_wait3A_1849 = tpu.memref_slice %arg4[%mul3A_1846] : memref<256xf32, #tpu.memory_space<hbm>> -> memref<16xf32, #tpu.memory_space<hbm>>
        %dma_wait3A_1850 = tpu.memref_slice %arg4[%mul3A_1846] : memref<256xf32, #tpu.memory_space<hbm>> -> memref<16xf32, #tpu.memory_space<hbm>>
        tpu.wait_dma2 semaphore(%run_scoped3A : memref<!tpu.dma_semaphore, #tpu.memory_space<semaphore_mem>>) src(%arg16 : memref<16xf32, #tpu.memory_space<vmem>>) dst(%dma_wait3A_1850 : memref<16xf32, #tpu.memory_space<hbm>>)
        tpu.yield
      }) : () -> ()
    } else {
    }
    return
  }
}

</mosaic_0001>

<sc_bundles>
// kernel: kernel.3.cloned.1.call-start
scs
__scs_entry_jumppad:
0x0: {  	(pc) =	sbr.rel $0x88, $3  }
0x1: {  	(tag) =	ssettag $0x0;
	lr =	simm.s32 $0x1  }
0x2: {  	[smem:$0x3F9F] =	sst lr;
	_ =	strace $0xD0000000  }
0x3: {  	_ = 	snop  }
0x4: {  	_ = 	snop  }
0x5: {  	_ = 	snop  }
0x6: {  	_ = 	snop  }
0x7: {  	_ = 	snop  }
__scs_overlays_trampoline_lowered:
0x8: {  	[smem:$0x3FAE] =	sst s0  }
0x9: {  	[smem:$0x3FAF] =	sst s1  }
0xa: {  	[smem:$0x3FB0] =	sst s2  }
0xb: {  	[smem:$0x3FB1] =	sst s3  }
0xc: {  	[smem:$0x3FB2] =	sst s4  }
0xd: {  	[smem:$0x3FB3] =	sst s5  }
0xe: {  	[smem:$0x3FB4] =	sst s6  }
0xf: {  	[smem:$0x3FB5] =	sst s7  }
0x10: {  	[smem:$0x3FB6] =	sst s8  }
0x11: {  	[smem:$0x3FB7] =	sst s9;
	s0 =	simm.s32 @!p0 $0x0  }
0x12: {  	s1 =	sld [smem:$0x3F9D];
	s0 =	simm.s32 @p0 $0x1  }
0x13: {  	[smem:$0x3FB8] =	sst s0;
	s0 =	simm.s32 @!p1 $0x0  }
0x14: {  	s2 =	sld [smem:$0x3F9C];
	s0 =	simm.s32 @p1 $0x1  }
0x15: {  	[smem:$0x3FB9] =	sst s0;
	s0 =	simm.s32 @!p2 $0x0  }
0x16: {  	s3 =	sld [smem:$0x3FDB];
	s0 =	simm.s32 @p2 $0x1  }
0x17: {  	s4 =	simm.s32 $0x1BF5;
	[smem:$0x3FBB] =	sst s0  }
0x18: {  	s0 =	sld [smem:$0x3F9E];
	_ =	swait.ge [sflag:s4], $0x0  }
0x19: {  	s7 =	sld [smem:$0x3F9F]  }
0x1a: {  	s8 =	sadd.s32 $0xFFFFE003, lr  }
0x1b: {  	s9 =	sadd.s32 $0xFFFFFEF7, lr;
	s5 =	simm.s32 $0xFFFFFFFF;
	p2 =	slt.u32 s8, $0xFFFFF086  }
0x1c: {  	p1 =	slt.u32 s9, $0xF7A;
	s5 =	simm.s32 @!p2 $0x0  }
0x1d: {  	s5 =	simm.s32 @p1 $0x1;
	p0 =	seq.s32 s7, s2  }
0x1e: {  	s7 =	smul.u32 @!p0 $0xF7A, s2;
	p2 =	seq.s32 @!p0 s5, $0x0  }
0x1f: {  	s9 =	smul.u32 $0xF7A, s1;
	s8 =	simm.s32 @!p0 $0x1BF5;
	p2 =	por !p2, p0  }
0x20: {  	[sflag:s8] =	ssyncset.s32 @!p0 $0xFFFFF086;
	s6 =	sadd.s32 @!p0 s3, s7;
	s7 =	simm.s32 @!p0 $0x108  }
0x21: {  	s3 =	sadd.s32 s3, s9;
	s6 =	sadd.s32 @!p0 $0x88, s6;
	s7 =	simm.s32 @p2 $0x1082  }
0x22: {  	[simem:s7], [sflag:s8] =	dma.local @!p0 [hbm:s6], $0xF7A  }
0x23: {  	s9 =	sor.u32 $0xD0000000, s2;
	s6 =	simm.s32 $0x108;
	_ =	swait.ge @!p0 [sflag:s8], $0x0  }
0x24: {  	s3 =	sadd.s32 $0x88, s3;
	s6 =	simm.s32 @!p1 $0x1082;
	[sflag:s4] =	ssyncset.s32 $0xFFFFF086  }
0x25: {  	[simem:s6], [sflag:s4] =	dma.local [hbm:s3], $0xF7A  }
0x26: {  	[smem:$0x3F9F] =	sst s1;
	(tag) =	ssettag s2;
	_ =	strace s9  }
0x27: {  	s1 =	sld [smem:$0x3FAF]  }
0x28: {  	s2 =	sld [smem:$0x3FB0]  }
0x29: {  	s4 =	sld [smem:$0x3FB2]  }
0x2a: {  	p0 =	seq.s32 s5, $0x0;
	s5 =	sld [smem:$0x3FB3]  }
0x2b: {  	s6 =	sld [smem:$0x3FB4]  }
0x2c: {  	s7 =	sld [smem:$0x3FB5]  }
0x2d: {  	s3 =	simm.s32 $0x108;
	s8 =	sld [smem:$0x3FB6]  }
0x2e: {  	s3 =	simm.s32 @!p0 $0x1082;
	s9 =	sld [smem:$0x3FB7]  }
0x2f: {  	lr =	sadd.s32 s0, s3;
	s0 =	sld [smem:$0x3FAE]  }
0x30: {  	s3 =	sld [smem:$0x3FB1]  }
0x31: {  	[smem:$0x3FBA] =	sst s10  }
0x32: {  	s10 =	sld [smem:$0x3FB8];
	_ =	sdelay $0x3  }
0x33: {  	p0 =	seq.s32 s10, $0x1;
	s10 =	sld [smem:$0x3FBA];
	_ =	sdelay $0x3  }
0x34: {  	[smem:$0x3FBA] =	sst s10  }
0x35: {  	s10 =	sld [smem:$0x3FB9];
	_ =	sdelay $0x3  }
0x36: {  	p1 =	seq.s32 s10, $0x1;
	s10 =	sld [smem:$0x3FBA];
	_ =	sdelay $0x3  }
0x37: {  	[smem:$0x3FBA] =	sst s10  }
0x38: {  	s10 =	sld [smem:$0x3FBB]  }
0x39: {  	_ = 	snop;
	(pc) =	sbr.ind lr, $3  }
0x3a: {  	_ = 	snop  }
0x3b: {  	_ = 	snop  }
0x3c: {  	p2 =	seq.s32 s10, $0x1;
	s10 =	sld [smem:$0x3FBA]  }
0x3d: {  	_ =	shalt  }
0x3e: {  	_ =	shalt  }
0x3f: {  	_ =	shalt  }
0x40: {  	_ =	shalt  }
0x41: {  	_ =	shalt  }
0x42: {  	_ =	shalt  }
0x43: {  	_ =	shalt  }
0x44: {  	_ =	shalt  }
0x45: {  	_ =	shalt  }
0x46: {  	_ =	shalt  }
0x47: {  	_ =	shalt  }
0x48: {  	_ =	shalt  }
0x49: {  	_ =	shalt  }
0x4a: {  	_ =	shalt  }
0x4b: {  	_ =	shalt  }
0x4c: {  	_ =	shalt  }
0x4d: {  	_ =	shalt  }
0x4e: {  	_ =	shalt  }
0x4f: {  	_ =	shalt  }
0x50: {  	_ =	shalt  }
0x51: {  	_ =	shalt  }
0x52: {  	_ =	shalt  }
0x53: {  	_ =	shalt  }
0x54: {  	_ =	shalt  }
0x55: {  	_ =	shalt  }
0x56: {  	_ =	shalt  }
0x57: {  	_ =	shalt  }
0x58: {  	_ =	shalt  }
0x59: {  	_ =	shalt  }
0x5a: {  	_ =	shalt  }
0x5b: {  	_ =	shalt  }
0x5c: {  	_ =	shalt  }
0x5d: {  	_ =	shalt  }
0x5e: {  	_ =	shalt  }
0x5f: {  	_ =	shalt  }
0x60: {  	_ =	shalt  }
0x61: {  	_ =	shalt  }
0x62: {  	_ =	shalt  }
0x63: {  	_ =	shalt  }
0x64: {  	_ =	shalt  }
0x65: {  	_ =	shalt  }
0x66: {  	_ =	shalt  }
0x67: {  	_ =	shalt  }
0x68: {  	_ =	shalt  }
0x69: {  	_ =	shalt  }
0x6a: {  	_ =	shalt  }
0x6b: {  	_ =	shalt  }
0x6c: {  	_ =	shalt  }
0x6d: {  	_ =	shalt  }
0x6e: {  	_ =	shalt  }
0x6f: {  	_ =	shalt  }
0x70: {  	_ =	shalt  }
0x71: {  	_ =	shalt  }
0x72: {  	_ =	shalt  }
0x73: {  	_ =	shalt  }
0x74: {  	_ =	shalt  }
0x75: {  	_ =	shalt  }
0x76: {  	_ =	shalt  }
0x77: {  	_ =	shalt  }
0x78: {  	_ =	shalt  }
0x79: {  	_ =	shalt  }
0x7a: {  	_ =	shalt  }
0x7b: {  	_ =	shalt  }
0x7c: {  	_ =	shalt  }
0x7d: {  	_ =	shalt  }
0x7e: {  	_ =	shalt  }
0x7f: {  	_ =	shalt  }
0x80: {  	_ =	shalt  }
0x81: {  	_ =	shalt  }
0x82: {  	_ =	shalt  }
0x83: {  	_ =	shalt  }
0x84: {  	_ =	shalt  }
0x85: {  	_ =	shalt  }
0x86: {  	_ =	shalt  }
0x87: {  	_ =	shalt  }
.Lfunc_end0:
.L_simem_size_0:
called_computation_lowered:
.L_overlay_start_0:
0x88: {  	s2 =	sld [smem:$0x3FD9]  }
0x89: {  	s3 =	sld [smem:$0x3FFE];
	_ =	sdelay $0x1  }
0x8a: {  	s1 =	srdreg.scid  }
0x8b: {  	s0 =	sand.u32 $0x1, s1  }
0x8c: {  	s17 =	sshll.u32 s0, $0xA;
	s2 =	sadd.s32 s3, s2  }
0x8d: {  	s2 =	sadd.s32 s2, s17  }
0x8e: {  	[smem:$0x3FC6] =	sst s2  }
0x8f: {  	_ = 	snop  }
0x90: {  	s2 =	sld [smem:$0x3FC8];
	(tm) =	ssettm $0x1  }
0x91: {  	s18 =	sld [smem:$0x3FFB];
	_ =	sdelay $0x3  }
0x92: {  	_ =	strace s18  }
0x93: {  	s3 =	sld [smem:$0x3FFC];
	_ =	sdelay $0x3  }
0x94: {  	_ =	strace s3  }
0x95: {  	s3 =	sld [smem:$0x3FFD];
	_ =	sdelay $0x3  }
0x96: {  	_ =	strace s3  }
0x97: {  	_ =	strace $0x8FFFFFFF  }
0x98: {  	s19 =	sld [smem:$0x3FDB];
	_ =	sdelay $0x1  }
0x99: {  	s4 =	simm.s32 $_scs_section_size  }
0x9a: {  	s5 =	simm.s32 $_size__tile_overlayer_lowered;
	s6 =	simm.s32 $_tile_overlayer_lowered  }
0x9b: {  	s22 =	simm.s32 $0x1BFF;
	s21 =	sshll.u32 s6, $0x1;
	s3 =	sadd.s32 s4, s19  }
0x9c: {  	s7 =	simm.s32 $0x0;
	s20 =	sshll.u32 s5, $0x1;
	s5 =	sadd.s32 s21, s3  }
0x9d: {  	[timem:s7], [sflag:s22] =	dma.local [hbm:s5], s20  }
0x9e: {  	_ =	swait.ge [sflag:s22], s20  }
0x9f: {  	s4 =	ssub.s32 $0x0, s20;
	[sflag:s22] =	ssyncset.done $0x0  }
0xa0: {  	[sflag:s22] =	ssyncadd.s32 s4;
	_ =	sdelay $0x1  }
0xa1: {  	s23 =	simm.s32 $0x1B8B  }
0xa2: {  	_ =	swait.ge [sflag:s23], $0x1  }
0xa3: {  	[sflag:s23] =	ssyncset.done $0x0  }
0xa4: {  	s25 =	simm.s32 $0x1B8E;
	s24 =	sld [smem:$0x3FFE];
	[sflag:s23] =	ssyncadd.s32 $0xFFFFFFFF  }
0xa5: {  	s26 =	simm.s32 $execute0_lowered;
	[smem:$0x3FD2] =	sst s25  }
0xa6: {  	s5 =	sshll.u32 s26, $0x1;
	_ =	strace $0x80000046;
	[dreg:$0x1] =	wrdreg $0xFFFFFFFF  }
0xa7: {  	s28 =	simm.s32 $_size_execute0_lowered;
	s3 =	sadd.s32 s3, s5;
	[dreg:$0x0] =	wrdreg $0x0  }
0xa8: {  	s5 =	sshll.u32 s28, $0x1;
	[dreg:$0x2] =	wrdreg s3  }
0xa9: {  	[dreg:$0x3] =	wrdreg s5  }
0xaa: {  	[dreg:$0x4] =	wrdreg $0xC0  }
0xab: {  	_ =	task [dreg:s7], $0x5FFFF  }
0xac: {  	[dreg:$0x1] =	wrdreg $0xFFFFFFFF  }
0xad: {  	[dreg:$0x0] =	wrdreg $0x60  }
0xae: {  	[dreg:$0x2] =	wrdreg s24  }
0xaf: {  	[dreg:$0x3] =	wrdreg s2  }
0xb0: {  	[dreg:$0x4] =	wrdreg $0x0  }
0xb1: {  	[dreg:$0x5] =	wrdreg $0x8000  }
0xb2: {  	[dreg:$0x6] =	wrdreg $0x10000  }
0xb3: {  	[dreg:$0x7] =	wrdreg $0x18000  }
0xb4: {  	[dreg:$0x8] =	wrdreg $0x18100  }
0xb5: {  	[dreg:$0x9] =	wrdreg $0x9  }
0xb6: {  	_ =	task.clear_ibuf [dreg:s7], $0xAFFFF;
	_ =	strace $0x90000046  }
0xb7: {  	s29 =	simm.s32 $0x9;
	_ =	strace $0x80000048  }
0xb8: {  	_ =	swait.ge [sflag:s29], $0x1  }
0xb9: {  	[sflag:s29] =	ssyncadd.s32 $0xFFFFFFFF  }
0xba: {  	_ =	strace $0x90000048  }
0xbb: {  	_ =	sfence  }
0xbc: {  	s30 =	sld [smem:$0x0];
	_ =	sdelay $0x2  }
0xbd: {  	s31 =	sshll.u32 s1, $0xD;
	s1 =	sshrl.u32 s1, $0x2  }
0xbe: {  	s3 =	sand.u32 $0x4000, s31;
	s1 =	sadd.s32 s1, s30  }
0xbf: {  	s0 =	sor.u32 s3, s0;
	s1 =	sshll.u32 s1, $0x11  }
0xc0: {  	s0 =	sor.u32 s1, s0  }
0xc1: {  	s0 =	sadd.s32 $0x8F2B, s0  }
0xc2: {  	[sflag:s0] =	ssyncadd.remote.s32 $0x1  }
0xc3: {  	_ =	sfence.sel $0xFFFF  }
0xc4: {  	[dreg:$0x0] =	wrdreg $0xFFFFFFFF;
	(pc) =	sbr.abs _section_cstart, $3  }
0xc5: {  	[dreg:$0x1] =	wrdreg $0xFFFFFFFF  }
0xc6: {  	_ =	task.clear_ibuf [dreg:s7], $0x2FFFF;
	_ =	strace $0x9FFFFFFF  }
0xc7: {  	(tm) =	ssettm $0x7FFFFFFF  }
tec
execute0_lowered:
.L_overlay_start_1:
0x0: {  	(tag) =	ssettag $0x1  }
0x1: {  	s4 =	rddreg [dreg:$0x0]  }
0x2: {  	s11 =	rddreg [dreg:$0x1]  }
0x3: {  	s1 =	rddreg [dreg:$0x2]  }
0x4: {  	s2 =	rddreg [dreg:$0x3]  }
0x5: {  	s3 =	rddreg [dreg:$0x4]  }
0x6: {  	s13 =	rddreg [dreg:$0x5]  }
0x7: {  	s15 =	rddreg [dreg:$0x6]  }
0x8: {  	s6 =	simm.s32 $0x0;
	s5 =	stileid.u32;
	s0 =	srdreg.scid  }
0x9: {  	s28 =	simm.s32 $0x2420;
	s29 =	simm.s32 $0x2820;
	s30 =	simm.s32 $0x28A0  }
0xa: {  	s31 =	simm.s32 $0x2920;
	[smem:$0x7FF] =	sst s6;
	s21 =	sshll.u32 s5, $0x8  }
0xb: {  	s0 =	sand.u32 $0x1, s0;
	s23 =	sshll.u32 s5, $0xB;
	s10 =	sshll.u32 s5, $0x6  }
0xc: {  	v0 =	vimm.s32 $0xEFCDAB89;
	s12 =	sshll.u32 s5, $0xD;
	s14 =	sshll.u32 s5, $0x4;
	_ =	strace $0x80000047  }
0xd: {  	v1 =	vimm.s32 $0x67452301;
	v2 =	vimm.s32 $0xDCFE98BA;
	v3 =	vimm.s32 $0x54761032;
	s9 =	sadd.s32 s21, s4;
	s22 =	sshll.u32 s0, $0x4;
	s7 =	ssub.s32 $0x2, s0  }
0xe: {  	v4 =	vimm.s32 $0xBA98FEDC;
	v5 =	vimm.s32 $0x32107654;
	s0 =	sand.u32 $0x1, s5;
	s18 =	sadd.s32 s23, s1;
	s12 =	sand.u32 $0x2000, s12  }
0xf: {  	v6 =	vimm.s32 $0xFEDCBA98;
	v7 =	vimm.s32 $0x76543210;
	vm0 =	vmmov $0x1;
	s19 =	sadd.s32 s23, s2;
	s20 =	sxor.u32 $0x10, s14;
	s21 =	simm.s32 $0x80  }
0x10: {  	vm1 =	vcmask $0x324;
	vm2 =	vcmask $0x724;
	vm3 =	vcmask $0xB24;
	s6 =	sor.u32 s5, s22;
	s8 =	sshrl.u32 s7, $0x1;
	p1 =	seq.s32 s0, $0x1  }
0x11: {  	vm4 =	vcmask $0xF24;
	vm5 =	vcmask $0x1324;
	vm6 =	vcmask $0x1724;
	s18 =	sshrl.u32 s18, $0x3;
	s19 =	sshrl.u32 s19, $0x3;
	s22 =	simm.s32 $0x400  }
0x12: {  	vm7 =	vcmask $0x1B24;
	vm8 =	vcmask $0x1F24;
	v8 =	vimm.s32 $0x1;
	p0 =	seq.s32 s6, $0x0;
	s16 =	sadd.s32 s6, s4;
	s17 =	ssub.s32 s7, s8  }
0x13: {  	v9 =	vimm.s32 $0x2;
	v10 =	vimm.s32 $0x3;
	v11 =	vimm.s32 $0x4;
	s7 =	simm.s32 $0x1;
	s24 =	sshrl.u32 s6, $0x1;
	p0 =	por !p0, !p1  }
0x14: {  	v12 =	vimm.s32 $0x5;
	v13 =	vimm.s32 $0x6;
	v14 =	vimm.s32 $0x7;
	s6 =	sadd.s32 $0x400, s9;
	s4 =	sadd.s32 s23, s3;
	p0 =	por !p0, !p0  }
0x15: {  	v0 =	vunpack.c.l.s4.s8 v0;
	v1 =	vunpack.c.l.s4.s8 v1;
	v2 =	vunpack.c.l.s4.s8 v2;
	s23 =	simm.s32 $0x1820;
	s16 =	sadd.s32 $0x3400, s16;
	s7 =	simm.s32 @!p0 $0x0  }
0x16: {  	v3 =	vunpack.c.l.s4.s8 v3;
	v4 =	vunpack.c.l.s4.s8 v4;
	v5 =	vunpack.c.l.s4.s8 v5;
	s17 =	smax.u32 s17, $0x1;
	p0 =	sne.s32 s0, $0x0;
	s8 =	ssub.s32 s24, s7  }
0x17: {  	v6 =	vunpack.c.l.s4.s8 v6;
	v7 =	vunpack.c.l.s4.s8 v7;
	v0 =	vunpack.c.0.s8.s32 v0;
	s0 =	simm.s32 $0x0;
	s7 =	sor.u32 $0x1C01, s10;
	s25 =	sshll.u32 s8, $0xB  }
0x18: {  	v1 =	vunpack.c.0.s8.s32 v1;
	v2 =	vunpack.c.0.s8.s32 v2;
	v3 =	vunpack.c.0.s8.s32 v3;
	s24 =	simm.s32 $0x2;
	s8 =	sshll.u32 s8, $0x7;
	s10 =	sand.u32 $0xFFFFC000, s25  }
0x19: {  	v4 =	vunpack.c.0.s8.s32 v4;
	v5 =	vunpack.c.0.s8.s32 v5;
	v6 =	vunpack.c.0.s8.s32 v6;
	s26 =	sand.u32 $0x380, s8;
	s8 =	sadd.s32 $0x1400, s9;
	s10 =	sor.u32 s12, s10  }
0x1a: {  	v15 =	vimm.s32 $0x8;
	v7 =	vunpack.c.0.s8.s32 v7;
	v0 =	vcombine.low v1, v0;
	s9 =	sadd.s32 $0x2400, s9;
	s25 =	simm.s32 $0x1C20;
	s10 =	sor.u32 s26, s10  }
0x1b: {  	v1 =	vcombine.low v3, v2;
	v2 =	vcombine.low v5, v4;
	v6 =	vand.u32 $0xF, v6;
	s26 =	simm.s32 $0x2020;
	s12 =	sshrl.u32 s10, $0x3;
	s10 =	simm.s32 $0x1  }
0x1c: {  	v16 =	vlaneseq.u32;
	v6 =	vcombine.low v6, v7;
	v7 =	vimm.s32 $0x0;
	s11 =	sadd.s32 s11, s12;
	s12 =	sadd.s32 s14, s13;
	s13 =	sadd.s32 s20, s13  }
0x1d: {  	v3 =	vand.u32 $0xF, v0;
	v4 =	vand.u32 $0xF, v1;
	v5 =	vand.u32 $0xF, v2;
	s14 =	sadd.s32 s14, s15;
	s15 =	sadd.s32 s20, s15;
	s20 =	sshrl.u32 s4, $0x3  }
.LBB2_1:
0x1e: {  	[spmem:s18], [sflag:s7] =	dma.local [hbm:s6], $0x100  }
0x1f: {  	[spmem:s19], [sflag:s7] =	dma.local [hbm:s8], $0x100  }
0x20: {  	[spmem:s20], [sflag:s7] =	dma.local [hbm:s9], $0x100  }
0x21: {  	[tilespmem:s23], [sflag:$0x2] =	stream.strided.gather [hbm4b:s11+s21], $0x400, s22, s21, $0x38;
	[tilespmem:$0x29A0] =	vst v63  }
0x22: {  	_ =	swait.ge [sflag:s24], $0x400  }
0x23: {  	[sflag:s24] =	ssyncset.done $0x0  }
0x24: {  	[sflag:s24] =	ssyncadd.s32 $0xFFFFFC00  }
0x25: {  	_ =	swait.ge [sflag:s10], $0x100  }
0x26: {  	[sflag:s10] =	ssyncset.done $0x0  }
0x27: {  	[sflag:s10] =	ssyncadd.s32 $0xFFFFFF00  }
0x28: {  	_ =	swait.ge [sflag:s10], $0x100  }
0x29: {  	[sflag:s10] =	ssyncset.done $0x0  }
0x2a: {  	[sflag:s10] =	ssyncadd.s32 $0xFFFFFF00  }
0x2b: {  	_ =	swait.ge [sflag:s10], $0x100  }
0x2c: {  	[sflag:s10] =	ssyncset.done $0x0  }
0x2d: {  	[sflag:s10] =	ssyncadd.s32 $0xFFFFFF00  }
0x2e: {  	[bflag:$0x0] =	sbarrier.arrive $0xFFFF  }
0x2f: {  	[tilespmem:s25], [sflag:$0x1] =	stream.indirect.gather [spmem:s1], $0x1, s23, s22, $0xb8;
	[tilespmem:$0x29A0] =	vst v63  }
0x30: {  	_ = 	snop  }
0x31: {  	[tilespmem:s26], [sflag:$0x1] =	stream.indirect.gather [spmem:s2], $0x1, s23, s22, $0xb8;
	[tilespmem:$0x29A0] =	vst v63  }
0x32: {  	_ = 	snop  }
0x33: {  	[tilespmem:s28], [sflag:$0x1] =	stream.indirect.gather [spmem:s3], $0x1, s23, s22, $0xb8;
	[tilespmem:$0x29A0] =	vst v63  }
0x34: {  	_ =	swait.ge [sflag:s10], $0x400  }
0x35: {  	[sflag:s10] =	ssyncset.done $0x0  }
0x36: {  	s5 =	simm.s32 $0x0;
	[sflag:s10] =	ssyncadd.s32 $0xFFFFFC00  }
0x37: {  	v19 =	vld [tilespmem:s5+$0x1C20]  }
0x38: {  	v17 =	vimm.f32 $0.0e+00;
	s4 =	simm.s32 $0x40;
	v18 =	vimm.f32 $0.0e+00  }
.LBB2_2:
0x39: {  	p1 =	sne.s32 s4, $0xFC0  }
.Ltmp0:
0x3a: {  	_ = 	snop;
	(pc) =	sbr.rel @p1 .LBB2_2-.Ltmp0, $4  }
0x3b: {  	_ = 	snop  }
0x3c: {  	s5 =	sshra.s32 s4, $0x2;
	s4 =	sadd.s32 $0x40, s4;
	v17 =	vadd.f32 v19, v17;
	v20 =	vmul.f32 v19, v19  }
0x3d: {  	v19 =	vld [tilespmem:s5+$0x1C20]  }
0x3e: {  	v18 =	vadd.f32 v20, v18  }
0x3f: {  	_ = 	snop  }
0x40: {  	_ =	swait.ge [sflag:s10], $0x400  }
0x41: {  	[sflag:s10] =	ssyncset.done $0x0  }
0x42: {  	s5 =	simm.s32 $0x0;
	[sflag:s10] =	ssyncadd.s32 $0xFFFFFC00;
	v21 =	vmul.f32 v19, v19  }
0x43: {  	v20 =	vadd.f32 v19, v17;
	v22 =	vld [tilespmem:s5+$0x1C20];
	v19 =	vimm.f32 $0.0e+00  }
0x44: {  	s4 =	simm.s32 $0x40;
	v23 =	vld [tilespmem:s5+$0x2020];
	v17 =	vadd.f32 v21, v18;
	v18 =	vimm.f32 $0.0e+00;
	v21 =	vimm.f32 $0.0e+00  }
.LBB2_4:
0x45: {  	_ = 	snop  }
0x46: {  	p1 =	sne.s32 s4, $0xFC0  }
.Ltmp1:
0x47: {  	_ = 	snop;
	(pc) =	sbr.rel @p1 .LBB2_4-.Ltmp1, $4  }
0x48: {  	_ = 	snop  }
0x49: {  	s5 =	sshra.s32 s4, $0x2;
	v24 =	vmul.f32 v23, v23;
	v25 =	vmul.f32 v23, v22  }
0x4a: {  	v18 =	vadd.f32 v23, v18;
	v22 =	vld [tilespmem:s5+$0x1C20]  }
0x4b: {  	s4 =	sadd.s32 $0x40, s4;
	v23 =	vld [tilespmem:s5+$0x2020];
	v19 =	vadd.f32 v24, v19;
	v21 =	vadd.f32 v25, v21  }
0x4c: {  	_ = 	snop  }
0x4d: {  	_ =	swait.ge [sflag:s10], $0x400  }
0x4e: {  	[sflag:s10] =	ssyncset.done $0x0  }
0x4f: {  	s5 =	simm.s32 $0x0;
	[sflag:s10] =	ssyncadd.s32 $0xFFFFFC00  }
0x50: {  	v24 =	vmul.f32 v23, v23;
	v25 =	vmul.f32 v23, v22;
	v22 =	vld [tilespmem:s5+$0x2020]  }
0x51: {  	v27 =	vadd.f32 v23, v18;
	v23 =	vld [tilespmem:s5+$0x2420]  }
0x52: {  	v28 =	vimm.f32 $0.0e+00;
	v26 =	vld [tilespmem:s5+$0x1C20];
	v19 =	vadd.f32 v24, v19;
	v18 =	vadd.f32 v25, v21  }
0x53: {  	s4 =	simm.s32 $0x40;
	v25 =	vimm.f32 $0.0e+00;
	v24 =	vimm.f32 $0.0e+00;
	v21 =	vimm.f32 $0.0e+00  }
.LBB2_6:
0x54: {  	p1 =	sne.s32 s4, $0xFC0  }
.Ltmp2:
0x55: {  	s5 =	sshra.s32 s4, $0x2;
	(pc) =	sbr.rel @p1 .LBB2_6-.Ltmp2, $4  }
0x56: {  	s4 =	sadd.s32 $0x40, s4;
	v28 =	vadd.f32 v23, v28;
	v29 =	vmul.f32 v23, v23;
	v30 =	vmul.f32 v23, v22;
	v22 =	vld [tilespmem:s5+$0x2020]  }
0x57: {  	v31 =	vmul.f32 v23, v26;
	v23 =	vld [tilespmem:s5+$0x2420]  }
0x58: {  	v26 =	vld [tilespmem:s5+$0x1C20];
	v25 =	vadd.f32 v29, v25;
	v24 =	vadd.f32 v30, v24  }
0x59: {  	v21 =	vadd.f32 v31, v21  }
0x5a: {  	_ =	sdelay $0x1  }
0x5b: {  	v29 =	vperm.xlane v20, v3;
	v28 =	vadd.f32 v23, v28  }
0x5c: {  	v30 =	vperm.xlane v27, v3  }
0x5d: {  	v20 =	vadd.f32 v29, v20;
	v29 =	vperm.xlane v28, v3  }
0x5e: {  	v27 =	vadd.f32 v30, v27  }
0x5f: {  	v30 =	vperm.xlane v20, v4;
	v28 =	vadd.f32 v29, v28  }
0x60: {  	v29 =	vperm.xlane v27, v4  }
0x61: {  	v20 =	vadd.f32 v30, v20;
	v30 =	vperm.xlane v28, v4  }
0x62: {  	v27 =	vadd.f32 v29, v27  }
0x63: {  	v29 =	vperm.xlane v20, v5;
	v28 =	vadd.f32 v30, v28  }
0x64: {  	v30 =	vperm.xlane v27, v5  }
0x65: {  	v20 =	vadd.f32 v29, v20;
	v29 =	vperm.xlane v28, v5  }
0x66: {  	v31 =	vmul.f32 v23, v23;
	v27 =	vadd.f32 v30, v27  }
0x67: {  	v22 =	vmul.f32 v23, v22;
	v30 =	vperm.xlane v20, v6;
	v28 =	vadd.f32 v29, v28  }
0x68: {  	v23 =	vmul.f32 v23, v26;
	v25 =	vadd.f32 v31, v25;
	v26 =	vperm.xlane v27, v6  }
0x69: {  	v22 =	vadd.f32 v22, v24;
	v20 =	vadd.f32 v30, v20;
	v24 =	vperm.xlane v28, v6  }
0x6a: {  	v21 =	vadd.f32 v23, v21;
	v23 =	vadd.f32 v26, v27;
	v26 =	vperm.xlane v17, v3  }
0x6b: {  	v20 =	vnsel vm0, $0x0, v20;
	v27 =	vperm.xlane v19, v3;
	v24 =	vadd.f32 v24, v28  }
0x6c: {  	v20 =	vsel vm1, v20, v23;
	v17 =	vadd.f32 v26, v17;
	v23 =	vperm.xlane v25, v3  }
0x6d: {  	v19 =	vadd.f32 v27, v19;
	v20 =	vsel vm2, v20, v24;
	v24 =	vperm.xlane v18, v3  }
0x6e: {  	v26 =	vperm.xlane v17, v4;
	v23 =	vadd.f32 v23, v25;
	v25 =	vperm.xlane v21, v3  }
0x6f: {  	v27 =	vperm.xlane v19, v4;
	v18 =	vadd.f32 v24, v18;
	v24 =	vperm.xlane v22, v3  }
0x70: {  	v17 =	vadd.f32 v26, v17;
	v26 =	vperm.xlane v23, v4;
	v21 =	vadd.f32 v25, v21  }
0x71: {  	v19 =	vadd.f32 v27, v19;
	v25 =	vperm.xlane v18, v4;
	v22 =	vadd.f32 v24, v22  }
0x72: {  	v24 =	vperm.xlane v17, v5;
	v23 =	vadd.f32 v26, v23;
	v26 =	vperm.xlane v21, v4  }
0x73: {  	v27 =	vperm.xlane v19, v5;
	v18 =	vadd.f32 v25, v18;
	v25 =	vperm.xlane v22, v4  }
0x74: {  	v17 =	vadd.f32 v24, v17;
	v24 =	vperm.xlane v23, v5;
	v21 =	vadd.f32 v26, v21  }
0x75: {  	v19 =	vadd.f32 v27, v19;
	v26 =	vperm.xlane v18, v5;
	v22 =	vadd.f32 v25, v22  }
0x76: {  	v25 =	vperm.xlane v17, v6;
	v23 =	vadd.f32 v24, v23;
	v24 =	vperm.xlane v21, v5  }
0x77: {  	v27 =	vperm.xlane v19, v6;
	v18 =	vadd.f32 v26, v18;
	v26 =	vperm.xlane v22, v5  }
0x78: {  	v17 =	vadd.f32 v25, v17;
	v25 =	vperm.xlane v23, v6;
	v21 =	vadd.f32 v24, v21  }
0x79: {  	v19 =	vadd.f32 v27, v19;
	v24 =	vperm.xlane v18, v6;
	v22 =	vadd.f32 v26, v22  }
0x7a: {  	v17 =	vsel vm3, v20, v17;
	v20 =	vadd.f32 v25, v23;
	v23 =	vperm.xlane v21, v6  }
0x7b: {  	v17 =	vsel vm4, v17, v19;
	v18 =	vadd.f32 v24, v18;
	v19 =	vperm.xlane v22, v6  }
0x7c: {  	v17 =	vsel vm5, v17, v20;
	v20 =	vadd.f32 v23, v21  }
0x7d: {  	v17 =	vsel vm6, v17, v18;
	v18 =	vadd.f32 v19, v22  }
0x7e: {  	v17 =	vsel vm7, v17, v20  }
0x7f: {  	v17 =	vsel vm8, v17, v18  }
0x80: {  	[tilespmem:$0x2820] =	vst v17  }
0x81: {  	[spmem:s12] =	stream.linear.scatter [tilespmem:s29], [sflag:$0x2], $0x10, $0x38;
	[tilespmem:$0x29A0] =	vst v63  }
0x82: {  	_ =	swait.ge [sflag:s24], $0x10  }
0x83: {  	[sflag:s24] =	ssyncset.done $0x0  }
0x84: {  	[sflag:s24] =	ssyncadd.s32 $0xFFFFFFF0  }
0x85: {  	[bflag:$0x0] =	sbarrier.arrive $0xFFFF  }
0x86: {  	[tilespmem:s30], [sflag:$0x2] =	stream.linear.gather [spmem:s13], $0x10, $0x38;
	[tilespmem:$0x29A0] =	vst v63  }
0x87: {  	_ =	swait.ge [sflag:s24], $0x10  }
0x88: {  	[sflag:s24] =	ssyncset.done $0x0  }
0x89: {  	[sflag:s24] =	ssyncadd.s32 $0xFFFFFFF0  }
0x8a: {  	v18 =	vld [tilespmem:$0x28A0];
	_ =	sdelay $0x4  }
0x8b: {  	v24 =	vadd.f32 v18, v17;
	_ =	sdelay $0x1  }
0x8c: {  	v17 =	vperm.xlane v24, v7;
	_ =	sdelay $0x1  }
0x8d: {  	v18 =	vperm.xlane v24, v8;
	v17 =	vmul.f32 $4.882812500e-04, v17;
	_ =	sdelay $0x1  }
0x8e: {  	v18 =	vmul.f32 $4.882812500e-04, v18;
	v22 =	vmul.f32 $2.048000000e+03, v17;
	_ =	sdelay $0x1  }
0x8f: {  	v19 =	vperm.xlane v24, v13;
	v20 =	vmul.f32 v18, v22;
	_ =	sdelay $0x1  }
0x90: {  	v19 =	vsub.f32 v19, v20;
	_ =	sdelay $0x1  }
0x91: {  	vm9 =	veq.f32 v19, $0.0e+00  }
0x92: {  	v20 =	vsel vm9, $0x3F800000, v19  }
0x93: {  	v25 =	vmul.f32 $2.048000000e+03, v18;
	(erf) = vrcp.f32 v20  }
0x94: {  	v23 =	vperm.xlane v24, v11;
	v21 =	vmul.f32 v22, v17  }
0x95: {  	v26 =	vmul.f32 v25, v18;
	v20 =	vperm.xlane v24, v10;
	_ =	sdelay $0x1  }
0x96: {  	v21 =	vsub.f32 v20, v21;
	v20 =	vsub.f32 v23, v26;
	_ =	sdelay $0x1  }
0x97: {  	v23 =	vsub.f32 v20, v21;
	_ =	sdelay $0x1  }
0x98: {  	v23 =	vmul.f32 $5.000000000e-01, v23  }
0x99: {  	v26 =	vpop (erf)  }
0x9a: {  	v23 =	vmul.f32 v26, v23;
	_ =	sdelay $0x1  }
0x9b: {  	v23 =	vmin.f32 v23, $9.999999840e+17  }
0x9c: {  	v23 =	vmax.f32 v23, $-9.999999840e+17  }
0x9d: {  	v26 =	vmul.f32 v23, v23;
	_ =	sdelay $0x1  }
0x9e: {  	v26 =	vadd.f32 $1.000000000e+00, v26;
	_ =	sdelay $0x1  }
0x9f: {  	v26 =	vmax.f32 v26, $1.000000000e-30  }
0xa0: {  	v27 =	vshrl.u32 v26, $0x1;
	v28 =	vmul.f32 $5.000000000e-01, v26  }
0xa1: {  	v27 =	vsub.s32 $0x5F3759DF, v27  }
0xa2: {  	v29 =	vmul.f32 v27, v28;
	_ =	sdelay $0x1  }
0xa3: {  	v29 =	vmul.f32 v27, v29;
	_ =	sdelay $0x1  }
0xa4: {  	v29 =	vsub.f32 $1.500000000e+00, v29;
	_ =	sdelay $0x1  }
0xa5: {  	v27 =	vmul.f32 v27, v29;
	_ =	sdelay $0x1  }
0xa6: {  	v28 =	vmul.f32 v27, v28;
	_ =	sdelay $0x1  }
0xa7: {  	v28 =	vmul.f32 v28, v27;
	_ =	sdelay $0x1  }
0xa8: {  	v28 =	vsub.f32 $1.500000000e+00, v28;
	_ =	sdelay $0x1  }
0xa9: {  	v27 =	vmul.f32 v28, v27;
	_ =	sdelay $0x1  }
0xaa: {  	v26 =	vmul.f32 v27, v26  }
0xab: {  	v27 =	vand.u32 $0x7FFFFFFF, v23  }
0xac: {  	v26 =	vadd.f32 v26, v27;
	_ =	sdelay $0x1  }
0xad: {  	(erf) = vrcp.f32 v26;
	_ =	sdelay $0x8  }
0xae: {  	v26 =	vpop (erf)  }
0xaf: {  	vm10 =	vge.f32 v23, $0.0e+00;
	v23 =	vxor.u32 $0x80000000, v26  }
0xb0: {  	v23 =	vsel vm10, v26, v23  }
0xb1: {  	v28 =	vsel vm9, $0x0, v23  }
0xb2: {  	v23 =	vmul.f32 v28, v28;
	_ =	sdelay $0x1  }
0xb3: {  	v23 =	vadd.f32 $1.000000000e+00, v23;
	_ =	sdelay $0x1  }
0xb4: {  	v26 =	vshrl.u32 v23, $0x1;
	v23 =	vmul.f32 $5.000000000e-01, v23  }
0xb5: {  	v26 =	vsub.s32 $0x5F3759DF, v26  }
0xb6: {  	v27 =	vmul.f32 v26, v23;
	_ =	sdelay $0x1  }
0xb7: {  	v27 =	vmul.f32 v26, v27;
	_ =	sdelay $0x1  }
0xb8: {  	v27 =	vsub.f32 $1.500000000e+00, v27;
	_ =	sdelay $0x1  }
0xb9: {  	v26 =	vmul.f32 v26, v27;
	_ =	sdelay $0x1  }
0xba: {  	v23 =	vmul.f32 v26, v23  }
0xbb: {  	v27 =	vperm.xlane v24, v9  }
0xbc: {  	v29 =	vmul.f32 v23, v26  }
0xbd: {  	v23 =	vmul.f32 $4.882812500e-04, v27  }
0xbe: {  	v30 =	vperm.xlane v24, v15;
	v29 =	vsub.f32 $1.500000000e+00, v29  }
0xbf: {  	v27 =	vperm.xlane v24, v14;
	v22 =	vmul.f32 v23, v22  }
0xc0: {  	v31 =	vmul.f32 v23, v25;
	v26 =	vmul.f32 v29, v26;
	_ =	sdelay $0x1  }
0xc1: {  	v25 =	vsub.f32 v27, v22;
	v22 =	vsub.f32 v30, v31;
	v27 =	vmul.f32 v26, v28;
	_ =	sdelay $0x1  }
0xc2: {  	v29 =	vmul.f32 v26, v25;
	v30 =	vmul.f32 v27, v22;
	_ =	sdelay $0x1  }
0xc3: {  	v31 =	vsub.f32 v29, v30;
	_ =	sdelay $0x1  }
0xc4: {  	vm9 =	veq.f32 v31, $0.0e+00  }
0xc5: {  	v29 =	vsel vm9, $0x3F800000, v31  }
0xc6: {  	v30 =	vmul.f32 $2.048000000e+03, v23;
	(erf) = vrcp.f32 v29  }
0xc7: {  	v24 =	vperm.xlane v24, v12  }
0xc8: {  	v29 =	vmul.f32 v30, v23;
	v30 =	vmul.f32 v28, v19;
	_ =	sdelay $0x1  }
0xc9: {  	v24 =	vsub.f32 v24, v29;
	v32 =	vsub.f32 v21, v30;
	_ =	sdelay $0x1  }
0xca: {  	v28 =	vsub.f32 v24, v32;
	_ =	sdelay $0x1  }
0xcb: {  	v28 =	vmul.f32 $5.000000000e-01, v28  }
0xcc: {  	v29 =	vpop (erf)  }
0xcd: {  	v28 =	vmul.f32 v29, v28;
	_ =	sdelay $0x1  }
0xce: {  	v28 =	vmin.f32 v28, $9.999999840e+17  }
0xcf: {  	v28 =	vmax.f32 v28, $-9.999999840e+17  }
0xd0: {  	v29 =	vmul.f32 v28, v28;
	_ =	sdelay $0x1  }
0xd1: {  	v29 =	vadd.f32 $1.000000000e+00, v29;
	_ =	sdelay $0x1  }
0xd2: {  	v29 =	vmax.f32 v29, $1.000000000e-30  }
0xd3: {  	v33 =	vshrl.u32 v29, $0x1;
	v34 =	vmul.f32 $5.000000000e-01, v29  }
0xd4: {  	v33 =	vsub.s32 $0x5F3759DF, v33  }
0xd5: {  	v35 =	vmul.f32 v33, v34;
	_ =	sdelay $0x1  }
0xd6: {  	v35 =	vmul.f32 v33, v35;
	_ =	sdelay $0x1  }
0xd7: {  	v35 =	vsub.f32 $1.500000000e+00, v35;
	_ =	sdelay $0x1  }
0xd8: {  	v33 =	vmul.f32 v33, v35;
	_ =	sdelay $0x1  }
0xd9: {  	v34 =	vmul.f32 v33, v34;
	_ =	sdelay $0x1  }
0xda: {  	v34 =	vmul.f32 v34, v33;
	_ =	sdelay $0x1  }
0xdb: {  	v34 =	vsub.f32 $1.500000000e+00, v34;
	_ =	sdelay $0x1  }
0xdc: {  	v33 =	vmul.f32 v34, v33;
	_ =	sdelay $0x1  }
0xdd: {  	v29 =	vmul.f32 v33, v29  }
0xde: {  	v51 =	vand.u32 $0x7FFFFFFF, v28  }
0xdf: {  	v29 =	vadd.f32 v29, v51;
	_ =	sdelay $0x1  }
0xe0: {  	(erf) = vrcp.f32 v29;
	_ =	sdelay $0x8  }
0xe1: {  	v29 =	vpop (erf)  }
0xe2: {  	vm10 =	vge.f32 v28, $0.0e+00;
	v28 =	vxor.u32 $0x80000000, v29  }
0xe3: {  	v28 =	vsel vm10, v29, v28  }
0xe4: {  	v52 =	vsel vm9, $0x0, v28  }
0xe5: {  	v28 =	vmul.f32 v52, v52;
	_ =	sdelay $0x1  }
0xe6: {  	v28 =	vadd.f32 $1.000000000e+00, v28;
	_ =	sdelay $0x1  }
0xe7: {  	v29 =	vshrl.u32 v28, $0x1;
	v28 =	vmul.f32 $5.000000000e-01, v28  }
0xe8: {  	v29 =	vsub.s32 $0x5F3759DF, v29  }
0xe9: {  	v53 =	vmul.f32 v29, v28;
	_ =	sdelay $0x1  }
0xea: {  	v34 =	vmul.f32 v29, v53;
	_ =	sdelay $0x1  }
0xeb: {  	v34 =	vsub.f32 $1.500000000e+00, v34;
	_ =	sdelay $0x1  }
0xec: {  	v29 =	vmul.f32 v29, v34;
	_ =	sdelay $0x1  }
0xed: {  	v28 =	vmul.f32 v29, v28;
	_ =	sdelay $0x1  }
0xee: {  	v28 =	vmul.f32 v28, v29;
	_ =	sdelay $0x1  }
0xef: {  	v28 =	vsub.f32 $1.500000000e+00, v28  }
0xf0: {  	v54 =	vmul.f32 v26, v22  }
0xf1: {  	v55 =	vmul.f32 v27, v25;
	v28 =	vmul.f32 v28, v29;
	_ =	sdelay $0x1  }
0xf2: {  	v36 =	vmul.f32 $0.0e+00, v19;
	v34 =	vadd.f32 v55, v54;
	v29 =	vmul.f32 v28, v52;
	_ =	sdelay $0x1  }
0xf3: {  	v35 =	vmul.f32 v28, v34;
	v37 =	vmul.f32 v29, v36;
	_ =	sdelay $0x1  }
0xf4: {  	v35 =	vadd.f32 v37, v35;
	_ =	sdelay $0x1  }
0xf5: {  	vm9 =	veq.f32 v35, $0.0e+00  }
0xf6: {  	v37 =	vsel vm9, $0x3F800000, v35  }
0xf7: {  	(erf) = vrcp.f32 v37;
	_ =	sdelay $0x1  }
0xf8: {  	v33 =	vmul.f32 v52, v31;
	_ =	sdelay $0x1  }
0xf9: {  	v56 =	vadd.f32 v30, v20;
	v38 =	vadd.f32 v33, v24;
	_ =	sdelay $0x1  }
0xfa: {  	v30 =	vsub.f32 v38, v56;
	_ =	sdelay $0x1  }
0xfb: {  	v30 =	vmul.f32 $5.000000000e-01, v30  }
0xfc: {  	v39 =	vpop (erf)  }
0xfd: {  	v30 =	vmul.f32 v39, v30;
	_ =	sdelay $0x1  }
0xfe: {  	v30 =	vmin.f32 v30, $9.999999840e+17  }
0xff: {  	v30 =	vmax.f32 v30, $-9.999999840e+17  }
0x100: {  	v57 =	vmul.f32 v30, v30;
	_ =	sdelay $0x1  }
0x101: {  	v39 =	vadd.f32 $1.000000000e+00, v57;
	_ =	sdelay $0x1  }
0x102: {  	v39 =	vmax.f32 v39, $1.000000000e-30  }
0x103: {  	v40 =	vshrl.u32 v39, $0x1;
	v41 =	vmul.f32 $5.000000000e-01, v39  }
0x104: {  	v40 =	vsub.s32 $0x5F3759DF, v40  }
0x105: {  	v42 =	vmul.f32 v40, v41;
	_ =	sdelay $0x1  }
0x106: {  	v42 =	vmul.f32 v40, v42;
	_ =	sdelay $0x1  }
0x107: {  	v42 =	vsub.f32 $1.500000000e+00, v42;
	_ =	sdelay $0x1  }
0x108: {  	v40 =	vmul.f32 v40, v42;
	_ =	sdelay $0x1  }
0x109: {  	v41 =	vmul.f32 v40, v41;
	_ =	sdelay $0x1  }
0x10a: {  	v41 =	vmul.f32 v41, v40;
	_ =	sdelay $0x1  }
0x10b: {  	v41 =	vsub.f32 $1.500000000e+00, v41;
	_ =	sdelay $0x1  }
0x10c: {  	v40 =	vmul.f32 v41, v40;
	_ =	sdelay $0x1  }
0x10d: {  	v39 =	vmul.f32 v40, v39  }
0x10e: {  	v58 =	vand.u32 $0x7FFFFFFF, v30  }
0x10f: {  	v39 =	vadd.f32 v39, v58;
	_ =	sdelay $0x1  }
0x110: {  	(erf) = vrcp.f32 v39;
	_ =	sdelay $0x8  }
0x111: {  	v39 =	vpop (erf)  }
0x112: {  	vm10 =	vge.f32 v30, $0.0e+00;
	v30 =	vxor.u32 $0x80000000, v39  }
0x113: {  	v30 =	vsel vm10, v39, v30  }
0x114: {  	v39 =	vsel vm9, $0x0, v30  }
0x115: {  	v30 =	vmul.f32 v39, v39;
	_ =	sdelay $0x1  }
0x116: {  	v30 =	vadd.f32 $1.000000000e+00, v30;
	_ =	sdelay $0x1  }
0x117: {  	v59 =	vshrl.u32 v30, $0x1;
	v30 =	vmul.f32 $5.000000000e-01, v30  }
0x118: {  	v40 =	vsub.s32 $0x5F3759DF, v59  }
0x119: {  	v60 =	vmul.f32 v40, v30;
	_ =	sdelay $0x1  }
0x11a: {  	v41 =	vmul.f32 v40, v60;
	_ =	sdelay $0x1  }
0x11b: {  	v41 =	vsub.f32 $1.500000000e+00, v41;
	_ =	sdelay $0x1  }
0x11c: {  	v40 =	vmul.f32 v40, v41;
	_ =	sdelay $0x1  }
0x11d: {  	v30 =	vmul.f32 v40, v30;
	_ =	sdelay $0x1  }
0x11e: {  	v30 =	vmul.f32 v30, v40;
	_ =	sdelay $0x1  }
0x11f: {  	v30 =	vsub.f32 $1.500000000e+00, v30  }
0x120: {  	v36 =	vmul.f32 v28, v36  }
0x121: {  	v34 =	vmul.f32 v29, v34;
	v30 =	vmul.f32 v30, v40;
	_ =	sdelay $0x1  }
0x122: {  	v61 =	vmul.f32 $0.0e+00, v31;
	v34 =	vsub.f32 v36, v34;
	v31 =	vmul.f32 v30, v39;
	_ =	sdelay $0x1  }
0x123: {  	v36 =	vmul.f32 v30, v34;
	v62 =	vmul.f32 v31, v61;
	_ =	sdelay $0x1  }
0x124: {  	v36 =	vsub.f32 v36, v62;
	_ =	sdelay $0x1  }
0x125: {  	vm9 =	veq.f32 v36, $0.0e+00  }
0x126: {  	v41 =	vsel vm9, $0x3F800000, v36  }
0x127: {  	(erf) = vrcp.f32 v41;
	_ =	sdelay $0x1  }
0x128: {  	v39 =	vmul.f32 v39, v35;
	_ =	sdelay $0x1  }
0x129: {  	v63 =	vsub.f32 v32, v33;
	v37 =	vsub.f32 v56, v39;
	_ =	sdelay $0x1  }
0x12a: {  	v32 =	vsub.f32 v37, v63;
	_ =	sdelay $0x1  }
0x12b: {  	v32 =	vmul.f32 $5.000000000e-01, v32  }
0x12c: {  	v46 =	vpop (erf)  }
0x12d: {  	v32 =	vmul.f32 v46, v32;
	_ =	sdelay $0x1  }
0x12e: {  	v32 =	vmin.f32 v32, $9.999999840e+17  }
0x12f: {  	v32 =	vmax.f32 v32, $-9.999999840e+17  }
0x130: {  	v47 =	vmul.f32 v32, v32;
	_ =	sdelay $0x1  }
0x131: {  	v33 =	vadd.f32 $1.000000000e+00, v47;
	_ =	sdelay $0x1  }
0x132: {  	v33 =	vmax.f32 v33, $1.000000000e-30  }
0x133: {  	v48 =	vshrl.u32 v33, $0x1;
	v43 =	vmul.f32 $5.000000000e-01, v33  }
0x134: {  	v42 =	vsub.s32 $0x5F3759DF, v48  }
0x135: {  	v44 =	vmul.f32 v42, v43;
	_ =	sdelay $0x1  }
0x136: {  	v44 =	vmul.f32 v42, v44;
	_ =	sdelay $0x1  }
0x137: {  	v44 =	vsub.f32 $1.500000000e+00, v44;
	_ =	sdelay $0x1  }
0x138: {  	v42 =	vmul.f32 v42, v44;
	_ =	sdelay $0x1  }
0x139: {  	v43 =	vmul.f32 v42, v43;
	_ =	sdelay $0x1  }
0x13a: {  	v43 =	vmul.f32 v43, v42;
	_ =	sdelay $0x1  }
0x13b: {  	v43 =	vsub.f32 $1.500000000e+00, v43;
	_ =	sdelay $0x1  }
0x13c: {  	v42 =	vmul.f32 v43, v42;
	_ =	sdelay $0x1  }
0x13d: {  	v33 =	vmul.f32 v42, v33  }
0x13e: {  	v49 =	vand.u32 $0x7FFFFFFF, v32  }
0x13f: {  	v33 =	vadd.f32 v33, v49;
	_ =	sdelay $0x1  }
0x140: {  	(erf) = vrcp.f32 v33;
	_ =	sdelay $0x8  }
0x141: {  	v33 =	vpop (erf)  }
0x142: {  	vm10 =	vge.f32 v32, $0.0e+00;
	v50 =	vxor.u32 $0x80000000, v33  }
0x143: {  	v32 =	vsel vm10, v33, v50  }
0x144: {  	v51 =	vsel vm9, $0x0, v32  }
0x145: {  	v32 =	vmul.f32 v51, v51;
	_ =	sdelay $0x1  }
0x146: {  	v32 =	vadd.f32 $1.000000000e+00, v32;
	_ =	sdelay $0x1  }
0x147: {  	v52 =	vshrl.u32 v32, $0x1;
	v32 =	vmul.f32 $5.000000000e-01, v32  }
0x148: {  	v33 =	vsub.s32 $0x5F3759DF, v52  }
0x149: {  	v53 =	vmul.f32 v33, v32;
	_ =	sdelay $0x1  }
0x14a: {  	v43 =	vmul.f32 v33, v53;
	_ =	sdelay $0x1  }
0x14b: {  	v43 =	vsub.f32 $1.500000000e+00, v43;
	_ =	sdelay $0x1  }
0x14c: {  	v33 =	vmul.f32 v33, v43;
	_ =	sdelay $0x1  }
0x14d: {  	v32 =	vmul.f32 v33, v32;
	_ =	sdelay $0x1  }
0x14e: {  	v32 =	vmul.f32 v32, v33;
	_ =	sdelay $0x1  }
0x14f: {  	v32 =	vsub.f32 $1.500000000e+00, v32  }
0x150: {  	v40 =	vmul.f32 v30, v61  }
0x151: {  	v34 =	vmul.f32 v31, v34;
	v32 =	vmul.f32 v32, v33;
	_ =	sdelay $0x1  }
0x152: {  	v35 =	vmul.f32 $0.0e+00, v35;
	v34 =	vadd.f32 v34, v40;
	v33 =	vmul.f32 v32, v51;
	_ =	sdelay $0x1  }
0x153: {  	v40 =	vmul.f32 v32, v34;
	v54 =	vmul.f32 v33, v35;
	_ =	sdelay $0x1  }
0x154: {  	v40 =	vsub.f32 v40, v54;
	_ =	sdelay $0x1  }
0x155: {  	vm9 =	veq.f32 v40, $0.0e+00  }
0x156: {  	v43 =	vsel vm9, $0x3F800000, v40  }
0x157: {  	(erf) = vrcp.f32 v43;
	_ =	sdelay $0x1  }
0x158: {  	v42 =	vmul.f32 v51, v36;
	_ =	sdelay $0x1  }
0x159: {  	v38 =	vadd.f32 v39, v38;
	v39 =	vsub.f32 v63, v42;
	_ =	sdelay $0x1  }
0x15a: {  	v41 =	vsub.f32 v38, v39;
	_ =	sdelay $0x1  }
0x15b: {  	v41 =	vmul.f32 $5.000000000e-01, v41  }
0x15c: {  	v43 =	vpop (erf)  }
0x15d: {  	v41 =	vmul.f32 v43, v41;
	_ =	sdelay $0x1  }
0x15e: {  	v41 =	vmin.f32 v41, $9.999999840e+17  }
0x15f: {  	v41 =	vmax.f32 v41, $-9.999999840e+17  }
0x160: {  	v55 =	vmul.f32 v41, v41;
	_ =	sdelay $0x1  }
0x161: {  	v43 =	vadd.f32 $1.000000000e+00, v55;
	_ =	sdelay $0x1  }
0x162: {  	v43 =	vmax.f32 v43, $1.000000000e-30  }
0x163: {  	v56 =	vshrl.u32 v43, $0x1;
	v45 =	vmul.f32 $5.000000000e-01, v43  }
0x164: {  	v44 =	vsub.s32 $0x5F3759DF, v56  }
0x165: {  	v46 =	vmul.f32 v44, v45;
	_ =	sdelay $0x1  }
0x166: {  	v46 =	vmul.f32 v44, v46;
	_ =	sdelay $0x1  }
0x167: {  	v46 =	vsub.f32 $1.500000000e+00, v46;
	_ =	sdelay $0x1  }
0x168: {  	v44 =	vmul.f32 v44, v46;
	_ =	sdelay $0x1  }
0x169: {  	v45 =	vmul.f32 v44, v45;
	_ =	sdelay $0x1  }
0x16a: {  	v45 =	vmul.f32 v45, v44;
	_ =	sdelay $0x1  }
0x16b: {  	v45 =	vsub.f32 $1.500000000e+00, v45;
	_ =	sdelay $0x1  }
0x16c: {  	v44 =	vmul.f32 v45, v44;
	_ =	sdelay $0x1  }
0x16d: {  	v43 =	vmul.f32 v44, v43  }
0x16e: {  	v57 =	vand.u32 $0x7FFFFFFF, v41  }
0x16f: {  	v43 =	vadd.f32 v43, v57;
	_ =	sdelay $0x1  }
0x170: {  	(erf) = vrcp.f32 v43;
	_ =	sdelay $0x8  }
0x171: {  	v43 =	vpop (erf)  }
0x172: {  	vm10 =	vge.f32 v41, $0.0e+00;
	v58 =	vxor.u32 $0x80000000, v43  }
0x173: {  	v41 =	vsel vm10, v43, v58  }
0x174: {  	v41 =	vsel vm9, $0x0, v41  }
0x175: {  	v59 =	vmul.f32 v41, v41;
	_ =	sdelay $0x1  }
0x176: {  	v43 =	vadd.f32 $1.000000000e+00, v59;
	_ =	sdelay $0x1  }
0x177: {  	v60 =	vshrl.u32 v43, $0x1;
	v43 =	vmul.f32 $5.000000000e-01, v43  }
0x178: {  	v44 =	vsub.s32 $0x5F3759DF, v60  }
0x179: {  	v61 =	vmul.f32 v44, v43;
	_ =	sdelay $0x1  }
0x17a: {  	v45 =	vmul.f32 v44, v61;
	_ =	sdelay $0x1  }
0x17b: {  	v45 =	vsub.f32 $1.500000000e+00, v45;
	_ =	sdelay $0x1  }
0x17c: {  	v44 =	vmul.f32 v44, v45;
	_ =	sdelay $0x1  }
0x17d: {  	v43 =	vmul.f32 v44, v43;
	_ =	sdelay $0x1  }
0x17e: {  	v43 =	vmul.f32 v43, v44;
	_ =	sdelay $0x1  }
0x17f: {  	v43 =	vsub.f32 $1.500000000e+00, v43  }
0x180: {  	v35 =	vmul.f32 v32, v35  }
0x181: {  	v62 =	vmul.f32 v33, v34;
	v34 =	vmul.f32 v43, v44;
	_ =	sdelay $0x1  }
0x182: {  	v36 =	vmul.f32 $0.0e+00, v36;
	v63 =	vadd.f32 v62, v35;
	v35 =	vmul.f32 v34, v41;
	_ =	sdelay $0x1  }
0x183: {  	v44 =	vmul.f32 v34, v63;
	v52 =	vmul.f32 v35, v36;
	_ =	sdelay $0x1  }
0x184: {  	v44 =	vadd.f32 v52, v44;
	_ =	sdelay $0x1  }
0x185: {  	vm9 =	veq.f32 v44, $0.0e+00  }
0x186: {  	v45 =	vsel vm9, $0x3F800000, v44  }
0x187: {  	(erf) = vrcp.f32 v45;
	_ =	sdelay $0x1  }
0x188: {  	v41 =	vmul.f32 v41, v40;
	_ =	sdelay $0x1  }
0x189: {  	v42 =	vadd.f32 v42, v37;
	v38 =	vadd.f32 v41, v38;
	_ =	sdelay $0x1  }
0x18a: {  	v37 =	vsub.f32 v38, v42;
	_ =	sdelay $0x1  }
0x18b: {  	v37 =	vmul.f32 $5.000000000e-01, v37  }
0x18c: {  	v45 =	vpop (erf)  }
0x18d: {  	v37 =	vmul.f32 v45, v37;
	_ =	sdelay $0x1  }
0x18e: {  	v37 =	vmin.f32 v37, $9.999999840e+17  }
0x18f: {  	v37 =	vmax.f32 v37, $-9.999999840e+17  }
0x190: {  	v53 =	vmul.f32 v37, v37;
	_ =	sdelay $0x1  }
0x191: {  	v45 =	vadd.f32 $1.000000000e+00, v53;
	_ =	sdelay $0x1  }
0x192: {  	v45 =	vmax.f32 v45, $1.000000000e-30  }
0x193: {  	v54 =	vshrl.u32 v45, $0x1;
	v47 =	vmul.f32 $5.000000000e-01, v45  }
0x194: {  	v46 =	vsub.s32 $0x5F3759DF, v54  }
0x195: {  	v48 =	vmul.f32 v46, v47;
	_ =	sdelay $0x1  }
0x196: {  	v48 =	vmul.f32 v46, v48;
	_ =	sdelay $0x1  }
0x197: {  	v48 =	vsub.f32 $1.500000000e+00, v48;
	_ =	sdelay $0x1  }
0x198: {  	v46 =	vmul.f32 v46, v48;
	_ =	sdelay $0x1  }
0x199: {  	v47 =	vmul.f32 v46, v47;
	_ =	sdelay $0x1  }
0x19a: {  	v47 =	vmul.f32 v47, v46;
	_ =	sdelay $0x1  }
0x19b: {  	v47 =	vsub.f32 $1.500000000e+00, v47;
	_ =	sdelay $0x1  }
0x19c: {  	v46 =	vmul.f32 v47, v46;
	_ =	sdelay $0x1  }
0x19d: {  	v45 =	vmul.f32 v46, v45  }
0x19e: {  	v55 =	vand.u32 $0x7FFFFFFF, v37  }
0x19f: {  	v45 =	vadd.f32 v45, v55;
	_ =	sdelay $0x1  }
0x1a0: {  	(erf) = vrcp.f32 v45;
	_ =	sdelay $0x8  }
0x1a1: {  	v45 =	vpop (erf)  }
0x1a2: {  	vm10 =	vge.f32 v37, $0.0e+00;
	v56 =	vxor.u32 $0x80000000, v45  }
0x1a3: {  	v37 =	vsel vm10, v45, v56  }
0x1a4: {  	v45 =	vsel vm9, $0x0, v37  }
0x1a5: {  	v37 =	vmul.f32 v45, v45;
	_ =	sdelay $0x1  }
0x1a6: {  	v37 =	vadd.f32 $1.000000000e+00, v37;
	_ =	sdelay $0x1  }
0x1a7: {  	v57 =	vshrl.u32 v37, $0x1;
	v37 =	vmul.f32 $5.000000000e-01, v37  }
0x1a8: {  	v46 =	vsub.s32 $0x5F3759DF, v57  }
0x1a9: {  	v58 =	vmul.f32 v46, v37;
	_ =	sdelay $0x1  }
0x1aa: {  	v47 =	vmul.f32 v46, v58;
	_ =	sdelay $0x1  }
0x1ab: {  	v47 =	vsub.f32 $1.500000000e+00, v47;
	_ =	sdelay $0x1  }
0x1ac: {  	v46 =	vmul.f32 v46, v47;
	_ =	sdelay $0x1  }
0x1ad: {  	v37 =	vmul.f32 v46, v37;
	_ =	sdelay $0x1  }
0x1ae: {  	v37 =	vmul.f32 v37, v46;
	_ =	sdelay $0x1  }
0x1af: {  	v37 =	vsub.f32 $1.500000000e+00, v37  }
0x1b0: {  	v59 =	vmul.f32 v34, v36  }
0x1b1: {  	v43 =	vmul.f32 v35, v63;
	v36 =	vmul.f32 v37, v46;
	_ =	sdelay $0x1  }
0x1b2: {  	v40 =	vmul.f32 $0.0e+00, v40;
	v43 =	vsub.f32 v59, v43;
	v37 =	vmul.f32 v36, v45;
	_ =	sdelay $0x1  }
0x1b3: {  	v46 =	vmul.f32 v36, v43;
	v60 =	vmul.f32 v37, v40;
	_ =	sdelay $0x1  }
0x1b4: {  	v46 =	vsub.f32 v46, v60;
	_ =	sdelay $0x1  }
0x1b5: {  	vm9 =	veq.f32 v46, $0.0e+00  }
0x1b6: {  	v47 =	vsel vm9, $0x3F800000, v46  }
0x1b7: {  	(erf) = vrcp.f32 v47;
	_ =	sdelay $0x1  }
0x1b8: {  	v45 =	vmul.f32 v45, v44;
	_ =	sdelay $0x1  }
0x1b9: {  	v41 =	vsub.f32 v39, v41;
	v47 =	vsub.f32 v42, v45;
	_ =	sdelay $0x1  }
0x1ba: {  	v39 =	vsub.f32 v47, v41;
	_ =	sdelay $0x1  }
0x1bb: {  	v39 =	vmul.f32 $5.000000000e-01, v39  }
0x1bc: {  	v61 =	vpop (erf)  }
0x1bd: {  	v39 =	vmul.f32 v61, v39;
	_ =	sdelay $0x1  }
0x1be: {  	v39 =	vmin.f32 v39, $9.999999840e+17  }
0x1bf: {  	v39 =	vmax.f32 v39, $-9.999999840e+17  }
0x1c0: {  	v62 =	vmul.f32 v39, v39;
	_ =	sdelay $0x1  }
0x1c1: {  	v42 =	vadd.f32 $1.000000000e+00, v62;
	_ =	sdelay $0x1  }
0x1c2: {  	v42 =	vmax.f32 v42, $1.000000000e-30  }
0x1c3: {  	v63 =	vshrl.u32 v42, $0x1;
	v49 =	vmul.f32 $5.000000000e-01, v42  }
0x1c4: {  	v48 =	vsub.s32 $0x5F3759DF, v63  }
0x1c5: {  	v50 =	vmul.f32 v48, v49;
	_ =	sdelay $0x1  }
0x1c6: {  	v50 =	vmul.f32 v48, v50;
	_ =	sdelay $0x1  }
0x1c7: {  	v50 =	vsub.f32 $1.500000000e+00, v50;
	_ =	sdelay $0x1  }
0x1c8: {  	v48 =	vmul.f32 v48, v50;
	_ =	sdelay $0x1  }
0x1c9: {  	v49 =	vmul.f32 v48, v49;
	_ =	sdelay $0x1  }
0x1ca: {  	v49 =	vmul.f32 v49, v48;
	_ =	sdelay $0x1  }
0x1cb: {  	v49 =	vsub.f32 $1.500000000e+00, v49;
	_ =	sdelay $0x1  }
0x1cc: {  	v48 =	vmul.f32 v49, v48;
	_ =	sdelay $0x1  }
0x1cd: {  	v42 =	vmul.f32 v48, v42  }
0x1ce: {  	v52 =	vand.u32 $0x7FFFFFFF, v39  }
0x1cf: {  	v42 =	vadd.f32 v42, v52;
	_ =	sdelay $0x1  }
0x1d0: {  	(erf) = vrcp.f32 v42;
	_ =	sdelay $0x8  }
0x1d1: {  	v42 =	vpop (erf)  }
0x1d2: {  	vm10 =	vge.f32 v39, $0.0e+00;
	v53 =	vxor.u32 $0x80000000, v42  }
0x1d3: {  	v39 =	vsel vm10, v42, v53  }
0x1d4: {  	v42 =	vsel vm9, $0x0, v39  }
0x1d5: {  	v39 =	vmul.f32 v42, v42;
	_ =	sdelay $0x1  }
0x1d6: {  	v39 =	vadd.f32 $1.000000000e+00, v39;
	_ =	sdelay $0x1  }
0x1d7: {  	v54 =	vshrl.u32 v39, $0x1;
	v39 =	vmul.f32 $5.000000000e-01, v39  }
0x1d8: {  	v48 =	vsub.s32 $0x5F3759DF, v54  }
0x1d9: {  	v55 =	vmul.f32 v48, v39;
	_ =	sdelay $0x1  }
0x1da: {  	v49 =	vmul.f32 v48, v55;
	_ =	sdelay $0x1  }
0x1db: {  	v49 =	vsub.f32 $1.500000000e+00, v49;
	_ =	sdelay $0x1  }
0x1dc: {  	v48 =	vmul.f32 v48, v49;
	_ =	sdelay $0x1  }
0x1dd: {  	v39 =	vmul.f32 v48, v39;
	_ =	sdelay $0x1  }
0x1de: {  	v39 =	vmul.f32 v39, v48;
	_ =	sdelay $0x1  }
0x1df: {  	v39 =	vsub.f32 $1.500000000e+00, v39  }
0x1e0: {  	v40 =	vmul.f32 v36, v40  }
0x1e1: {  	v43 =	vmul.f32 v37, v43;
	v39 =	vmul.f32 v39, v48;
	_ =	sdelay $0x1  }
0x1e2: {  	v44 =	vmul.f32 $0.0e+00, v44;
	v43 =	vadd.f32 v43, v40;
	v40 =	vmul.f32 v39, v42;
	_ =	sdelay $0x1  }
0x1e3: {  	v48 =	vmul.f32 v39, v43;
	v56 =	vmul.f32 v40, v44;
	_ =	sdelay $0x1  }
0x1e4: {  	v48 =	vsub.f32 v48, v56;
	_ =	sdelay $0x1  }
0x1e5: {  	vm9 =	veq.f32 v48, $0.0e+00  }
0x1e6: {  	v49 =	vsel vm9, $0x3F800000, v48  }
0x1e7: {  	(erf) = vrcp.f32 v49;
	_ =	sdelay $0x1  }
0x1e8: {  	v49 =	vmul.f32 v42, v46;
	_ =	sdelay $0x1  }
0x1e9: {  	v57 =	vadd.f32 v45, v38;
	v38 =	vsub.f32 v41, v49;
	_ =	sdelay $0x1  }
0x1ea: {  	v41 =	vsub.f32 v57, v38;
	_ =	sdelay $0x1  }
0x1eb: {  	v41 =	vmul.f32 $5.000000000e-01, v41  }
0x1ec: {  	v58 =	vpop (erf)  }
0x1ed: {  	v41 =	vmul.f32 v58, v41;
	_ =	sdelay $0x1  }
0x1ee: {  	v41 =	vmin.f32 v41, $9.999999840e+17  }
0x1ef: {  	v41 =	vmax.f32 v41, $-9.999999840e+17  }
0x1f0: {  	v59 =	vmul.f32 v41, v41;
	_ =	sdelay $0x1  }
0x1f1: {  	v42 =	vadd.f32 $1.000000000e+00, v59;
	_ =	sdelay $0x1  }
0x1f2: {  	v42 =	vmax.f32 v42, $1.000000000e-30  }
0x1f3: {  	v60 =	vshrl.u32 v42, $0x1;
	v51 =	vmul.f32 $5.000000000e-01, v42  }
0x1f4: {  	v45 =	vsub.s32 $0x5F3759DF, v60  }
0x1f5: {  	v52 =	vmul.f32 v45, v51;
	_ =	sdelay $0x1  }
0x1f6: {  	v52 =	vmul.f32 v45, v52;
	_ =	sdelay $0x1  }
0x1f7: {  	v52 =	vsub.f32 $1.500000000e+00, v52;
	_ =	sdelay $0x1  }
0x1f8: {  	v45 =	vmul.f32 v45, v52;
	_ =	sdelay $0x1  }
0x1f9: {  	v51 =	vmul.f32 v45, v51;
	_ =	sdelay $0x1  }
0x1fa: {  	v51 =	vmul.f32 v51, v45;
	_ =	sdelay $0x1  }
0x1fb: {  	v51 =	vsub.f32 $1.500000000e+00, v51;
	_ =	sdelay $0x1  }
0x1fc: {  	v45 =	vmul.f32 v51, v45;
	_ =	sdelay $0x1  }
0x1fd: {  	v42 =	vmul.f32 v45, v42  }
0x1fe: {  	v61 =	vand.u32 $0x7FFFFFFF, v41  }
0x1ff: {  	v42 =	vadd.f32 v42, v61;
	_ =	sdelay $0x1  }
0x200: {  	(erf) = vrcp.f32 v42;
	_ =	sdelay $0x8  }
0x201: {  	v42 =	vpop (erf)  }
0x202: {  	vm10 =	vge.f32 v41, $0.0e+00;
	v62 =	vxor.u32 $0x80000000, v42  }
0x203: {  	v41 =	vsel vm10, v42, v62  }
0x204: {  	v63 =	vsel vm9, $0x0, v41  }
0x205: {  	v41 =	vmul.f32 v63, v63;
	_ =	sdelay $0x1  }
0x206: {  	v41 =	vadd.f32 $1.000000000e+00, v41;
	_ =	sdelay $0x1  }
0x207: {  	v53 =	vshrl.u32 v41, $0x1;
	v41 =	vmul.f32 $5.000000000e-01, v41  }
0x208: {  	v42 =	vsub.s32 $0x5F3759DF, v53  }
0x209: {  	v54 =	vmul.f32 v42, v41;
	_ =	sdelay $0x1  }
0x20a: {  	v45 =	vmul.f32 v42, v54;
	_ =	sdelay $0x1  }
0x20b: {  	v45 =	vsub.f32 $1.500000000e+00, v45;
	_ =	sdelay $0x1  }
0x20c: {  	v42 =	vmul.f32 v42, v45;
	_ =	sdelay $0x1  }
0x20d: {  	v41 =	vmul.f32 v42, v41;
	_ =	sdelay $0x1  }
0x20e: {  	v41 =	vmul.f32 v41, v42;
	_ =	sdelay $0x1  }
0x20f: {  	v41 =	vsub.f32 $1.500000000e+00, v41  }
0x210: {  	v44 =	vmul.f32 v39, v44  }
0x211: {  	v43 =	vmul.f32 v40, v43;
	v41 =	vmul.f32 v41, v42;
	_ =	sdelay $0x1  }
0x212: {  	v55 =	vmul.f32 $0.0e+00, v46;
	v43 =	vadd.f32 v43, v44;
	v42 =	vmul.f32 v41, v63;
	_ =	sdelay $0x1  }
0x213: {  	v43 =	vmul.f32 v41, v43;
	v56 =	vmul.f32 v42, v55;
	_ =	sdelay $0x1  }
0x214: {  	v45 =	vadd.f32 v56, v43;
	_ =	sdelay $0x1  }
0x215: {  	vm9 =	veq.f32 v45, $0.0e+00  }
0x216: {  	v43 =	vsel vm9, $0x3F800000, v45  }
0x217: {  	(erf) = vrcp.f32 v43;
	_ =	sdelay $0x1  }
0x218: {  	v46 =	vmul.f32 v63, v48;
	_ =	sdelay $0x1  }
0x219: {  	v44 =	vadd.f32 v46, v57;
	v43 =	vadd.f32 v49, v47;
	_ =	sdelay $0x1  }
0x21a: {  	v47 =	vsub.f32 v44, v43;
	_ =	sdelay $0x1  }
0x21b: {  	v47 =	vmul.f32 $5.000000000e-01, v47  }
0x21c: {  	v57 =	vpop (erf)  }
0x21d: {  	v47 =	vmul.f32 v57, v47;
	_ =	sdelay $0x1  }
0x21e: {  	v47 =	vmin.f32 v47, $9.999999840e+17  }
0x21f: {  	v47 =	vmax.f32 v47, $-9.999999840e+17  }
0x220: {  	v58 =	vmul.f32 v47, v47;
	_ =	sdelay $0x1  }
0x221: {  	v48 =	vadd.f32 $1.000000000e+00, v58;
	_ =	sdelay $0x1  }
0x222: {  	v62 =	vmul.f32 $0.0e+00, v27;
	v48 =	vmax.f32 v48, $1.000000000e-30  }
0x223: {  	v59 =	vshrl.u32 v48, $0x1;
	v60 =	vmul.f32 $5.000000000e-01, v48  }
0x224: {  	v53 =	vmul.f32 $0.0e+00, v26;
	v54 =	vsub.f32 v26, v62;
	v49 =	vsub.s32 $0x5F3759DF, v59  }
0x225: {  	v61 =	vmul.f32 v49, v60  }
0x226: {  	v52 =	vadd.f32 v62, v53;
	v56 =	vmul.f32 v28, v54;
	v54 =	vmul.f32 v29, v54  }
0x227: {  	v63 =	vsub.f32 v53, v62;
	v58 =	vmul.f32 $0.0e+00, v28;
	v51 =	vmul.f32 v49, v61  }
0x228: {  	v55 =	vadd.f32 v53, v27;
	v27 =	vsub.f32 v53, v27;
	v57 =	vmul.f32 $0.0e+00, v29  }
0x229: {  	v54 =	vadd.f32 v54, v58;
	v51 =	vsub.f32 $1.500000000e+00, v51  }
0x22a: {  	v53 =	vsub.f32 v56, v57;
	v59 =	vmul.f32 v28, v27;
	v27 =	vmul.f32 v29, v27  }
0x22b: {  	v26 =	vadd.f32 v62, v26;
	v62 =	vmul.f32 v31, v54;
	v49 =	vmul.f32 v49, v51  }
0x22c: {  	v27 =	vadd.f32 v27, v58;
	v58 =	vmul.f32 v33, v53;
	v61 =	vmul.f32 v30, v55  }
0x22d: {  	v55 =	vmul.f32 v31, v55;
	v50 =	vmul.f32 v49, v60  }
0x22e: {  	v56 =	vsub.f32 v59, v57;
	v59 =	vmul.f32 v31, v27;
	v60 =	vmul.f32 v28, v63  }
0x22f: {  	v27 =	vmul.f32 v30, v27;
	v50 =	vmul.f32 v50, v49  }
0x230: {  	v57 =	vsub.f32 v60, v29;
	v29 =	vmul.f32 v29, v63;
	v63 =	vmul.f32 v30, v26  }
0x231: {  	v51 =	vsub.f32 v61, v62;
	v26 =	vmul.f32 v31, v26;
	v60 =	vmul.f32 v30, v52  }
0x232: {  	v50 =	vsub.f32 $1.500000000e+00, v50;
	v28 =	vadd.f32 v29, v28;
	v29 =	vmul.f32 v30, v54  }
0x233: {  	v26 =	vadd.f32 v26, v27;
	v27 =	vmul.f32 v33, v51;
	v51 =	vmul.f32 v32, v51  }
0x234: {  	v62 =	vand.u32 $0x7FFFFFFF, v47;
	v49 =	vmul.f32 v50, v49;
	v61 =	vmul.f32 v31, v28  }
0x235: {  	v29 =	vadd.f32 v55, v29;
	v31 =	vmul.f32 v31, v52;
	v28 =	vmul.f32 v30, v28  }
0x236: {  	v50 =	vsub.f32 v63, v59;
	v63 =	vmul.f32 v32, v53;
	v48 =	vmul.f32 v49, v48  }
0x237: {  	v59 =	vmul.f32 v33, v56;
	v51 =	vadd.f32 v58, v51;
	v58 =	vmul.f32 v35, v26  }
0x238: {  	v28 =	vadd.f32 v31, v28;
	v31 =	vmul.f32 v33, v50;
	v30 =	vadd.f32 v48, v62  }
0x239: {  	v49 =	vsub.f32 v60, v61;
	v50 =	vmul.f32 v32, v50;
	v60 =	vmul.f32 v32, v57  }
0x23a: {  	v27 =	vsub.f32 v63, v27;
	v63 =	vmul.f32 v35, v29;
	(erf) = vrcp.f32 v30  }
0x23b: {  	v29 =	vmul.f32 v34, v29;
	v61 =	vmul.f32 v33, v49  }
0x23c: {  	vm10 =	vge.f32 v47, $0.0e+00;
	v62 =	vmul.f32 v34, v27;
	v27 =	vmul.f32 v35, v27  }
0x23d: {  	v30 =	vmul.f32 v32, v56;
	v32 =	vmul.f32 v32, v49;
	v56 =	vsub.f32 v60, v61  }
0x23e: {  	v48 =	vsub.f32 v62, v63;
	v27 =	vadd.f32 v27, v29;
	v63 =	vmul.f32 v35, v28  }
0x23f: {  	v28 =	vmul.f32 v34, v28;
	v30 =	vsub.f32 v30, v31;
	v31 =	vmul.f32 v33, v57  }
0x240: {  	v33 =	vadd.f32 v59, v50;
	v59 =	vmul.f32 v34, v26;
	v62 =	vmul.f32 v34, v56  }
0x241: {  	v26 =	vimm.f32 $0.0e+00;
	v57 =	vmul.f32 v34, v30;
	v30 =	vmul.f32 v35, v30  }
0x242: {  	v31 =	vadd.f32 v31, v32;
	v35 =	vmul.f32 v35, v56;
	v34 =	vsub.f32 v62, v63  }
0x243: {  	v56 =	vmul.f32 v36, v51;
	v29 =	vsub.f32 v57, v58;
	v30 =	vadd.f32 v30, v59;
	v60 =	vpop (erf)  }
0x244: {  	v58 =	vmul.f32 v37, v27;
	v59 =	vmul.f32 v37, v51;
	v61 =	vxor.u32 $0x80000000, v60  }
0x245: {  	v27 =	vmul.f32 v36, v27;
	v63 =	vmul.f32 v36, v31;
	v32 =	vsel vm10, v60, v61  }
0x246: {  	v31 =	vmul.f32 v37, v31;
	v54 =	vmul.f32 v39, v34;
	v32 =	vsel vm9, $0x0, v32  }
0x247: {  	v28 =	vadd.f32 v35, v28;
	v34 =	vmul.f32 v40, v34;
	v57 =	vmul.f32 v32, v32  }
0x248: {  	v27 =	vadd.f32 v59, v27;
	v59 =	vmul.f32 v39, v48;
	v48 =	vmul.f32 v40, v48  }
0x249: {  	v60 =	vmul.f32 v36, v33;
	v61 =	vmul.f32 v37, v30;
	v49 =	vadd.f32 $1.000000000e+00, v57  }
0x24a: {  	v35 =	vsub.f32 v56, v58;
	v33 =	vmul.f32 v37, v33;
	v30 =	vmul.f32 v36, v30  }
0x24b: {  	v47 =	vsub.f32 v60, v61;
	v62 =	vshrl.u32 v49, $0x1;
	v49 =	vmul.f32 $5.000000000e-01, v49  }
0x24c: {  	v60 =	vmul.f32 v40, v35;
	v35 =	vmul.f32 v39, v35;
	v52 =	vsub.s32 $0x5F3759DF, v62  }
0x24d: {  	v30 =	vadd.f32 v33, v30;
	v57 =	vmul.f32 v37, v28;
	v58 =	vmul.f32 v52, v49  }
0x24e: {  	v45 =	vmul.f32 v32, v45;
	v28 =	vmul.f32 v36, v28;
	v33 =	vsub.f32 v59, v60  }
0x24f: {  	v60 =	vmul.f32 v41, v27;
	v61 =	vsub.f32 v63, v57;
	v37 =	vmul.f32 v52, v58  }
0x250: {  	v63 =	vmul.f32 v40, v47;
	v28 =	vadd.f32 v31, v28;
	v31 =	vmul.f32 v39, v47  }
0x251: {  	v62 =	vmul.f32 v39, v29;
	v29 =	vmul.f32 v40, v29;
	v37 =	vsub.f32 $1.500000000e+00, v37  }
0x252: {  	v35 =	vadd.f32 v48, v35;
	v55 =	vmul.f32 v40, v61;
	v39 =	vmul.f32 v39, v61  }
0x253: {  	v53 =	vmul.f32 v41, v28;
	v31 =	vadd.f32 v29, v31;
	v37 =	vmul.f32 v52, v37  }
0x254: {  	v29 =	vmul.f32 v41, v33;
	v58 =	vmul.f32 v42, v27;
	v36 =	vsub.f32 v54, v55  }
0x255: {  	v56 =	vsub.f32 v62, v63;
	v33 =	vmul.f32 v42, v33;
	v57 =	vmul.f32 v37, v49  }
0x256: {  	v63 =	vmul.f32 v41, v36;
	v51 =	vsub.f32 v29, v58;
	v29 =	vmul.f32 v42, v28  }
0x257: {  	v27 =	vsub.f32 v38, v46;
	v28 =	vsub.f32 v43, v45;
	v59 =	vmul.f32 v57, v37  }
0x258: {  	v62 =	vmul.f32 v42, v30;
	v38 =	vsub.f32 v63, v29;
	v29 =	vadd.f32 v45, v44  }
0x259: {  	v30 =	vmul.f32 v41, v30;
	v34 =	vadd.f32 v34, v39;
	v47 =	vsub.f32 $1.500000000e+00, v59  }
0x25a: {  	v61 =	vmul.f32 v41, v56;
	vm9 =	vge.f32 v27, v28;
	vm10 =	vge.f32 v27, v29  }
0x25b: {  	v36 =	vmul.f32 v42, v36;
	vm9 =	vmand vm9, vm10;
	v37 =	vmul.f32 v47, v37  }
0x25c: {  	v40 =	vmul.f32 v42, v56;
	v33 =	vadd.f32 v33, v60;
	v59 =	vsel vm9, $0x3F800000, v26  }
0x25d: {  	v36 =	vadd.f32 v36, v53;
	v50 =	vmul.f32 v59, v51;
	v32 =	vmul.f32 v37, v32  }
0x25e: {  	v30 =	vadd.f32 v40, v30;
	v54 =	vmul.f32 v37, v35;
	v57 =	vmul.f32 v37, v31  }
0x25f: {  	v52 =	vsub.f32 v61, v62;
	v61 =	vmul.f32 v37, v34;
	v48 =	vmul.f32 v37, v36  }
0x260: {  	vm9 =	vge.f32 v28, v29;
	v55 =	vmul.f32 v32, v33;
	v35 =	vmul.f32 v32, v35  }
0x261: {  	s4 =	simm.s32 $0x0;
	v60 =	vsub.f32 $1.000000000e+00, v59;
	v33 =	vmul.f32 v37, v33;
	v58 =	vmul.f32 v32, v30  }
0x262: {  	v63 =	vsel vm9, $0x3F800000, v26;
	v51 =	vld [tilespmem:s4+$0x2020];
	v31 =	vmul.f32 v32, v31;
	v30 =	vmul.f32 v37, v30  }
0x263: {  	v53 =	vld [tilespmem:s4+$0x1C20];
	v62 =	vmul.f32 v32, v36;
	v32 =	vmul.f32 v32, v34;
	v56 =	vsub.f32 v54, v55  }
0x264: {  	v33 =	vadd.f32 v35, v33;
	v30 =	vadd.f32 v31, v30;
	v31 =	vmul.f32 v60, v63  }
0x265: {  	s5 =	simm.s32 $0x10;
	v52 =	vmul.f32 v59, v52;
	v35 =	vsub.f32 v57, v58;
	v47 =	vsub.f32 v61, v62;
	v54 =	vld [tilespmem:s4+$0x2420]  }
0x266: {  	v32 =	vadd.f32 v32, v48;
	v55 =	vmul.f32 v59, v38;
	v62 =	vld [tilespmem:s5+$0x2020];
	v40 =	vmul.f32 v56, v31  }
0x267: {  	v58 =	vsub.f32 v51, v18;
	v63 =	vld [tilespmem:s5+$0x1C20];
	v49 =	vsub.f32 v60, v31;
	v35 =	vmul.f32 v35, v31  }
0x268: {  	v59 =	vsub.f32 v53, v17;
	v56 =	vmul.f32 v47, v31;
	v37 =	vadd.f32 v40, v50  }
0x269: {  	v60 =	vld [tilespmem:s5+$0x2420];
	v33 =	vmul.f32 v33, v49;
	v30 =	vmul.f32 v30, v49;
	v34 =	vadd.f32 v35, v52  }
0x26a: {  	s5 =	simm.s32 $0x20;
	v57 =	vadd.f32 v56, v55;
	v32 =	vmul.f32 v32, v49;
	v61 =	vsub.f32 v54, v23  }
0x26b: {  	v35 =	vmul.f32 v59, v59;
	v49 =	vld [tilespmem:s5+$0x2420];
	v31 =	vadd.f32 v37, v33;
	v30 =	vadd.f32 v34, v30  }
0x26c: {  	v52 =	vld [tilespmem:s5+$0x1C20];
	v50 =	vsub.f32 v62, v18;
	v51 =	vsub.f32 v63, v17;
	v34 =	vmul.f32 v58, v58  }
0x26d: {  	v55 =	vld [tilespmem:s5+$0x2020];
	v32 =	vadd.f32 v57, v32;
	v46 =	vmul.f32 v58, v30;
	v47 =	vmul.f32 v59, v31  }
0x26e: {  	v36 =	vsub.f32 v60, v23;
	v33 =	vmul.f32 v61, v61;
	v37 =	vmul.f32 v51, v51  }
0x26f: {  	v48 =	vmul.f32 v61, v32;
	v56 =	vmul.f32 v50, v30;
	v39 =	vadd.f32 v46, v47  }
0x270: {  	s5 =	simm.s32 $0x30;
	v34 =	vadd.f32 v34, v35;
	v57 =	vmul.f32 v51, v31;
	v35 =	vmul.f32 v50, v50  }
0x271: {  	v60 =	vld [tilespmem:s5+$0x2420];
	v53 =	vmul.f32 v36, v36;
	v58 =	vsub.f32 v49, v23;
	v44 =	vadd.f32 v48, v39  }
0x272: {  	v36 =	vmul.f32 v36, v32;
	v38 =	vsub.f32 v52, v17;
	v62 =	vsub.f32 v55, v18  }
0x273: {  	v52 =	vld [tilespmem:s5+$0x1C20];
	v33 =	vadd.f32 v33, v34;
	v59 =	vadd.f32 v56, v57;
	v54 =	vmul.f32 v44, v44  }
0x274: {  	v35 =	vadd.f32 v35, v37;
	v63 =	vmul.f32 v38, v38;
	v55 =	vmul.f32 v62, v30  }
0x275: {  	v38 =	vmul.f32 v38, v31;
	v37 =	vmul.f32 v62, v62;
	v33 =	vsub.f32 v33, v54  }
0x276: {  	v61 =	vld [tilespmem:s5+$0x2020];
	v42 =	vmul.f32 v58, v58;
	v34 =	vmul.f32 v58, v32;
	v56 =	vsub.f32 v60, v23  }
0x277: {  	v38 =	vadd.f32 v55, v38;
	v37 =	vadd.f32 v37, v63;
	v46 =	vmax.f32 v33, $1.000000000e-30  }
0x278: {  	v45 =	vsub.f32 v52, v17;
	v41 =	vmul.f32 $5.000000000e-01, v46;
	v54 =	vshrl.u32 v46, $0x1  }
0x279: {  	v34 =	vadd.f32 v34, v38;
	v37 =	vadd.f32 v42, v37;
	v47 =	vsub.s32 $0x5F3759DF, v54  }
0x27a: {  	v60 =	vmul.f32 v45, v45;
	v33 =	vadd.f32 v36, v59;
	v57 =	vmul.f32 v47, v41  }
0x27b: {  	v45 =	vmul.f32 v45, v31;
	v62 =	vmul.f32 v34, v34;
	v36 =	vsub.f32 v61, v18  }
0x27c: {  	s5 =	simm.s32 $0x40;
	v35 =	vadd.f32 v53, v35;
	v53 =	vmul.f32 v33, v33;
	v43 =	vmul.f32 v47, v57  }
0x27d: {  	v61 =	vld [tilespmem:s5+$0x1C20];
	v37 =	vsub.f32 v37, v62;
	v63 =	vmul.f32 v36, v36;
	v36 =	vmul.f32 v36, v30  }
0x27e: {  	v58 =	vld [tilespmem:s5+$0x2420];
	v48 =	vmul.f32 v56, v56;
	v35 =	vsub.f32 v35, v53;
	v43 =	vsub.f32 $1.500000000e+00, v43  }
0x27f: {  	v39 =	vmul.f32 v56, v32;
	v59 =	vld [tilespmem:s5+$0x2020];
	v37 =	vmax.f32 v37, $1.000000000e-30;
	v36 =	vadd.f32 v36, v45  }
0x280: {  	s5 =	simm.s32 $0x50;
	v40 =	vadd.f32 v63, v60;
	v35 =	vmax.f32 v35, $1.000000000e-30;
	v47 =	vmul.f32 v47, v43  }
0x281: {  	v54 =	vld [tilespmem:s5+$0x2420];
	v38 =	vmul.f32 $5.000000000e-01, v37;
	v52 =	vmul.f32 $5.000000000e-01, v35;
	v56 =	vshrl.u32 v35, $0x1  }
0x282: {  	v50 =	vsub.f32 v61, v17;
	v49 =	vsub.s32 $0x5F3759DF, v56;
	v43 =	vmul.f32 v47, v41  }
0x283: {  	v57 =	vsub.f32 v58, v23;
	v36 =	vadd.f32 v39, v36;
	v58 =	vmul.f32 v49, v52  }
0x284: {  	v53 =	vsub.f32 v59, v18;
	v45 =	vmul.f32 v50, v50;
	v59 =	vmul.f32 v43, v47  }
0x285: {  	v40 =	vadd.f32 v48, v40;
	v63 =	vmul.f32 v36, v36;
	v60 =	vmul.f32 v49, v58  }
0x286: {  	v48 =	vmul.f32 v53, v53;
	v51 =	vsub.f32 v54, v23;
	v61 =	vsub.f32 $1.500000000e+00, v59  }
0x287: {  	v55 =	vld [tilespmem:s5+$0x2020];
	v40 =	vsub.f32 v40, v63;
	v63 =	vmul.f32 v50, v31;
	v62 =	vsub.f32 $1.500000000e+00, v60  }
0x288: {  	v56 =	vld [tilespmem:s5+$0x1C20];
	v50 =	vmul.f32 v51, v51;
	v47 =	vmul.f32 v61, v47  }
0x289: {  	v41 =	vmul.f32 v57, v57;
	v40 =	vmax.f32 v40, $1.000000000e-30;
	v39 =	vmul.f32 v49, v62  }
0x28a: {  	v43 =	vmul.f32 v57, v32;
	v60 =	vshrl.u32 v37, $0x1;
	v46 =	vmul.f32 v47, v46  }
0x28b: {  	v42 =	vsub.s32 $0x5F3759DF, v60;
	v61 =	vmul.f32 v53, v30;
	v62 =	vmul.f32 v39, v52  }
0x28c: {  	v52 =	vmul.f32 v42, v38;
	v47 =	vsub.f32 v55, v18;
	v44 =	vmul.f32 v46, v44  }
0x28d: {  	s4 =	simm.s32 $0x180;
	v53 =	vadd.f32 v61, v63;
	v49 =	vmul.f32 v62, v39;
	v46 =	vsub.f32 v56, v17  }
.LBB2_8:
0x28e: {  	s5 =	sshra.s32 s4, $0x2;
	p1 =	sne.s32 s4, $0xFC0;
	s4 =	sadd.s32 $0x40, s4;
	v48 =	vadd.f32 v48, v45;
	v52 =	vmul.f32 v42, v52;
	v26 =	vadd.f32 v44, v26  }
0x28f: {  	v44 =	vld [tilespmem:s5+$0x2420];
	v54 =	vadd.f32 v43, v53;
	v43 =	vmul.f32 v51, v32;
	v49 =	vsub.f32 $1.500000000e+00, v49  }
0x290: {  	v45 =	vmul.f32 v46, v46;
	v55 =	vmul.f32 $5.000000000e-01, v40;
	v53 =	vld [tilespmem:s5+$0x2020];
	v51 =	vsub.f32 $1.500000000e+00, v52  }
0x291: {  	v56 =	vadd.f32 v41, v48;
	v41 =	vmovc v50;
	v52 =	vld [tilespmem:s5+$0x1C20];
	v57 =	vmul.f32 v54, v54;
	v49 =	vmul.f32 v49, v39  }
0x292: {  	v48 =	vmul.f32 v47, v47;
	v50 =	vshrl.u32 v40, $0x1;
	v39 =	vmul.f32 v42, v51  }
.Ltmp3:
0x293: {  	v58 =	vmul.f32 v47, v30;
	v56 =	vsub.f32 v56, v57;
	v49 =	vmul.f32 v49, v35;
	v35 =	vmovc v37;
	(pc) =	sbr.rel @p1 .LBB2_8-.Ltmp3, $4  }
0x294: {  	v42 =	vsub.s32 $0x5F3759DF, v50;
	v37 =	vmovc v40;
	v51 =	vsub.f32 v44, v23;
	v57 =	vmul.f32 v39, v38;
	v38 =	vmovc v55  }
0x295: {  	v40 =	vmul.f32 v46, v31;
	v47 =	vsub.f32 v53, v18;
	v44 =	vmul.f32 v49, v33;
	v33 =	vmovc v34  }
0x296: {  	v34 =	vmovc v36;
	v46 =	vsub.f32 v52, v17;
	v50 =	vmul.f32 v51, v51;
	v52 =	vmul.f32 v42, v38  }
0x297: {  	v53 =	vadd.f32 v58, v40;
	v40 =	vmax.f32 v56, $1.000000000e-30;
	v36 =	vmovc v54;
	v49 =	vmul.f32 v57, v39  }
0x298: {  	v54 =	vmul.f32 v47, v30;
	v55 =	vmul.f32 v46, v31  }
0x299: {  	v45 =	vadd.f32 v48, v45;
	v61 =	vmul.f32 v51, v32;
	v62 =	vmul.f32 v46, v46  }
0x29a: {  	v63 =	vmul.f32 v47, v47;
	v43 =	vadd.f32 v43, v53;
	v56 =	vadd.f32 v54, v55  }
0x29b: {  	v58 =	vshrl.u32 v40, $0x1;
	v41 =	vadd.f32 v41, v45  }
0x29c: {  	v46 =	vadd.f32 v63, v62;
	v57 =	vmul.f32 v43, v43;
	v47 =	vadd.f32 v61, v56  }
0x29d: {  	v48 =	vmul.f32 $5.000000000e-01, v40;
	v51 =	vsub.s32 $0x5F3759DF, v58  }
0x29e: {  	v59 =	vadd.f32 v50, v46;
	v41 =	vsub.f32 v41, v57;
	v60 =	vmul.f32 v47, v47  }
0x29f: {  	v62 =	vmul.f32 v51, v48  }
0x2a0: {  	v61 =	vmul.f32 v42, v52;
	v41 =	vmax.f32 v41, $1.000000000e-30;
	v45 =	vsub.f32 v59, v60  }
0x2a1: {  	v52 =	vmul.f32 v51, v62;
	v50 =	vmul.f32 $5.000000000e-01, v41;
	v60 =	vshrl.u32 v41, $0x1  }
0x2a2: {  	v63 =	vsub.f32 $1.500000000e+00, v61;
	v53 =	vsub.s32 $0x5F3759DF, v60;
	v45 =	vmax.f32 v45, $1.000000000e-30  }
0x2a3: {  	v61 =	vmul.f32 v53, v50;
	v55 =	vmul.f32 $5.000000000e-01, v45;
	v56 =	vshrl.u32 v45, $0x1  }
0x2a4: {  	v62 =	vsub.f32 $1.500000000e+00, v52;
	v42 =	vmul.f32 v42, v63;
	v63 =	vsub.s32 $0x5F3759DF, v56  }
0x2a5: {  	v54 =	vmul.f32 v53, v61;
	v56 =	vmul.f32 v63, v55  }
0x2a6: {  	v46 =	vmul.f32 v51, v62;
	v38 =	vmul.f32 v42, v38  }
0x2a7: {  	v57 =	vsub.f32 $1.500000000e+00, v54;
	v58 =	vmul.f32 v63, v56  }
0x2a8: {  	v49 =	vsub.f32 $1.500000000e+00, v49;
	v48 =	vmul.f32 v46, v48;
	v38 =	vmul.f32 v38, v42  }
0x2a9: {  	v51 =	vmul.f32 v53, v57;
	v59 =	vsub.f32 $1.500000000e+00, v58  }
0x2aa: {  	v39 =	vmul.f32 v49, v39;
	v48 =	vmul.f32 v48, v46;
	v38 =	vsub.f32 $1.500000000e+00, v38  }
0x2ab: {  	v60 =	vmul.f32 v51, v50;
	v61 =	vmul.f32 v63, v59  }
0x2ac: {  	v35 =	vmul.f32 v39, v35;
	v62 =	vsub.f32 $1.500000000e+00, v48;
	v38 =	vmul.f32 v38, v42  }
0x2ad: {  	v63 =	vmul.f32 v60, v51;
	v52 =	vmul.f32 v61, v55  }
0x2ae: {  	v26 =	vadd.f32 v44, v26;
	v33 =	vmul.f32 v35, v33;
	v53 =	vmul.f32 v62, v46  }
0x2af: {  	v37 =	vmul.f32 v38, v37;
	v54 =	vsub.f32 $1.500000000e+00, v63;
	v55 =	vmul.f32 v52, v61  }
0x2b0: {  	v26 =	vadd.f32 v33, v26;
	v56 =	vmul.f32 v53, v40  }
0x2b1: {  	v34 =	vmul.f32 v37, v34;
	v57 =	vmul.f32 v54, v51;
	v58 =	vsub.f32 $1.500000000e+00, v55  }
0x2b2: {  	v33 =	vmul.f32 v56, v36  }
0x2b3: {  	v26 =	vadd.f32 v34, v26;
	v59 =	vmul.f32 v57, v41;
	v60 =	vmul.f32 v58, v61;
	_ =	sdelay $0x1  }
0x2b4: {  	v26 =	vadd.f32 v33, v26;
	v61 =	vmul.f32 v59, v43;
	v62 =	vmul.f32 v60, v45;
	_ =	sdelay $0x1  }
0x2b5: {  	v26 =	vadd.f32 v61, v26;
	v63 =	vmul.f32 v62, v47;
	_ =	sdelay $0x1  }
0x2b6: {  	v26 =	vadd.f32 v63, v26;
	_ =	sdelay $0x1  }
0x2b7: {  	v33 =	vperm.xlane v26, v0;
	_ =	sdelay $0x1  }
0x2b8: {  	v26 =	vadd.f32 v33, v26;
	_ =	sdelay $0x1  }
0x2b9: {  	v33 =	vperm.xlane v26, v1;
	_ =	sdelay $0x1  }
0x2ba: {  	v26 =	vadd.f32 v33, v26;
	_ =	sdelay $0x1  }
0x2bb: {  	v33 =	vperm.xlane v26, v2;
	_ =	sdelay $0x1  }
0x2bc: {  	v26 =	vadd.f32 v33, v26;
	_ =	sdelay $0x1  }
0x2bd: {  	v33 =	vperm.xlane v26, v6;
	_ =	sdelay $0x1  }
0x2be: {  	v26 =	vadd.f32 v33, v26;
	_ =	sdelay $0x1  }
0x2bf: {  	[tilespmem:$0x2820] =	vst v26  }
0x2c0: {  	[spmem:s14] =	stream.linear.scatter [tilespmem:s29], [sflag:$0x2], $0x10, $0x38;
	[tilespmem:$0x29A0] =	vst v63  }
0x2c1: {  	_ =	swait.ge [sflag:s24], $0x10  }
0x2c2: {  	[sflag:s24] =	ssyncset.done $0x0  }
0x2c3: {  	[sflag:s24] =	ssyncadd.s32 $0xFFFFFFF0  }
0x2c4: {  	[bflag:$0x0] =	sbarrier.arrive $0xFFFF  }
0x2c5: {  	v33 =	vmax.f32 @!p0 v27, v28;
	[tilespmem:s30], [sflag:$0x2] =	stream.linear.gather [spmem:s15], $0x10, $0x38;
	[tilespmem:$0x29A0] =	vst v63  }
0x2c6: {  	v33 =	vmax.f32 @!p0 v33, v29;
	_ =	swait.ge [sflag:s24], $0x10  }
0x2c7: {  	(erf) = vrcp.f32 @!p0 v33;
	_ =	sdelay $0x1  }
0x2c8: {  	v34 =	vadd.f32 @!p0 v28, v27;
	_ =	sdelay $0x1  }
0x2c9: {  	v34 =	vadd.f32 @!p0 v34, v29;
	[sflag:s24] =	ssyncset.done $0x0  }
0x2ca: {  	[sflag:s24] =	ssyncadd.s32 $0xFFFFFFF0  }
0x2cb: {  	v27 =	vmin.f32 @!p0 v27, v28;
	v33 =	vsub.f32 @!p0 v34, v33;
	v28 =	vld @!p0 [tilespmem:$0x28A0]  }
0x2cc: {  	v27 =	vmin.f32 @!p0 v27, v29  }
0x2cd: {  	v17 =	vsel @!p0 vm0, v17, v18;
	vm9 =	vmmov @!p0 $0x3;
	v27 =	vsub.f32 @!p0 v33, v27  }
0x2ce: {  	v17 =	vsel @!p0 vm9, v17, v23;
	v29 =	vpop @!p0 (erf)  }
0x2cf: {  	vm9 =	vmmov @!p0 $0x7;
	v27 =	vmul.f32 @!p0 v27, v29;
	v21 =	vmul.f32 @!p0 v29, v21  }
0x2d0: {  	v26 =	vadd.f32 @!p0 v28, v26;
	v18 =	vmul.f32 @!p0 v29, v19;
	v19 =	vmul.f32 @!p0 v29, v25  }
0x2d1: {  	v20 =	vmul.f32 @!p0 v29, v20;
	v17 =	vsel @!p0 vm9, v17, v21;
	vm9 =	vmmov @!p0 $0xf  }
0x2d2: {  	v27 =	vsub.f32 @!p0 $1.000000000e+00, v27;
	v17 =	vsel @!p0 vm9, v17, v18;
	vm9 =	vmmov @!p0 $0x1f  }
0x2d3: {  	v22 =	vmul.f32 @!p0 v29, v22;
	v17 =	vsel @!p0 vm9, v17, v19;
	vm9 =	vmmov @!p0 $0x3f  }
0x2d4: {  	v21 =	vsub.f32 @!p0 $0.0e+00, v27;
	v17 =	vsel @!p0 vm9, v17, v18;
	vm9 =	vmmov @!p0 $0x7f  }
0x2d5: {  	vm10 =	vlt.f32 @!p0 v26, $0.0e+00;
	v17 =	vsel @!p0 vm9, v17, v20;
	vm9 =	vmmov @!p0 $0xff  }
0x2d6: {  	v18 =	vsel @!p0 vm10, v21, v27;
	v17 =	vsel @!p0 vm9, v17, v22;
	vm9 =	vmmov @!p0 $0x1ff  }
0x2d7: {  	v20 =	vmul.f32 @!p0 v29, v24;
	v17 =	vsel @!p0 vm9, v17, v19;
	vm9 =	vmmov @!p0 $0x3ff  }
0x2d8: {  	v19 =	vmul.f32 @!p0 v18, v31;
	v17 =	vsel @!p0 vm9, v17, v22;
	vm9 =	vmmov @!p0 $0x7ff  }
0x2d9: {  	v21 =	vmul.f32 @!p0 v18, v30;
	v17 =	vsel @!p0 vm9, v17, v20;
	vm9 =	vmmov @!p0 $0xfff  }
0x2da: {  	v18 =	vmul.f32 @!p0 v18, v32;
	v17 =	vsel @!p0 vm9, v17, v19;
	vm9 =	vmmov @!p0 $0x1fff  }
0x2db: {  	v17 =	vsel @!p0 vm9, v17, v21;
	vm9 =	vmmov @!p0 $0x3fff  }
0x2dc: {  	s0 =	sadd.s32 $0x1, s0;
	v17 =	vsel @!p0 vm9, v17, v18;
	vm9 =	veq.s32 @!p0 v16, $0xF  }
0x2dd: {  	p1 =	sne.s32 s0, s17;
	v17 =	vsel @!p0 vm9, $0x45000000, v17  }
.Ltmp4:
0x2de: {  	s4 =	simm.s32 @!p0 $0x0;
	[tilespmem:$0x2920] =	vst @!p0 v17;
	(pc) =	sbr.rel @p1 .LBB2_1-.Ltmp4, $4  }
0x2df: {  	[hbm4b:s16+s4] =	stream.linear.scatter @!p0 [tilespmem:s31], [sflag:$0x2], $0x10, $0x38;
	[tilespmem:$0x29A0] =	vst v63  }
0x2e0: {  	_ =	swait.ge @!p0 [sflag:s24], $0x10  }
0x2e1: {  	[sflag:s24] =	ssyncset.done @!p0 $0x0  }
0x2e2: {  	[sflag:s24] =	ssyncadd.s32 @!p0 $0xFFFFFFF0  }
0x2e3: {  	_ =	sfence.sel $0x180000  }
0x2e4: {  	[bflag:$0x0] =	sbarrier.arrive $0xFFFF  }
0x2e5: {  	_ =	strace $0x90000047  }
0x2e6: {  	s0 =	stileid.u32;
	[bflag:$0x2] =	sbarrier.arrive $0xFFFF  }
0x2e7: {  	p0 =	sne.s32 s0, $0x0;
	s0 =	rddreg [dreg:$0x7]  }
0x2e8: {  	s0 =	sadd.s32 @!p0 $0x100000, s0  }
0x2e9: {  	[sflag:s0] =	ssyncadd.tile.s32 @!p0 $0x1;
	_ =	shalt  }
.Lfunc_end2:
_tile_overlayer_lowered:
.L_overlay_start_2:
0x2ea: {  	(tag) =	ssettag $0x2  }
0x2eb: {  	s0 =	rddreg [dreg:$0x0];
	s2 =	stileid.u32  }
0x2ec: {  	s1 =	rddreg [dreg:$0x1];
	p0 =	sne.s32 s2, $0x0  }
0x2ed: {  	s3 =	rddreg [dreg:$0x2];
	[bflag:$0x3] =	sbarrier.arrive $0xFFFF;
	s2 =	simm.s32 @!p0 $0x1C02  }
0x2ee: {  	[timem:s3], [sflag:s2] =	dma.local @!p0 [hbm:s0], s1  }
0x2ef: {  	s0 =	simm.s32 @!p0 $0x2  }
0x2f0: {  	_ =	swait.ge @!p0 [sflag:s0], s1  }
0x2f1: {  	s1 =	ssub.s32 @!p0 $0x0, s1;
	[sflag:s0] =	ssyncset.done @!p0 $0x0  }
0x2f2: {  	[sflag:s0] =	ssyncadd.s32 @!p0 s1  }
0x2f3: {  	[bflag:$0x3] =	sbarrier.arrive $0xFFFF  }
0x2f4: {  	_ =	shalt  }

</sc_bundles>
